<compile_context>
chip_gen: v7x
topology: tpu7x:2x2x1
jax: 0.10.2.dev20260603
libtpu: 0.0.44.dev20260713+nightly
codegen_flags: <defaults>
</compile_context>

<pallas_src>
import functools

import jax
import jax.numpy as jnp
from jax import lax
from jax.experimental import pallas as pl
from jax.experimental.pallas import tpu as pltpu
from jax.experimental.pallas import tpu_sc as plsc

_NC = 2
_NS = 16
_CH = 128


def _sc_degree(nch, NPAD):
    rpt = NPAD // _NS
    mesh = plsc.VectorSubcoreMesh(core_axis_name="c", subcore_axis_name="s")

    @functools.partial(
        pl.kernel, mesh=mesh,
        out_type=jax.ShapeDtypeStruct((_NC, NPAD), jnp.float32),
        scratch_types=[
            pltpu.VMEM((nch, _CH), jnp.int32),
            pltpu.VMEM((_CH,), jnp.float32),
            pltpu.VMEM((rpt,), jnp.float32),
            pltpu.VMEM_SHARED((NPAD,), jnp.float32),
        ],
    )
    def k(dst_hbm, out_hbm, didx_v, ones_v, zero_v, acc_sh):
        c = lax.axis_index("c")
        s = lax.axis_index("s")
        w = c * _NS + s

        for i in range(_CH // 16):
            ones_v[pl.ds(i * 16, 16)] = jnp.ones((16,), jnp.float32)

        def zb(i, _):
            zero_v[pl.ds(i * 16, 16)] = jnp.zeros((16,), jnp.float32)
            return 0
        lax.fori_loop(0, rpt // 16, zb, 0)

        pltpu.sync_copy(zero_v, acc_sh.at[pl.ds(s * rpt, rpt)])
        pltpu.sync_copy(dst_hbm.at[w], didx_v)
        plsc.subcore_barrier()

        def body(j, _):
            pltpu.sync_copy(ones_v, acc_sh.at[didx_v.at[j]], add=True)
            return 0
        lax.fori_loop(0, nch, body, 0)

        plsc.subcore_barrier()
        pltpu.sync_copy(acc_sh.at[pl.ds(s * rpt, rpt)],
                        out_hbm.at[c, pl.ds(s * rpt, rpt)])

    return k


def _sc_aggregate(nch, NPAD, DH):
    rpt = NPAD // _NS
    nzc = rpt // _CH
    mesh = plsc.VectorSubcoreMesh(core_axis_name="c", subcore_axis_name="s")

    @functools.partial(
        pl.kernel, mesh=mesh,
        compiler_params=pltpu.CompilerParams(use_tc_tiling_on_sc=False),
        out_type=jax.ShapeDtypeStruct((_NC, NPAD, DH), jnp.float32),
        scratch_types=[
            pltpu.VMEM((nch, _CH), jnp.int32),
            pltpu.VMEM((nch, _CH), jnp.int32),
            pltpu.VMEM((_CH, DH), jnp.float32),
            pltpu.VMEM((_CH, DH), jnp.float32),
            pltpu.VMEM((_CH, DH), jnp.float32),
            pltpu.VMEM((_CH, DH), jnp.float32),
            pltpu.VMEM((_CH, DH), jnp.float32),
            pltpu.VMEM_SHARED((NPAD, DH), jnp.float32),
            pltpu.SemaphoreType.DMA,
            pltpu.SemaphoreType.DMA,
            pltpu.SemaphoreType.DMA,
            pltpu.SemaphoreType.DMA,
        ],
    )
    def k(src_hbm, dst_hbm, g_hbm, out_hbm, sidx_v, didx_v, rows0_v, rows1_v,
          rows2_v, rows3_v, zrow_v, acc_sh, sem0, sem1, sem2, sem3):
        c = lax.axis_index("c")
        s = lax.axis_index("s")

        def zb(r, _):
            for i in range(DH // 16):
                zrow_v[r, pl.ds(i * 16, 16)] = jnp.zeros((16,), jnp.float32)
            return 0
        lax.fori_loop(0, _CH, zb, 0)

        for i in range(nzc):
            pltpu.sync_copy(
                zrow_v, acc_sh.at[pl.ds(s * rpt + i * _CH, _CH)])

        pltpu.sync_copy(src_hbm.at[s], sidx_v)
        pltpu.sync_copy(dst_hbm.at[s], didx_v)
        plsc.subcore_barrier()

        gsrc = g_hbm.at[c]
        bufs = ((rows0_v, sem0), (rows1_v, sem1), (rows2_v, sem2),
                (rows3_v, sem3))
        for b, (rv, sm) in enumerate(bufs):
            pltpu.async_copy(gsrc.at[sidx_v.at[b]], rv, sm)

        def body(i, _):
            for b, (rv, sm) in enumerate(bufs):
                j = 4 * i + b
                pltpu.make_async_copy(gsrc.at[sidx_v.at[j]], rv, sm).wait()
                pltpu.sync_copy(rv, acc_sh.at[didx_v.at[j]], add=True)

                @pl.when(j + 4 < nch)
                def _():
                    pltpu.async_copy(gsrc.at[sidx_v.at[j + 4]], rv, sm)
            return 0
        lax.fori_loop(0, nch // 4, body, 0)

        plsc.subcore_barrier()
        for i in range(nzc):
            r0 = s * rpt + i * _CH
            pltpu.sync_copy(acc_sh.at[pl.ds(r0, _CH)],
                            out_hbm.at[c, pl.ds(r0, _CH)])

    return k


def _tc_lin_in(N, D, C):
    DH = D // 2

    def body(x_ref, w_ref, b_ref, dp_ref, o_ref):
        h = jnp.dot(x_ref[...], w_ref[...],
                    preferred_element_type=jnp.float32) + b_ref[...]
        dinv = lax.rsqrt(dp_ref[0] + dp_ref[1] + 1.0)
        g = h * dinv
        o_ref[0] = g[:, :DH]
        o_ref[1] = g[:, DH:]

    return pl.pallas_call(
        body,
        grid=(N // C,),
        in_specs=[
            pl.BlockSpec((C, D), lambda i: (i, 0)),
            pl.BlockSpec((D, D), lambda i: (0, 0)),
            pl.BlockSpec((1, D), lambda i: (0, 0)),
            pl.BlockSpec((2, C, 1), lambda i: (0, i, 0)),
        ],
        out_specs=pl.BlockSpec((2, C, DH), lambda i: (0, i, 0)),
        out_shape=jax.ShapeDtypeStruct((2, N, DH), jnp.float32),
    )


def _tc_gcn_mid(N, D, C):
    DH = D // 2

    def body(p_ref, g_ref, dp_ref, w_ref, b_ref, o_ref):
        dinv = lax.rsqrt(dp_ref[0] + dp_ref[1] + 1.0)
        sg = jnp.concatenate([p_ref[0] + g_ref[0], p_ref[1] + g_ref[1]],
                             axis=1)
        a = sg * dinv
        h = jnp.dot(a, w_ref[...], preferred_element_type=jnp.float32)
        h = jnp.maximum(h + b_ref[...], 0.0)
        g = h * dinv
        o_ref[0] = g[:, :DH]
        o_ref[1] = g[:, DH:]

    return pl.pallas_call(
        body,
        grid=(N // C,),
        in_specs=[
            pl.BlockSpec((2, C, DH), lambda i: (0, i, 0)),
            pl.BlockSpec((2, C, DH), lambda i: (0, i, 0)),
            pl.BlockSpec((2, C, 1), lambda i: (0, i, 0)),
            pl.BlockSpec((D, D), lambda i: (0, 0)),
            pl.BlockSpec((1, D), lambda i: (0, 0)),
        ],
        out_specs=pl.BlockSpec((2, C, DH), lambda i: (0, i, 0)),
        out_shape=jax.ShapeDtypeStruct((2, N, DH), jnp.float32),
    )


def _tc_gcn_pool_head(N, D, C, G):
    nblk = N // C
    DH = D // 2

    def body(p_ref, g_ref, dp_ref, w_ref, b_ref, bt_ref, wo_ref, bo_ref,
             o_ref, pooled, cnt):
        i = pl.program_id(0)
        dinv = lax.rsqrt(dp_ref[0] + dp_ref[1] + 1.0)
        sg = jnp.concatenate([p_ref[0] + g_ref[0], p_ref[1] + g_ref[1]],
                             axis=1)
        a = sg * dinv
        h = jnp.dot(a, w_ref[...], preferred_element_type=jnp.float32)
        h = jnp.maximum(h + b_ref[...], 0.0)

        iota = lax.broadcasted_iota(jnp.int32, (C, G), 1)
        maskT = (bt_ref[...] == iota).astype(jnp.float32)
        pblk = lax.dot_general(maskT, h, (((0,), (0,)), ((), ())),
                               preferred_element_type=jnp.float32)
        ones = jnp.ones((C, 1), jnp.float32)
        cblk = lax.dot_general(maskT, ones, (((0,), (0,)), ((), ())),
                               preferred_element_type=jnp.float32)

        @pl.when(i == 0)
        def _():
            pooled[...] = pblk
            cnt[...] = cblk

        @pl.when(i > 0)
        def _():
            pooled[...] += pblk
            cnt[...] += cblk

        @pl.when(i == nblk - 1)
        def _():
            mean = pooled[...] / jnp.maximum(cnt[...], 1.0)
            o_ref[...] = jnp.dot(mean, wo_ref[...],
                                 preferred_element_type=jnp.float32) + bo_ref[...]

    return pl.pallas_call(
        body,
        grid=(nblk,),
        in_specs=[
            pl.BlockSpec((2, C, DH), lambda i: (0, i, 0)),
            pl.BlockSpec((2, C, DH), lambda i: (0, i, 0)),
            pl.BlockSpec((2, C, 1), lambda i: (0, i, 0)),
            pl.BlockSpec((D, D), lambda i: (0, 0)),
            pl.BlockSpec((1, D), lambda i: (0, 0)),
            pl.BlockSpec((C, 1), lambda i: (i, 0)),
            pl.BlockSpec((D, 1), lambda i: (0, 0)),
            pl.BlockSpec((1, 1), lambda i: (0, 0)),
        ],
        out_specs=pl.BlockSpec((G, 1), lambda i: (0, 0)),
        out_shape=jax.ShapeDtypeStruct((G, 1), jnp.float32),
        scratch_shapes=[
            pltpu.VMEM((G, D), jnp.float32),
            pltpu.VMEM((G, 1), jnp.float32),
        ],
    )


def kernel(x, edge_index, batch, W_in, b_in, W1, b1, W2, b2, W_out, b_out):
    N, D = x.shape
    E = edge_index.shape[1]
    G = 64
    C = 1000
    DH = D // 2
    NPAD = -(-(N + 1) // (_NS * _CH)) * (_NS * _CH)

    nch = -(-E // (_NS * _CH))
    nch += (-nch) % 4
    padn = _NS * nch * _CH - E
    src = edge_index[0]
    dst = edge_index[1]
    if padn:
        fill = jnp.arange(padn, dtype=jnp.int32)
        src = jnp.concatenate([src, fill % N])
        dst = jnp.concatenate([dst, N + fill % (NPAD - N)])
    src3 = src.reshape(_NS, nch, _CH)
    dst3 = dst.reshape(_NS, nch, _CH)
    nch_deg = nch // 2
    dst_deg = dst.reshape(_NC * _NS, nch_deg, _CH)

    degp = _sc_degree(nch_deg, NPAD)(dst_deg)
    dp = degp[:, :, None]

    g0 = _tc_lin_in(N, D, C)(x, W_in, b_in.reshape(1, D), dp)
    S = _sc_aggregate(nch, NPAD, DH)(src3, dst3, g0)
    g1 = _tc_gcn_mid(N, D, C)(S, g0, dp, W1, b1.reshape(1, D))
    S = _sc_aggregate(nch, NPAD, DH)(src3, dst3, g1)
    out = _tc_gcn_pool_head(N, D, C, G)(
        S, g1, dp, W2, b2.reshape(1, D), batch[:, None],
        W_out, b_out.reshape(1, 1))
    return out

# --- scband reference (transcript-rebuilt; emitter-appended) ---
"""Pipeline reference for scband-simple-gnn-68229850464790 (READ-ONLY COPY).

The authoritative reference and input builder live on the scoring server;
editing this copy changes nothing except your own understanding.
"""

import jax, jax.numpy as jnp
import numpy as np

N = 10000
E = 320000
D = 128
G = 64


def _gcn_conv(x, edge_index, W, b, n_nodes):
    # PyG-style GCNConv: add self-loops, symmetric normalization, sum aggregation
    src = edge_index[0]
    dst = edge_index[1]
    loop = jnp.arange(n_nodes, dtype=src.dtype)
    src = jnp.concatenate([src, loop])
    dst = jnp.concatenate([dst, loop])
    h = x @ W
    ones = jnp.ones(dst.shape[0], dtype=h.dtype)
    deg = jax.ops.segment_sum(ones, dst, num_segments=n_nodes)
    dinv = jnp.where(deg > 0, deg ** -0.5, 0.0)
    norm = dinv[src] * dinv[dst]
    msg = h[src] * norm[:, None]
    out = jax.ops.segment_sum(msg, dst, num_segments=n_nodes)
    return out + b


def setup_inputs(seed: int = 0) -> dict:
    key = jax.random.key(seed)
    ks = jax.random.split(key, 12)
    x = jax.random.normal(ks[0], (N, D), dtype=jnp.float32)
    edge_index = jax.random.randint(ks[1], (2, E), 0, N, dtype=jnp.int32)
    batch = jnp.sort(jax.random.randint(ks[2], (N,), 0, G, dtype=jnp.int32))
    s = 1.0 / np.sqrt(D)
    W_in = jax.random.uniform(ks[3], (D, D), jnp.float32, -s, s)
    b_in = jax.random.uniform(ks[4], (D,), jnp.float32, -s, s)
    W1 = jax.random.uniform(ks[5], (D, D), jnp.float32, -s, s)
    b1 = jax.random.uniform(ks[6], (D,), jnp.float32, -s, s)
    W2 = jax.random.uniform(ks[7], (D, D), jnp.float32, -s, s)
    b2 = jax.random.uniform(ks[8], (D,), jnp.float32, -s, s)
    W_out = jax.random.uniform(ks[9], (D, 1), jnp.float32, -s, s)
    b_out = jax.random.uniform(ks[10], (1,), jnp.float32, -s, s)
    return {"x": x, "edge_index": edge_index, "batch": batch,
            "W_in": W_in, "b_in": b_in, "W1": W1, "b1": b1,
            "W2": W2, "b2": b2, "W_out": W_out, "b_out": b_out}


def reference(x, edge_index, batch, W_in, b_in, W1, b1, W2, b2, W_out, b_out):
    # lin_in
    h = x @ W_in + b_in
    # GCN layer 1 + ReLU (dropout is identity in eval mode)
    h = _gcn_conv(h, edge_index, W1, b1, N)
    h = jax.nn.relu(h)
    # GCN layer 2 + ReLU
    h = _gcn_conv(h, edge_index, W2, b2, N)
    h = jax.nn.relu(h)
    # global mean pool over batch assignment
    counts = jax.ops.segment_sum(jnp.ones(N, dtype=h.dtype), batch, num_segments=G)
    pooled = jax.ops.segment_sum(h, batch, num_segments=G)
    pooled = pooled / jnp.maximum(counts, 1.0)[:, None]
    # output head
    return pooled @ W_out + b_out

if __name__ == "__main__":
    import jax
    _d = setup_inputs()
    print(jax.jit(kernel)(*tuple(_d.values())))

</pallas_src>

<mosaic_0001>
#map = affine_map<(d0, d1) -> (0, 0, 0)>
module attributes {stable_mosaic.version = 14 : i64} {
  func.func @k(%arg0: i32, %arg1: i32, %arg2: memref<16x160x128xi32, #tpu.memory_space<hbm>>, %arg3: memref<16x160x128xi32, #tpu.memory_space<hbm>>, %arg4: memref<2x10000x64xf32, #tpu.memory_space<hbm>>, %arg5: memref<2x10240x64xf32, #tpu.memory_space<hbm>>, %arg6: memref<160x128xi32, #tpu.memory_space<vmem>>, %arg7: memref<160x128xi32, #tpu.memory_space<vmem>>, %arg8: memref<128x64xf32, #tpu.memory_space<vmem>>, %arg9: memref<128x64xf32, #tpu.memory_space<vmem>>, %arg10: memref<128x64xf32, #tpu.memory_space<vmem>>, %arg11: memref<128x64xf32, #tpu.memory_space<vmem>>, %arg12: memref<128x64xf32, #tpu.memory_space<vmem>>, %arg13: memref<10240x64xf32, #tpu.memory_space<vmem_shared>>, %arg14: memref<!tpu.dma_semaphore, #tpu.memory_space<semaphore_mem>>, %arg15: memref<!tpu.dma_semaphore, #tpu.memory_space<semaphore_mem>>, %arg16: memref<!tpu.dma_semaphore, #tpu.memory_space<semaphore_mem>>, %arg17: memref<!tpu.dma_semaphore, #tpu.memory_space<semaphore_mem>>) attributes {dimension_semantics = [#tpu.dimension_semantics<core_parallel>, #tpu.dimension_semantics<subcore_parallel>], iteration_bounds = array<i64: 2, 16>, scalar_prefetch = 0 : i64, scratch_operands = 12 : i64, tpu.core_type = #tpu.core_type<sc_vector_subcore>, window_params = [{transform_indices = #map}, {transform_indices = #map}, {transform_indices = #map}, {transform_indices = #map}]} {
    %scan3A = arith.constant 0 : i32
    %scan3A_0 = arith.constant 0 : i32
    %scan3A_1 = arith.constant 128 : i32
    %scan3A_2 = arith.addi %scan3A_0, %scan3A_1 : i32
    %scan3A_3 = arith.constant 1 : i32
    %scan3A_4 = scf.for %scan3A_95 = %scan3A_0 to %scan3A_2 step %scan3A_3 iter_args(%scan3A_96 = %scan3A) -> (i32)  : i32 {
      %broadcast_in_dim3A = arith.constant 0.000000e+00 : f32
      %broadcast_in_dim3A_97 = vector.broadcast %broadcast_in_dim3A : f32 to vector<16xf32>
      %swap3A = arith.index_cast %scan3A_95 : i32 to index
      %swap3A_98 = arith.constant 0 : index
      %swap3A_99 = tpu.vector_load %arg12[%swap3A, %swap3A_98] {strides = array<i32>} : memref<128x64xf32, #tpu.memory_space<vmem>>, vector<1x16xf32>,
      %swap3A_100 = vector.shape_cast %swap3A_99 : vector<1x16xf32> to vector<16xf32>
      %swap3A_101 = vector.shape_cast %broadcast_in_dim3A_97 : vector<16xf32> to vector<1x16xf32>
      tpu.vector_store %arg12[%swap3A, %swap3A_98], %swap3A_101 {strides = array<i32>} : memref<128x64xf32, #tpu.memory_space<vmem>>, vector<1x16xf32>,
      %broadcast_in_dim3A_102 = arith.constant 0.000000e+00 : f32
      %broadcast_in_dim3A_103 = vector.broadcast %broadcast_in_dim3A_102 : f32 to vector<16xf32>
      %swap3A_104 = arith.index_cast %scan3A_95 : i32 to index
      %swap3A_105 = arith.constant 16 : index
      %swap3A_106 = tpu.vector_load %arg12[%swap3A_104, %swap3A_105] {strides = array<i32>} : memref<128x64xf32, #tpu.memory_space<vmem>>, vector<1x16xf32>,
      %swap3A_107 = vector.shape_cast %swap3A_106 : vector<1x16xf32> to vector<16xf32>
      %swap3A_108 = vector.shape_cast %broadcast_in_dim3A_103 : vector<16xf32> to vector<1x16xf32>
      tpu.vector_store %arg12[%swap3A_104, %swap3A_105], %swap3A_108 {strides = array<i32>} : memref<128x64xf32, #tpu.memory_space<vmem>>, vector<1x16xf32>,
      %broadcast_in_dim3A_109 = arith.constant 0.000000e+00 : f32
      %broadcast_in_dim3A_110 = vector.broadcast %broadcast_in_dim3A_109 : f32 to vector<16xf32>
      %swap3A_111 = arith.index_cast %scan3A_95 : i32 to index
      %swap3A_112 = arith.constant 32 : index
      %swap3A_113 = tpu.vector_load %arg12[%swap3A_111, %swap3A_112] {strides = array<i32>} : memref<128x64xf32, #tpu.memory_space<vmem>>, vector<1x16xf32>,
      %swap3A_114 = vector.shape_cast %swap3A_113 : vector<1x16xf32> to vector<16xf32>
      %swap3A_115 = vector.shape_cast %broadcast_in_dim3A_110 : vector<16xf32> to vector<1x16xf32>
      tpu.vector_store %arg12[%swap3A_111, %swap3A_112], %swap3A_115 {strides = array<i32>} : memref<128x64xf32, #tpu.memory_space<vmem>>, vector<1x16xf32>,
      %broadcast_in_dim3A_116 = arith.constant 0.000000e+00 : f32
      %broadcast_in_dim3A_117 = vector.broadcast %broadcast_in_dim3A_116 : f32 to vector<16xf32>
      %swap3A_118 = arith.index_cast %scan3A_95 : i32 to index
      %swap3A_119 = arith.constant 48 : index
      %swap3A_120 = tpu.vector_load %arg12[%swap3A_118, %swap3A_119] {strides = array<i32>} : memref<128x64xf32, #tpu.memory_space<vmem>>, vector<1x16xf32>,
      %swap3A_121 = vector.shape_cast %swap3A_120 : vector<1x16xf32> to vector<16xf32>
      %swap3A_122 = vector.shape_cast %broadcast_in_dim3A_117 : vector<16xf32> to vector<1x16xf32>
      tpu.vector_store %arg12[%swap3A_118, %swap3A_119], %swap3A_122 {strides = array<i32>} : memref<128x64xf32, #tpu.memory_space<vmem>>, vector<1x16xf32>,
      %scan3A_123 = arith.constant 0 : i32
      scf.yield %scan3A_123 : i32
    }
    %scan3A_5 = arith.constant 128 : i32
    %mul3A = arith.constant 640 : i32
    %mul3A_6 = arith.muli %arg1, %mul3A : i32
    %add3A = arith.constant 0 : i32
    %add3A_7 = arith.addi %mul3A_6, %add3A : i32
    "tpu.region"() ({
      %run_scoped3A = tpu.sem_alloc : memref<!tpu.dma_semaphore, #tpu.memory_space<semaphore_mem>>
      %dma_start3A_95 = arith.constant 0 : i32
      %dma_start3A_96 = tpu.memref_slice %arg13[%add3A_7, %dma_start3A_95] : memref<10240x64xf32, #tpu.memory_space<vmem_shared>> -> memref<128x64xf32, #tpu.memory_space<vmem_shared>>
      %dma_start3A_97 = arith.constant 0 : i32
      %dma_start3A_98 = tpu.memref_slice %arg13[%add3A_7, %dma_start3A_97] : memref<10240x64xf32, #tpu.memory_space<vmem_shared>> -> memref<128x64xf32, #tpu.memory_space<vmem_shared>>
      tpu.enqueue_dma source(%arg12 : memref<128x64xf32, #tpu.memory_space<vmem>>) target(%dma_start3A_98 : memref<128x64xf32, #tpu.memory_space<vmem_shared>>) target_semaphore(%run_scoped3A : memref<!tpu.dma_semaphore, #tpu.memory_space<semaphore_mem>>)
      %dma_wait3A = arith.constant 0 : i32
      %dma_wait3A_99 = tpu.memref_slice %arg13[%add3A_7, %dma_wait3A] : memref<10240x64xf32, #tpu.memory_space<vmem_shared>> -> memref<128x64xf32, #tpu.memory_space<vmem_shared>>
      %dma_wait3A_100 = arith.constant 0 : i32
      %dma_wait3A_101 = tpu.memref_slice %arg13[%add3A_7, %dma_wait3A_100] : memref<10240x64xf32, #tpu.memory_space<vmem_shared>> -> memref<128x64xf32, #tpu.memory_space<vmem_shared>>
      tpu.wait_dma2 semaphore(%run_scoped3A : memref<!tpu.dma_semaphore, #tpu.memory_space<semaphore_mem>>) src(%arg12 : memref<128x64xf32, #tpu.memory_space<vmem>>) dst(%dma_wait3A_101 : memref<128x64xf32, #tpu.memory_space<vmem_shared>>)
      tpu.yield
    }) : () -> ()
    %mul3A_8 = arith.constant 640 : i32
    %mul3A_9 = arith.muli %arg1, %mul3A_8 : i32
    %add3A_10 = arith.constant 128 : i32
    %add3A_11 = arith.addi %mul3A_9, %add3A_10 : i32
    "tpu.region"() ({
      %run_scoped3A = tpu.sem_alloc : memref<!tpu.dma_semaphore, #tpu.memory_space<semaphore_mem>>
      %dma_start3A_95 = arith.constant 0 : i32
      %dma_start3A_96 = tpu.memref_slice %arg13[%add3A_11, %dma_start3A_95] : memref<10240x64xf32, #tpu.memory_space<vmem_shared>> -> memref<128x64xf32, #tpu.memory_space<vmem_shared>>
      %dma_start3A_97 = arith.constant 0 : i32
      %dma_start3A_98 = tpu.memref_slice %arg13[%add3A_11, %dma_start3A_97] : memref<10240x64xf32, #tpu.memory_space<vmem_shared>> -> memref<128x64xf32, #tpu.memory_space<vmem_shared>>
      tpu.enqueue_dma source(%arg12 : memref<128x64xf32, #tpu.memory_space<vmem>>) target(%dma_start3A_98 : memref<128x64xf32, #tpu.memory_space<vmem_shared>>) target_semaphore(%run_scoped3A : memref<!tpu.dma_semaphore, #tpu.memory_space<semaphore_mem>>)
      %dma_wait3A = arith.constant 0 : i32
      %dma_wait3A_99 = tpu.memref_slice %arg13[%add3A_11, %dma_wait3A] : memref<10240x64xf32, #tpu.memory_space<vmem_shared>> -> memref<128x64xf32, #tpu.memory_space<vmem_shared>>
      %dma_wait3A_100 = arith.constant 0 : i32
      %dma_wait3A_101 = tpu.memref_slice %arg13[%add3A_11, %dma_wait3A_100] : memref<10240x64xf32, #tpu.memory_space<vmem_shared>> -> memref<128x64xf32, #tpu.memory_space<vmem_shared>>
      tpu.wait_dma2 semaphore(%run_scoped3A : memref<!tpu.dma_semaphore, #tpu.memory_space<semaphore_mem>>) src(%arg12 : memref<128x64xf32, #tpu.memory_space<vmem>>) dst(%dma_wait3A_101 : memref<128x64xf32, #tpu.memory_space<vmem_shared>>)
      tpu.yield
    }) : () -> ()
    %mul3A_12 = arith.constant 640 : i32
    %mul3A_13 = arith.muli %arg1, %mul3A_12 : i32
    %add3A_14 = arith.constant 256 : i32
    %add3A_15 = arith.addi %mul3A_13, %add3A_14 : i32
    "tpu.region"() ({
      %run_scoped3A = tpu.sem_alloc : memref<!tpu.dma_semaphore, #tpu.memory_space<semaphore_mem>>
      %dma_start3A_95 = arith.constant 0 : i32
      %dma_start3A_96 = tpu.memref_slice %arg13[%add3A_15, %dma_start3A_95] : memref<10240x64xf32, #tpu.memory_space<vmem_shared>> -> memref<128x64xf32, #tpu.memory_space<vmem_shared>>
      %dma_start3A_97 = arith.constant 0 : i32
      %dma_start3A_98 = tpu.memref_slice %arg13[%add3A_15, %dma_start3A_97] : memref<10240x64xf32, #tpu.memory_space<vmem_shared>> -> memref<128x64xf32, #tpu.memory_space<vmem_shared>>
      tpu.enqueue_dma source(%arg12 : memref<128x64xf32, #tpu.memory_space<vmem>>) target(%dma_start3A_98 : memref<128x64xf32, #tpu.memory_space<vmem_shared>>) target_semaphore(%run_scoped3A : memref<!tpu.dma_semaphore, #tpu.memory_space<semaphore_mem>>)
      %dma_wait3A = arith.constant 0 : i32
      %dma_wait3A_99 = tpu.memref_slice %arg13[%add3A_15, %dma_wait3A] : memref<10240x64xf32, #tpu.memory_space<vmem_shared>> -> memref<128x64xf32, #tpu.memory_space<vmem_shared>>
      %dma_wait3A_100 = arith.constant 0 : i32
      %dma_wait3A_101 = tpu.memref_slice %arg13[%add3A_15, %dma_wait3A_100] : memref<10240x64xf32, #tpu.memory_space<vmem_shared>> -> memref<128x64xf32, #tpu.memory_space<vmem_shared>>
      tpu.wait_dma2 semaphore(%run_scoped3A : memref<!tpu.dma_semaphore, #tpu.memory_space<semaphore_mem>>) src(%arg12 : memref<128x64xf32, #tpu.memory_space<vmem>>) dst(%dma_wait3A_101 : memref<128x64xf32, #tpu.memory_space<vmem_shared>>)
      tpu.yield
    }) : () -> ()
    %mul3A_16 = arith.constant 640 : i32
    %mul3A_17 = arith.muli %arg1, %mul3A_16 : i32
    %add3A_18 = arith.constant 384 : i32
    %add3A_19 = arith.addi %mul3A_17, %add3A_18 : i32
    "tpu.region"() ({
      %run_scoped3A = tpu.sem_alloc : memref<!tpu.dma_semaphore, #tpu.memory_space<semaphore_mem>>
      %dma_start3A_95 = arith.constant 0 : i32
      %dma_start3A_96 = tpu.memref_slice %arg13[%add3A_19, %dma_start3A_95] : memref<10240x64xf32, #tpu.memory_space<vmem_shared>> -> memref<128x64xf32, #tpu.memory_space<vmem_shared>>
      %dma_start3A_97 = arith.constant 0 : i32
      %dma_start3A_98 = tpu.memref_slice %arg13[%add3A_19, %dma_start3A_97] : memref<10240x64xf32, #tpu.memory_space<vmem_shared>> -> memref<128x64xf32, #tpu.memory_space<vmem_shared>>
      tpu.enqueue_dma source(%arg12 : memref<128x64xf32, #tpu.memory_space<vmem>>) target(%dma_start3A_98 : memref<128x64xf32, #tpu.memory_space<vmem_shared>>) target_semaphore(%run_scoped3A : memref<!tpu.dma_semaphore, #tpu.memory_space<semaphore_mem>>)
      %dma_wait3A = arith.constant 0 : i32
      %dma_wait3A_99 = tpu.memref_slice %arg13[%add3A_19, %dma_wait3A] : memref<10240x64xf32, #tpu.memory_space<vmem_shared>> -> memref<128x64xf32, #tpu.memory_space<vmem_shared>>
      %dma_wait3A_100 = arith.constant 0 : i32
      %dma_wait3A_101 = tpu.memref_slice %arg13[%add3A_19, %dma_wait3A_100] : memref<10240x64xf32, #tpu.memory_space<vmem_shared>> -> memref<128x64xf32, #tpu.memory_space<vmem_shared>>
      tpu.wait_dma2 semaphore(%run_scoped3A : memref<!tpu.dma_semaphore, #tpu.memory_space<semaphore_mem>>) src(%arg12 : memref<128x64xf32, #tpu.memory_space<vmem>>) dst(%dma_wait3A_101 : memref<128x64xf32, #tpu.memory_space<vmem_shared>>)
      tpu.yield
    }) : () -> ()
    %mul3A_20 = arith.constant 640 : i32
    %mul3A_21 = arith.muli %arg1, %mul3A_20 : i32
    %add3A_22 = arith.constant 512 : i32
    %add3A_23 = arith.addi %mul3A_21, %add3A_22 : i32
    "tpu.region"() ({
      %run_scoped3A = tpu.sem_alloc : memref<!tpu.dma_semaphore, #tpu.memory_space<semaphore_mem>>
      %dma_start3A_95 = arith.constant 0 : i32
      %dma_start3A_96 = tpu.memref_slice %arg13[%add3A_23, %dma_start3A_95] : memref<10240x64xf32, #tpu.memory_space<vmem_shared>> -> memref<128x64xf32, #tpu.memory_space<vmem_shared>>
      %dma_start3A_97 = arith.constant 0 : i32
      %dma_start3A_98 = tpu.memref_slice %arg13[%add3A_23, %dma_start3A_97] : memref<10240x64xf32, #tpu.memory_space<vmem_shared>> -> memref<128x64xf32, #tpu.memory_space<vmem_shared>>
      tpu.enqueue_dma source(%arg12 : memref<128x64xf32, #tpu.memory_space<vmem>>) target(%dma_start3A_98 : memref<128x64xf32, #tpu.memory_space<vmem_shared>>) target_semaphore(%run_scoped3A : memref<!tpu.dma_semaphore, #tpu.memory_space<semaphore_mem>>)
      %dma_wait3A = arith.constant 0 : i32
      %dma_wait3A_99 = tpu.memref_slice %arg13[%add3A_23, %dma_wait3A] : memref<10240x64xf32, #tpu.memory_space<vmem_shared>> -> memref<128x64xf32, #tpu.memory_space<vmem_shared>>
      %dma_wait3A_100 = arith.constant 0 : i32
      %dma_wait3A_101 = tpu.memref_slice %arg13[%add3A_23, %dma_wait3A_100] : memref<10240x64xf32, #tpu.memory_space<vmem_shared>> -> memref<128x64xf32, #tpu.memory_space<vmem_shared>>
      tpu.wait_dma2 semaphore(%run_scoped3A : memref<!tpu.dma_semaphore, #tpu.memory_space<semaphore_mem>>) src(%arg12 : memref<128x64xf32, #tpu.memory_space<vmem>>) dst(%dma_wait3A_101 : memref<128x64xf32, #tpu.memory_space<vmem_shared>>)
      tpu.yield
    }) : () -> ()
    "tpu.region"() ({
      %run_scoped3A = tpu.sem_alloc : memref<!tpu.dma_semaphore, #tpu.memory_space<semaphore_mem>>
      %dma_start3A_95 = arith.constant 0 : i32
      %dma_start3A_96 = arith.constant 0 : i32
      %dma_start3A_97 = tpu.memref_slice %arg2[%arg1, %dma_start3A_95, %dma_start3A_96] : memref<16x160x128xi32, #tpu.memory_space<hbm>> -> memref<1x160x128xi32, #tpu.memory_space<hbm>>
      %dma_start3A_98 = tpu.memref_squeeze %dma_start3A_97 : memref<1x160x128xi32, #tpu.memory_space<hbm>> -> memref<160x128xi32, #tpu.memory_space<hbm>>
      %dma_start3A_99 = arith.constant 0 : i32
      %dma_start3A_100 = arith.constant 0 : i32
      %dma_start3A_101 = tpu.memref_slice %arg2[%arg1, %dma_start3A_99, %dma_start3A_100] : memref<16x160x128xi32, #tpu.memory_space<hbm>> -> memref<1x160x128xi32, #tpu.memory_space<hbm>>
      %dma_start3A_102 = tpu.memref_squeeze %dma_start3A_101 : memref<1x160x128xi32, #tpu.memory_space<hbm>> -> memref<160x128xi32, #tpu.memory_space<hbm>>
      tpu.enqueue_dma source(%dma_start3A_102 : memref<160x128xi32, #tpu.memory_space<hbm>>) target(%arg6 : memref<160x128xi32, #tpu.memory_space<vmem>>) target_semaphore(%run_scoped3A : memref<!tpu.dma_semaphore, #tpu.memory_space<semaphore_mem>>)
      %dma_wait3A = arith.constant 0 : i32
      %dma_wait3A_103 = arith.constant 0 : i32
      %dma_wait3A_104 = tpu.memref_slice %arg2[%arg1, %dma_wait3A, %dma_wait3A_103] : memref<16x160x128xi32, #tpu.memory_space<hbm>> -> memref<1x160x128xi32, #tpu.memory_space<hbm>>
      %dma_wait3A_105 = tpu.memref_squeeze %dma_wait3A_104 : memref<1x160x128xi32, #tpu.memory_space<hbm>> -> memref<160x128xi32, #tpu.memory_space<hbm>>
      %dma_wait3A_106 = arith.constant 0 : i32
      %dma_wait3A_107 = arith.constant 0 : i32
      %dma_wait3A_108 = tpu.memref_slice %arg2[%arg1, %dma_wait3A_106, %dma_wait3A_107] : memref<16x160x128xi32, #tpu.memory_space<hbm>> -> memref<1x160x128xi32, #tpu.memory_space<hbm>>
      %dma_wait3A_109 = tpu.memref_squeeze %dma_wait3A_108 : memref<1x160x128xi32, #tpu.memory_space<hbm>> -> memref<160x128xi32, #tpu.memory_space<hbm>>
      tpu.wait_dma2 semaphore(%run_scoped3A : memref<!tpu.dma_semaphore, #tpu.memory_space<semaphore_mem>>) src(%dma_wait3A_109 : memref<160x128xi32, #tpu.memory_space<hbm>>) dst(%arg6 : memref<160x128xi32, #tpu.memory_space<vmem>>)
      tpu.yield
    }) : () -> ()
    "tpu.region"() ({
      %run_scoped3A = tpu.sem_alloc : memref<!tpu.dma_semaphore, #tpu.memory_space<semaphore_mem>>
      %dma_start3A_95 = arith.constant 0 : i32
      %dma_start3A_96 = arith.constant 0 : i32
      %dma_start3A_97 = tpu.memref_slice %arg3[%arg1, %dma_start3A_95, %dma_start3A_96] : memref<16x160x128xi32, #tpu.memory_space<hbm>> -> memref<1x160x128xi32, #tpu.memory_space<hbm>>
      %dma_start3A_98 = tpu.memref_squeeze %dma_start3A_97 : memref<1x160x128xi32, #tpu.memory_space<hbm>> -> memref<160x128xi32, #tpu.memory_space<hbm>>
      %dma_start3A_99 = arith.constant 0 : i32
      %dma_start3A_100 = arith.constant 0 : i32
      %dma_start3A_101 = tpu.memref_slice %arg3[%arg1, %dma_start3A_99, %dma_start3A_100] : memref<16x160x128xi32, #tpu.memory_space<hbm>> -> memref<1x160x128xi32, #tpu.memory_space<hbm>>
      %dma_start3A_102 = tpu.memref_squeeze %dma_start3A_101 : memref<1x160x128xi32, #tpu.memory_space<hbm>> -> memref<160x128xi32, #tpu.memory_space<hbm>>
      tpu.enqueue_dma source(%dma_start3A_102 : memref<160x128xi32, #tpu.memory_space<hbm>>) target(%arg7 : memref<160x128xi32, #tpu.memory_space<vmem>>) target_semaphore(%run_scoped3A : memref<!tpu.dma_semaphore, #tpu.memory_space<semaphore_mem>>)
      %dma_wait3A = arith.constant 0 : i32
      %dma_wait3A_103 = arith.constant 0 : i32
      %dma_wait3A_104 = tpu.memref_slice %arg3[%arg1, %dma_wait3A, %dma_wait3A_103] : memref<16x160x128xi32, #tpu.memory_space<hbm>> -> memref<1x160x128xi32, #tpu.memory_space<hbm>>
      %dma_wait3A_105 = tpu.memref_squeeze %dma_wait3A_104 : memref<1x160x128xi32, #tpu.memory_space<hbm>> -> memref<160x128xi32, #tpu.memory_space<hbm>>
      %dma_wait3A_106 = arith.constant 0 : i32
      %dma_wait3A_107 = arith.constant 0 : i32
      %dma_wait3A_108 = tpu.memref_slice %arg3[%arg1, %dma_wait3A_106, %dma_wait3A_107] : memref<16x160x128xi32, #tpu.memory_space<hbm>> -> memref<1x160x128xi32, #tpu.memory_space<hbm>>
      %dma_wait3A_109 = tpu.memref_squeeze %dma_wait3A_108 : memref<1x160x128xi32, #tpu.memory_space<hbm>> -> memref<160x128xi32, #tpu.memory_space<hbm>>
      tpu.wait_dma2 semaphore(%run_scoped3A : memref<!tpu.dma_semaphore, #tpu.memory_space<semaphore_mem>>) src(%dma_wait3A_109 : memref<160x128xi32, #tpu.memory_space<hbm>>) dst(%arg7 : memref<160x128xi32, #tpu.memory_space<vmem>>)
      tpu.yield
    }) : () -> ()
    %barrier3A = arith.constant 0 : index
    tpu.barrier barrier_id(%barrier3A)
    %dma_start3A = arith.constant 0 : i32
    %dma_start3A_24 = arith.constant 0 : i32
    %dma_start3A_25 = tpu.memref_slice %arg6[%dma_start3A, %dma_start3A_24] : memref<160x128xi32, #tpu.memory_space<vmem>> -> memref<1x128xi32, #tpu.memory_space<vmem>>
    %dma_start3A_26 = tpu.memref_squeeze %dma_start3A_25 : memref<1x128xi32, #tpu.memory_space<vmem>> -> memref<128xi32, #tpu.memory_space<vmem>>
    %dma_start3A_27 = arith.constant 0 : i32
    %dma_start3A_28 = arith.constant 0 : i32
    %dma_start3A_29 = tpu.memref_slice %arg4[%arg0, %dma_start3A_27, %dma_start3A_28] : memref<2x10000x64xf32, #tpu.memory_space<hbm>> -> memref<1x10000x64xf32, #tpu.memory_space<hbm>>
    %dma_start3A_30 = tpu.memref_squeeze %dma_start3A_29 : memref<1x10000x64xf32, #tpu.memory_space<hbm>> -> memref<10000x64xf32, #tpu.memory_space<hbm>>
    %dma_start3A_31 = arith.constant 0 : i32
    %dma_start3A_32 = arith.constant 0 : i32
    %dma_start3A_33 = tpu.memref_slice %dma_start3A_30[%dma_start3A_31, %dma_start3A_32] : memref<10000x64xf32, #tpu.memory_space<hbm>> -> memref<10000x64xf32, #tpu.memory_space<hbm>>
    tpu.enqueue_indirect_dma source(%dma_start3A_33 : memref<10000x64xf32, #tpu.memory_space<hbm>>) target(%arg8 : memref<128x64xf32, #tpu.memory_space<vmem>>) offsets(%dma_start3A_26 : memref<128xi32, #tpu.memory_space<vmem>>) semaphore(%arg14 : memref<!tpu.dma_semaphore, #tpu.memory_space<semaphore_mem>>)
    %dma_start3A_34 = arith.constant 1 : i32
    %dma_start3A_35 = arith.constant 0 : i32
    %dma_start3A_36 = tpu.memref_slice %arg6[%dma_start3A_34, %dma_start3A_35] : memref<160x128xi32, #tpu.memory_space<vmem>> -> memref<1x128xi32, #tpu.memory_space<vmem>>
    %dma_start3A_37 = tpu.memref_squeeze %dma_start3A_36 : memref<1x128xi32, #tpu.memory_space<vmem>> -> memref<128xi32, #tpu.memory_space<vmem>>
    %dma_start3A_38 = arith.constant 0 : i32
    %dma_start3A_39 = arith.constant 0 : i32
    %dma_start3A_40 = tpu.memref_slice %arg4[%arg0, %dma_start3A_38, %dma_start3A_39] : memref<2x10000x64xf32, #tpu.memory_space<hbm>> -> memref<1x10000x64xf32, #tpu.memory_space<hbm>>
    %dma_start3A_41 = tpu.memref_squeeze %dma_start3A_40 : memref<1x10000x64xf32, #tpu.memory_space<hbm>> -> memref<10000x64xf32, #tpu.memory_space<hbm>>
    %dma_start3A_42 = arith.constant 0 : i32
    %dma_start3A_43 = arith.constant 0 : i32
    %dma_start3A_44 = tpu.memref_slice %dma_start3A_41[%dma_start3A_42, %dma_start3A_43] : memref<10000x64xf32, #tpu.memory_space<hbm>> -> memref<10000x64xf32, #tpu.memory_space<hbm>>
    tpu.enqueue_indirect_dma source(%dma_start3A_44 : memref<10000x64xf32, #tpu.memory_space<hbm>>) target(%arg9 : memref<128x64xf32, #tpu.memory_space<vmem>>) offsets(%dma_start3A_37 : memref<128xi32, #tpu.memory_space<vmem>>) semaphore(%arg15 : memref<!tpu.dma_semaphore, #tpu.memory_space<semaphore_mem>>)
    %dma_start3A_45 = arith.constant 2 : i32
    %dma_start3A_46 = arith.constant 0 : i32
    %dma_start3A_47 = tpu.memref_slice %arg6[%dma_start3A_45, %dma_start3A_46] : memref<160x128xi32, #tpu.memory_space<vmem>> -> memref<1x128xi32, #tpu.memory_space<vmem>>
    %dma_start3A_48 = tpu.memref_squeeze %dma_start3A_47 : memref<1x128xi32, #tpu.memory_space<vmem>> -> memref<128xi32, #tpu.memory_space<vmem>>
    %dma_start3A_49 = arith.constant 0 : i32
    %dma_start3A_50 = arith.constant 0 : i32
    %dma_start3A_51 = tpu.memref_slice %arg4[%arg0, %dma_start3A_49, %dma_start3A_50] : memref<2x10000x64xf32, #tpu.memory_space<hbm>> -> memref<1x10000x64xf32, #tpu.memory_space<hbm>>
    %dma_start3A_52 = tpu.memref_squeeze %dma_start3A_51 : memref<1x10000x64xf32, #tpu.memory_space<hbm>> -> memref<10000x64xf32, #tpu.memory_space<hbm>>
    %dma_start3A_53 = arith.constant 0 : i32
    %dma_start3A_54 = arith.constant 0 : i32
    %dma_start3A_55 = tpu.memref_slice %dma_start3A_52[%dma_start3A_53, %dma_start3A_54] : memref<10000x64xf32, #tpu.memory_space<hbm>> -> memref<10000x64xf32, #tpu.memory_space<hbm>>
    tpu.enqueue_indirect_dma source(%dma_start3A_55 : memref<10000x64xf32, #tpu.memory_space<hbm>>) target(%arg10 : memref<128x64xf32, #tpu.memory_space<vmem>>) offsets(%dma_start3A_48 : memref<128xi32, #tpu.memory_space<vmem>>) semaphore(%arg16 : memref<!tpu.dma_semaphore, #tpu.memory_space<semaphore_mem>>)
    %dma_start3A_56 = arith.constant 3 : i32
    %dma_start3A_57 = arith.constant 0 : i32
    %dma_start3A_58 = tpu.memref_slice %arg6[%dma_start3A_56, %dma_start3A_57] : memref<160x128xi32, #tpu.memory_space<vmem>> -> memref<1x128xi32, #tpu.memory_space<vmem>>
    %dma_start3A_59 = tpu.memref_squeeze %dma_start3A_58 : memref<1x128xi32, #tpu.memory_space<vmem>> -> memref<128xi32, #tpu.memory_space<vmem>>
    %dma_start3A_60 = arith.constant 0 : i32
    %dma_start3A_61 = arith.constant 0 : i32
    %dma_start3A_62 = tpu.memref_slice %arg4[%arg0, %dma_start3A_60, %dma_start3A_61] : memref<2x10000x64xf32, #tpu.memory_space<hbm>> -> memref<1x10000x64xf32, #tpu.memory_space<hbm>>
    %dma_start3A_63 = tpu.memref_squeeze %dma_start3A_62 : memref<1x10000x64xf32, #tpu.memory_space<hbm>> -> memref<10000x64xf32, #tpu.memory_space<hbm>>
    %dma_start3A_64 = arith.constant 0 : i32
    %dma_start3A_65 = arith.constant 0 : i32
    %dma_start3A_66 = tpu.memref_slice %dma_start3A_63[%dma_start3A_64, %dma_start3A_65] : memref<10000x64xf32, #tpu.memory_space<hbm>> -> memref<10000x64xf32, #tpu.memory_space<hbm>>
    tpu.enqueue_indirect_dma source(%dma_start3A_66 : memref<10000x64xf32, #tpu.memory_space<hbm>>) target(%arg11 : memref<128x64xf32, #tpu.memory_space<vmem>>) offsets(%dma_start3A_59 : memref<128xi32, #tpu.memory_space<vmem>>) semaphore(%arg17 : memref<!tpu.dma_semaphore, #tpu.memory_space<semaphore_mem>>)
    %scan3A_67 = arith.constant 0 : i32
    %scan3A_68 = arith.constant 0 : i32
    %scan3A_69 = arith.constant 40 : i32
    %scan3A_70 = arith.addi %scan3A_68, %scan3A_69 : i32
    %scan3A_71 = arith.constant 1 : i32
    %scan3A_72 = scf.for %scan3A_95 = %scan3A_68 to %scan3A_70 step %scan3A_71 iter_args(%scan3A_96 = %scan3A_67) -> (i32)  : i32 {
      %mul3A_97 = arith.constant 4 : i32
      %mul3A_98 = arith.muli %mul3A_97, %scan3A_95 : i32
      %add3A_99 = arith.constant 0 : i32
      %add3A_100 = arith.addi %mul3A_98, %add3A_99 : i32
      %dma_wait3A = arith.constant 0 : i32
      %dma_wait3A_101 = tpu.memref_slice %arg6[%add3A_100, %dma_wait3A] : memref<160x128xi32, #tpu.memory_space<vmem>> -> memref<1x128xi32, #tpu.memory_space<vmem>>
      %dma_wait3A_102 = tpu.memref_squeeze %dma_wait3A_101 : memref<1x128xi32, #tpu.memory_space<vmem>> -> memref<128xi32, #tpu.memory_space<vmem>>
      %dma_wait3A_103 = arith.constant 0 : i32
      %dma_wait3A_104 = arith.constant 0 : i32
      %dma_wait3A_105 = tpu.memref_slice %arg4[%arg0, %dma_wait3A_103, %dma_wait3A_104] : memref<2x10000x64xf32, #tpu.memory_space<hbm>> -> memref<1x10000x64xf32, #tpu.memory_space<hbm>>
      %dma_wait3A_106 = tpu.memref_squeeze %dma_wait3A_105 : memref<1x10000x64xf32, #tpu.memory_space<hbm>> -> memref<10000x64xf32, #tpu.memory_space<hbm>>
      %dma_wait3A_107 = arith.constant 0 : i32
      %dma_wait3A_108 = arith.constant 0 : i32
      %dma_wait3A_109 = tpu.memref_slice %dma_wait3A_106[%dma_wait3A_107, %dma_wait3A_108] : memref<10000x64xf32, #tpu.memory_space<hbm>> -> memref<10000x64xf32, #tpu.memory_space<hbm>>
      tpu.wait_indirect_dma semaphore(%arg14 : memref<!tpu.dma_semaphore, #tpu.memory_space<semaphore_mem>>) src(%dma_wait3A_109 : memref<10000x64xf32, #tpu.memory_space<hbm>>) dst(%arg8 : memref<128x64xf32, #tpu.memory_space<vmem>>)
      "tpu.region"() ({
        %run_scoped3A = tpu.sem_alloc : memref<!tpu.dma_semaphore, #tpu.memory_space<semaphore_mem>>
        %dma_start3A_178 = arith.constant 0 : i32
        %dma_start3A_179 = tpu.memref_slice %arg7[%add3A_100, %dma_start3A_178] : memref<160x128xi32, #tpu.memory_space<vmem>> -> memref<1x128xi32, #tpu.memory_space<vmem>>
        %dma_start3A_180 = tpu.memref_squeeze %dma_start3A_179 : memref<1x128xi32, #tpu.memory_space<vmem>> -> memref<128xi32, #tpu.memory_space<vmem>>
        %dma_start3A_181 = arith.constant 0 : i32
        %dma_start3A_182 = arith.constant 0 : i32
        %dma_start3A_183 = tpu.memref_slice %arg13[%dma_start3A_181, %dma_start3A_182] : memref<10240x64xf32, #tpu.memory_space<vmem_shared>> -> memref<10240x64xf32, #tpu.memory_space<vmem_shared>>
        tpu.enqueue_indirect_dma source(%arg8 : memref<128x64xf32, #tpu.memory_space<vmem>>) target(%dma_start3A_183 : memref<10240x64xf32, #tpu.memory_space<vmem_shared>>) offsets(%dma_start3A_180 : memref<128xi32, #tpu.memory_space<vmem>>) semaphore(%run_scoped3A : memref<!tpu.dma_semaphore, #tpu.memory_space<semaphore_mem>>) {add = true}
        %dma_wait3A_184 = arith.constant 0 : i32
        %dma_wait3A_185 = tpu.memref_slice %arg7[%add3A_100, %dma_wait3A_184] : memref<160x128xi32, #tpu.memory_space<vmem>> -> memref<1x128xi32, #tpu.memory_space<vmem>>
        %dma_wait3A_186 = tpu.memref_squeeze %dma_wait3A_185 : memref<1x128xi32, #tpu.memory_space<vmem>> -> memref<128xi32, #tpu.memory_space<vmem>>
        %dma_wait3A_187 = arith.constant 0 : i32
        %dma_wait3A_188 = arith.constant 0 : i32
        %dma_wait3A_189 = tpu.memref_slice %arg13[%dma_wait3A_187, %dma_wait3A_188] : memref<10240x64xf32, #tpu.memory_space<vmem_shared>> -> memref<10240x64xf32, #tpu.memory_space<vmem_shared>>
        tpu.wait_indirect_dma semaphore(%run_scoped3A : memref<!tpu.dma_semaphore, #tpu.memory_space<semaphore_mem>>) src(%arg8 : memref<128x64xf32, #tpu.memory_space<vmem>>) dst(%dma_wait3A_189 : memref<10240x64xf32, #tpu.memory_space<vmem_shared>>)
        tpu.yield
      }) : () -> ()
      %add3A_110 = arith.constant 4 : i32
      %add3A_111 = arith.addi %add3A_100, %add3A_110 : i32
      %lt3A = arith.constant 160 : i32
      %lt3A_112 = arith.cmpi slt, %add3A_111, %lt3A : i32
      %convert_element_type3A = arith.extui %lt3A_112 : i1 to i32
      %cond3A = arith.constant 0 : i32
      %cond3A_113 = arith.cmpi ne, %convert_element_type3A, %cond3A : i32
      scf.if %cond3A_113 {
        %add3A_178 = arith.constant 4 : i32
        %add3A_179 = arith.addi %add3A_100, %add3A_178 : i32
        %dma_start3A_180 = arith.constant 0 : i32
        %dma_start3A_181 = tpu.memref_slice %arg6[%add3A_179, %dma_start3A_180] : memref<160x128xi32, #tpu.memory_space<vmem>> -> memref<1x128xi32, #tpu.memory_space<vmem>>
        %dma_start3A_182 = tpu.memref_squeeze %dma_start3A_181 : memref<1x128xi32, #tpu.memory_space<vmem>> -> memref<128xi32, #tpu.memory_space<vmem>>
        %dma_start3A_183 = arith.constant 0 : i32
        %dma_start3A_184 = arith.constant 0 : i32
        %dma_start3A_185 = tpu.memref_slice %arg4[%arg0, %dma_start3A_183, %dma_start3A_184] : memref<2x10000x64xf32, #tpu.memory_space<hbm>> -> memref<1x10000x64xf32, #tpu.memory_space<hbm>>
        %dma_start3A_186 = tpu.memref_squeeze %dma_start3A_185 : memref<1x10000x64xf32, #tpu.memory_space<hbm>> -> memref<10000x64xf32, #tpu.memory_space<hbm>>
        %dma_start3A_187 = arith.constant 0 : i32
        %dma_start3A_188 = arith.constant 0 : i32
        %dma_start3A_189 = tpu.memref_slice %dma_start3A_186[%dma_start3A_187, %dma_start3A_188] : memref<10000x64xf32, #tpu.memory_space<hbm>> -> memref<10000x64xf32, #tpu.memory_space<hbm>>
        tpu.enqueue_indirect_dma source(%dma_start3A_189 : memref<10000x64xf32, #tpu.memory_space<hbm>>) target(%arg8 : memref<128x64xf32, #tpu.memory_space<vmem>>) offsets(%dma_start3A_182 : memref<128xi32, #tpu.memory_space<vmem>>) semaphore(%arg14 : memref<!tpu.dma_semaphore, #tpu.memory_space<semaphore_mem>>)
      } else {
      }
      %mul3A_114 = arith.constant 4 : i32
      %mul3A_115 = arith.muli %mul3A_114, %scan3A_95 : i32
      %add3A_116 = arith.constant 1 : i32
      %add3A_117 = arith.addi %mul3A_115, %add3A_116 : i32
      %dma_wait3A_118 = arith.constant 0 : i32
      %dma_wait3A_119 = tpu.memref_slice %arg6[%add3A_117, %dma_wait3A_118] : memref<160x128xi32, #tpu.memory_space<vmem>> -> memref<1x128xi32, #tpu.memory_space<vmem>>
      %dma_wait3A_120 = tpu.memref_squeeze %dma_wait3A_119 : memref<1x128xi32, #tpu.memory_space<vmem>> -> memref<128xi32, #tpu.memory_space<vmem>>
      %dma_wait3A_121 = arith.constant 0 : i32
      %dma_wait3A_122 = arith.constant 0 : i32
      %dma_wait3A_123 = tpu.memref_slice %arg4[%arg0, %dma_wait3A_121, %dma_wait3A_122] : memref<2x10000x64xf32, #tpu.memory_space<hbm>> -> memref<1x10000x64xf32, #tpu.memory_space<hbm>>
      %dma_wait3A_124 = tpu.memref_squeeze %dma_wait3A_123 : memref<1x10000x64xf32, #tpu.memory_space<hbm>> -> memref<10000x64xf32, #tpu.memory_space<hbm>>
      %dma_wait3A_125 = arith.constant 0 : i32
      %dma_wait3A_126 = arith.constant 0 : i32
      %dma_wait3A_127 = tpu.memref_slice %dma_wait3A_124[%dma_wait3A_125, %dma_wait3A_126] : memref<10000x64xf32, #tpu.memory_space<hbm>> -> memref<10000x64xf32, #tpu.memory_space<hbm>>
      tpu.wait_indirect_dma semaphore(%arg15 : memref<!tpu.dma_semaphore, #tpu.memory_space<semaphore_mem>>) src(%dma_wait3A_127 : memref<10000x64xf32, #tpu.memory_space<hbm>>) dst(%arg9 : memref<128x64xf32, #tpu.memory_space<vmem>>)
      "tpu.region"() ({
        %run_scoped3A = tpu.sem_alloc : memref<!tpu.dma_semaphore, #tpu.memory_space<semaphore_mem>>
        %dma_start3A_178 = arith.constant 0 : i32
        %dma_start3A_179 = tpu.memref_slice %arg7[%add3A_117, %dma_start3A_178] : memref<160x128xi32, #tpu.memory_space<vmem>> -> memref<1x128xi32, #tpu.memory_space<vmem>>
        %dma_start3A_180 = tpu.memref_squeeze %dma_start3A_179 : memref<1x128xi32, #tpu.memory_space<vmem>> -> memref<128xi32, #tpu.memory_space<vmem>>
        %dma_start3A_181 = arith.constant 0 : i32
        %dma_start3A_182 = arith.constant 0 : i32
        %dma_start3A_183 = tpu.memref_slice %arg13[%dma_start3A_181, %dma_start3A_182] : memref<10240x64xf32, #tpu.memory_space<vmem_shared>> -> memref<10240x64xf32, #tpu.memory_space<vmem_shared>>
        tpu.enqueue_indirect_dma source(%arg9 : memref<128x64xf32, #tpu.memory_space<vmem>>) target(%dma_start3A_183 : memref<10240x64xf32, #tpu.memory_space<vmem_shared>>) offsets(%dma_start3A_180 : memref<128xi32, #tpu.memory_space<vmem>>) semaphore(%run_scoped3A : memref<!tpu.dma_semaphore, #tpu.memory_space<semaphore_mem>>) {add = true}
        %dma_wait3A_184 = arith.constant 0 : i32
        %dma_wait3A_185 = tpu.memref_slice %arg7[%add3A_117, %dma_wait3A_184] : memref<160x128xi32, #tpu.memory_space<vmem>> -> memref<1x128xi32, #tpu.memory_space<vmem>>
        %dma_wait3A_186 = tpu.memref_squeeze %dma_wait3A_185 : memref<1x128xi32, #tpu.memory_space<vmem>> -> memref<128xi32, #tpu.memory_space<vmem>>
        %dma_wait3A_187 = arith.constant 0 : i32
        %dma_wait3A_188 = arith.constant 0 : i32
        %dma_wait3A_189 = tpu.memref_slice %arg13[%dma_wait3A_187, %dma_wait3A_188] : memref<10240x64xf32, #tpu.memory_space<vmem_shared>> -> memref<10240x64xf32, #tpu.memory_space<vmem_shared>>
        tpu.wait_indirect_dma semaphore(%run_scoped3A : memref<!tpu.dma_semaphore, #tpu.memory_space<semaphore_mem>>) src(%arg9 : memref<128x64xf32, #tpu.memory_space<vmem>>) dst(%dma_wait3A_189 : memref<10240x64xf32, #tpu.memory_space<vmem_shared>>)
        tpu.yield
      }) : () -> ()
      %add3A_128 = arith.constant 4 : i32
      %add3A_129 = arith.addi %add3A_117, %add3A_128 : i32
      %lt3A_130 = arith.constant 160 : i32
      %lt3A_131 = arith.cmpi slt, %add3A_129, %lt3A_130 : i32
      %convert_element_type3A_132 = arith.extui %lt3A_131 : i1 to i32
      %cond3A_133 = arith.constant 0 : i32
      %cond3A_134 = arith.cmpi ne, %convert_element_type3A_132, %cond3A_133 : i32
      scf.if %cond3A_134 {
        %add3A_178 = arith.constant 4 : i32
        %add3A_179 = arith.addi %add3A_117, %add3A_178 : i32
        %dma_start3A_180 = arith.constant 0 : i32
        %dma_start3A_181 = tpu.memref_slice %arg6[%add3A_179, %dma_start3A_180] : memref<160x128xi32, #tpu.memory_space<vmem>> -> memref<1x128xi32, #tpu.memory_space<vmem>>
        %dma_start3A_182 = tpu.memref_squeeze %dma_start3A_181 : memref<1x128xi32, #tpu.memory_space<vmem>> -> memref<128xi32, #tpu.memory_space<vmem>>
        %dma_start3A_183 = arith.constant 0 : i32
        %dma_start3A_184 = arith.constant 0 : i32
        %dma_start3A_185 = tpu.memref_slice %arg4[%arg0, %dma_start3A_183, %dma_start3A_184] : memref<2x10000x64xf32, #tpu.memory_space<hbm>> -> memref<1x10000x64xf32, #tpu.memory_space<hbm>>
        %dma_start3A_186 = tpu.memref_squeeze %dma_start3A_185 : memref<1x10000x64xf32, #tpu.memory_space<hbm>> -> memref<10000x64xf32, #tpu.memory_space<hbm>>
        %dma_start3A_187 = arith.constant 0 : i32
        %dma_start3A_188 = arith.constant 0 : i32
        %dma_start3A_189 = tpu.memref_slice %dma_start3A_186[%dma_start3A_187, %dma_start3A_188] : memref<10000x64xf32, #tpu.memory_space<hbm>> -> memref<10000x64xf32, #tpu.memory_space<hbm>>
        tpu.enqueue_indirect_dma source(%dma_start3A_189 : memref<10000x64xf32, #tpu.memory_space<hbm>>) target(%arg9 : memref<128x64xf32, #tpu.memory_space<vmem>>) offsets(%dma_start3A_182 : memref<128xi32, #tpu.memory_space<vmem>>) semaphore(%arg15 : memref<!tpu.dma_semaphore, #tpu.memory_space<semaphore_mem>>)
      } else {
      }
      %mul3A_135 = arith.constant 4 : i32
      %mul3A_136 = arith.muli %mul3A_135, %scan3A_95 : i32
      %add3A_137 = arith.constant 2 : i32
      %add3A_138 = arith.addi %mul3A_136, %add3A_137 : i32
      %dma_wait3A_139 = arith.constant 0 : i32
      %dma_wait3A_140 = tpu.memref_slice %arg6[%add3A_138, %dma_wait3A_139] : memref<160x128xi32, #tpu.memory_space<vmem>> -> memref<1x128xi32, #tpu.memory_space<vmem>>
      %dma_wait3A_141 = tpu.memref_squeeze %dma_wait3A_140 : memref<1x128xi32, #tpu.memory_space<vmem>> -> memref<128xi32, #tpu.memory_space<vmem>>
      %dma_wait3A_142 = arith.constant 0 : i32
      %dma_wait3A_143 = arith.constant 0 : i32
      %dma_wait3A_144 = tpu.memref_slice %arg4[%arg0, %dma_wait3A_142, %dma_wait3A_143] : memref<2x10000x64xf32, #tpu.memory_space<hbm>> -> memref<1x10000x64xf32, #tpu.memory_space<hbm>>
      %dma_wait3A_145 = tpu.memref_squeeze %dma_wait3A_144 : memref<1x10000x64xf32, #tpu.memory_space<hbm>> -> memref<10000x64xf32, #tpu.memory_space<hbm>>
      %dma_wait3A_146 = arith.constant 0 : i32
      %dma_wait3A_147 = arith.constant 0 : i32
      %dma_wait3A_148 = tpu.memref_slice %dma_wait3A_145[%dma_wait3A_146, %dma_wait3A_147] : memref<10000x64xf32, #tpu.memory_space<hbm>> -> memref<10000x64xf32, #tpu.memory_space<hbm>>
      tpu.wait_indirect_dma semaphore(%arg16 : memref<!tpu.dma_semaphore, #tpu.memory_space<semaphore_mem>>) src(%dma_wait3A_148 : memref<10000x64xf32, #tpu.memory_space<hbm>>) dst(%arg10 : memref<128x64xf32, #tpu.memory_space<vmem>>)
      "tpu.region"() ({
        %run_scoped3A = tpu.sem_alloc : memref<!tpu.dma_semaphore, #tpu.memory_space<semaphore_mem>>
        %dma_start3A_178 = arith.constant 0 : i32
        %dma_start3A_179 = tpu.memref_slice %arg7[%add3A_138, %dma_start3A_178] : memref<160x128xi32, #tpu.memory_space<vmem>> -> memref<1x128xi32, #tpu.memory_space<vmem>>
        %dma_start3A_180 = tpu.memref_squeeze %dma_start3A_179 : memref<1x128xi32, #tpu.memory_space<vmem>> -> memref<128xi32, #tpu.memory_space<vmem>>
        %dma_start3A_181 = arith.constant 0 : i32
        %dma_start3A_182 = arith.constant 0 : i32
        %dma_start3A_183 = tpu.memref_slice %arg13[%dma_start3A_181, %dma_start3A_182] : memref<10240x64xf32, #tpu.memory_space<vmem_shared>> -> memref<10240x64xf32, #tpu.memory_space<vmem_shared>>
        tpu.enqueue_indirect_dma source(%arg10 : memref<128x64xf32, #tpu.memory_space<vmem>>) target(%dma_start3A_183 : memref<10240x64xf32, #tpu.memory_space<vmem_shared>>) offsets(%dma_start3A_180 : memref<128xi32, #tpu.memory_space<vmem>>) semaphore(%run_scoped3A : memref<!tpu.dma_semaphore, #tpu.memory_space<semaphore_mem>>) {add = true}
        %dma_wait3A_184 = arith.constant 0 : i32
        %dma_wait3A_185 = tpu.memref_slice %arg7[%add3A_138, %dma_wait3A_184] : memref<160x128xi32, #tpu.memory_space<vmem>> -> memref<1x128xi32, #tpu.memory_space<vmem>>
        %dma_wait3A_186 = tpu.memref_squeeze %dma_wait3A_185 : memref<1x128xi32, #tpu.memory_space<vmem>> -> memref<128xi32, #tpu.memory_space<vmem>>
        %dma_wait3A_187 = arith.constant 0 : i32
        %dma_wait3A_188 = arith.constant 0 : i32
        %dma_wait3A_189 = tpu.memref_slice %arg13[%dma_wait3A_187, %dma_wait3A_188] : memref<10240x64xf32, #tpu.memory_space<vmem_shared>> -> memref<10240x64xf32, #tpu.memory_space<vmem_shared>>
        tpu.wait_indirect_dma semaphore(%run_scoped3A : memref<!tpu.dma_semaphore, #tpu.memory_space<semaphore_mem>>) src(%arg10 : memref<128x64xf32, #tpu.memory_space<vmem>>) dst(%dma_wait3A_189 : memref<10240x64xf32, #tpu.memory_space<vmem_shared>>)
        tpu.yield
      }) : () -> ()
      %add3A_149 = arith.constant 4 : i32
      %add3A_150 = arith.addi %add3A_138, %add3A_149 : i32
      %lt3A_151 = arith.constant 160 : i32
      %lt3A_152 = arith.cmpi slt, %add3A_150, %lt3A_151 : i32
      %convert_element_type3A_153 = arith.extui %lt3A_152 : i1 to i32
      %cond3A_154 = arith.constant 0 : i32
      %cond3A_155 = arith.cmpi ne, %convert_element_type3A_153, %cond3A_154 : i32
      scf.if %cond3A_155 {
        %add3A_178 = arith.constant 4 : i32
        %add3A_179 = arith.addi %add3A_138, %add3A_178 : i32
        %dma_start3A_180 = arith.constant 0 : i32
        %dma_start3A_181 = tpu.memref_slice %arg6[%add3A_179, %dma_start3A_180] : memref<160x128xi32, #tpu.memory_space<vmem>> -> memref<1x128xi32, #tpu.memory_space<vmem>>
        %dma_start3A_182 = tpu.memref_squeeze %dma_start3A_181 : memref<1x128xi32, #tpu.memory_space<vmem>> -> memref<128xi32, #tpu.memory_space<vmem>>
        %dma_start3A_183 = arith.constant 0 : i32
        %dma_start3A_184 = arith.constant 0 : i32
        %dma_start3A_185 = tpu.memref_slice %arg4[%arg0, %dma_start3A_183, %dma_start3A_184] : memref<2x10000x64xf32, #tpu.memory_space<hbm>> -> memref<1x10000x64xf32, #tpu.memory_space<hbm>>
        %dma_start3A_186 = tpu.memref_squeeze %dma_start3A_185 : memref<1x10000x64xf32, #tpu.memory_space<hbm>> -> memref<10000x64xf32, #tpu.memory_space<hbm>>
        %dma_start3A_187 = arith.constant 0 : i32
        %dma_start3A_188 = arith.constant 0 : i32
        %dma_start3A_189 = tpu.memref_slice %dma_start3A_186[%dma_start3A_187, %dma_start3A_188] : memref<10000x64xf32, #tpu.memory_space<hbm>> -> memref<10000x64xf32, #tpu.memory_space<hbm>>
        tpu.enqueue_indirect_dma source(%dma_start3A_189 : memref<10000x64xf32, #tpu.memory_space<hbm>>) target(%arg10 : memref<128x64xf32, #tpu.memory_space<vmem>>) offsets(%dma_start3A_182 : memref<128xi32, #tpu.memory_space<vmem>>) semaphore(%arg16 : memref<!tpu.dma_semaphore, #tpu.memory_space<semaphore_mem>>)
      } else {
      }
      %mul3A_156 = arith.constant 4 : i32
      %mul3A_157 = arith.muli %mul3A_156, %scan3A_95 : i32
      %add3A_158 = arith.constant 3 : i32
      %add3A_159 = arith.addi %mul3A_157, %add3A_158 : i32
      %dma_wait3A_160 = arith.constant 0 : i32
      %dma_wait3A_161 = tpu.memref_slice %arg6[%add3A_159, %dma_wait3A_160] : memref<160x128xi32, #tpu.memory_space<vmem>> -> memref<1x128xi32, #tpu.memory_space<vmem>>
      %dma_wait3A_162 = tpu.memref_squeeze %dma_wait3A_161 : memref<1x128xi32, #tpu.memory_space<vmem>> -> memref<128xi32, #tpu.memory_space<vmem>>
      %dma_wait3A_163 = arith.constant 0 : i32
      %dma_wait3A_164 = arith.constant 0 : i32
      %dma_wait3A_165 = tpu.memref_slice %arg4[%arg0, %dma_wait3A_163, %dma_wait3A_164] : memref<2x10000x64xf32, #tpu.memory_space<hbm>> -> memref<1x10000x64xf32, #tpu.memory_space<hbm>>
      %dma_wait3A_166 = tpu.memref_squeeze %dma_wait3A_165 : memref<1x10000x64xf32, #tpu.memory_space<hbm>> -> memref<10000x64xf32, #tpu.memory_space<hbm>>
      %dma_wait3A_167 = arith.constant 0 : i32
      %dma_wait3A_168 = arith.constant 0 : i32
      %dma_wait3A_169 = tpu.memref_slice %dma_wait3A_166[%dma_wait3A_167, %dma_wait3A_168] : memref<10000x64xf32, #tpu.memory_space<hbm>> -> memref<10000x64xf32, #tpu.memory_space<hbm>>
      tpu.wait_indirect_dma semaphore(%arg17 : memref<!tpu.dma_semaphore, #tpu.memory_space<semaphore_mem>>) src(%dma_wait3A_169 : memref<10000x64xf32, #tpu.memory_space<hbm>>) dst(%arg11 : memref<128x64xf32, #tpu.memory_space<vmem>>)
      "tpu.region"() ({
        %run_scoped3A = tpu.sem_alloc : memref<!tpu.dma_semaphore, #tpu.memory_space<semaphore_mem>>
        %dma_start3A_178 = arith.constant 0 : i32
        %dma_start3A_179 = tpu.memref_slice %arg7[%add3A_159, %dma_start3A_178] : memref<160x128xi32, #tpu.memory_space<vmem>> -> memref<1x128xi32, #tpu.memory_space<vmem>>
        %dma_start3A_180 = tpu.memref_squeeze %dma_start3A_179 : memref<1x128xi32, #tpu.memory_space<vmem>> -> memref<128xi32, #tpu.memory_space<vmem>>
        %dma_start3A_181 = arith.constant 0 : i32
        %dma_start3A_182 = arith.constant 0 : i32
        %dma_start3A_183 = tpu.memref_slice %arg13[%dma_start3A_181, %dma_start3A_182] : memref<10240x64xf32, #tpu.memory_space<vmem_shared>> -> memref<10240x64xf32, #tpu.memory_space<vmem_shared>>
        tpu.enqueue_indirect_dma source(%arg11 : memref<128x64xf32, #tpu.memory_space<vmem>>) target(%dma_start3A_183 : memref<10240x64xf32, #tpu.memory_space<vmem_shared>>) offsets(%dma_start3A_180 : memref<128xi32, #tpu.memory_space<vmem>>) semaphore(%run_scoped3A : memref<!tpu.dma_semaphore, #tpu.memory_space<semaphore_mem>>) {add = true}
        %dma_wait3A_184 = arith.constant 0 : i32
        %dma_wait3A_185 = tpu.memref_slice %arg7[%add3A_159, %dma_wait3A_184] : memref<160x128xi32, #tpu.memory_space<vmem>> -> memref<1x128xi32, #tpu.memory_space<vmem>>
        %dma_wait3A_186 = tpu.memref_squeeze %dma_wait3A_185 : memref<1x128xi32, #tpu.memory_space<vmem>> -> memref<128xi32, #tpu.memory_space<vmem>>
        %dma_wait3A_187 = arith.constant 0 : i32
        %dma_wait3A_188 = arith.constant 0 : i32
        %dma_wait3A_189 = tpu.memref_slice %arg13[%dma_wait3A_187, %dma_wait3A_188] : memref<10240x64xf32, #tpu.memory_space<vmem_shared>> -> memref<10240x64xf32, #tpu.memory_space<vmem_shared>>
        tpu.wait_indirect_dma semaphore(%run_scoped3A : memref<!tpu.dma_semaphore, #tpu.memory_space<semaphore_mem>>) src(%arg11 : memref<128x64xf32, #tpu.memory_space<vmem>>) dst(%dma_wait3A_189 : memref<10240x64xf32, #tpu.memory_space<vmem_shared>>)
        tpu.yield
      }) : () -> ()
      %add3A_170 = arith.constant 4 : i32
      %add3A_171 = arith.addi %add3A_159, %add3A_170 : i32
      %lt3A_172 = arith.constant 160 : i32
      %lt3A_173 = arith.cmpi slt, %add3A_171, %lt3A_172 : i32
      %convert_element_type3A_174 = arith.extui %lt3A_173 : i1 to i32
      %cond3A_175 = arith.constant 0 : i32
      %cond3A_176 = arith.cmpi ne, %convert_element_type3A_174, %cond3A_175 : i32
      scf.if %cond3A_176 {
        %add3A_178 = arith.constant 4 : i32
        %add3A_179 = arith.addi %add3A_159, %add3A_178 : i32
        %dma_start3A_180 = arith.constant 0 : i32
        %dma_start3A_181 = tpu.memref_slice %arg6[%add3A_179, %dma_start3A_180] : memref<160x128xi32, #tpu.memory_space<vmem>> -> memref<1x128xi32, #tpu.memory_space<vmem>>
        %dma_start3A_182 = tpu.memref_squeeze %dma_start3A_181 : memref<1x128xi32, #tpu.memory_space<vmem>> -> memref<128xi32, #tpu.memory_space<vmem>>
        %dma_start3A_183 = arith.constant 0 : i32
        %dma_start3A_184 = arith.constant 0 : i32
        %dma_start3A_185 = tpu.memref_slice %arg4[%arg0, %dma_start3A_183, %dma_start3A_184] : memref<2x10000x64xf32, #tpu.memory_space<hbm>> -> memref<1x10000x64xf32, #tpu.memory_space<hbm>>
        %dma_start3A_186 = tpu.memref_squeeze %dma_start3A_185 : memref<1x10000x64xf32, #tpu.memory_space<hbm>> -> memref<10000x64xf32, #tpu.memory_space<hbm>>
        %dma_start3A_187 = arith.constant 0 : i32
        %dma_start3A_188 = arith.constant 0 : i32
        %dma_start3A_189 = tpu.memref_slice %dma_start3A_186[%dma_start3A_187, %dma_start3A_188] : memref<10000x64xf32, #tpu.memory_space<hbm>> -> memref<10000x64xf32, #tpu.memory_space<hbm>>
        tpu.enqueue_indirect_dma source(%dma_start3A_189 : memref<10000x64xf32, #tpu.memory_space<hbm>>) target(%arg11 : memref<128x64xf32, #tpu.memory_space<vmem>>) offsets(%dma_start3A_182 : memref<128xi32, #tpu.memory_space<vmem>>) semaphore(%arg17 : memref<!tpu.dma_semaphore, #tpu.memory_space<semaphore_mem>>)
      } else {
      }
      %scan3A_177 = arith.constant 0 : i32
      scf.yield %scan3A_177 : i32
    }
    %scan3A_73 = arith.constant 40 : i32
    %barrier3A_74 = arith.constant 0 : index
    tpu.barrier barrier_id(%barrier3A_74)
    %mul3A_75 = arith.constant 640 : i32
    %mul3A_76 = arith.muli %arg1, %mul3A_75 : i32
    %add3A_77 = arith.constant 0 : i32
    %add3A_78 = arith.addi %mul3A_76, %add3A_77 : i32
    "tpu.region"() ({
      %run_scoped3A = tpu.sem_alloc : memref<!tpu.dma_semaphore, #tpu.memory_space<semaphore_mem>>
      %dma_start3A_95 = arith.constant 0 : i32
      %dma_start3A_96 = tpu.memref_slice %arg5[%arg0, %add3A_78, %dma_start3A_95] : memref<2x10240x64xf32, #tpu.memory_space<hbm>> -> memref<1x128x64xf32, #tpu.memory_space<hbm>>
      %dma_start3A_97 = tpu.memref_squeeze %dma_start3A_96 : memref<1x128x64xf32, #tpu.memory_space<hbm>> -> memref<128x64xf32, #tpu.memory_space<hbm>>
      %dma_start3A_98 = arith.constant 0 : i32
      %dma_start3A_99 = tpu.memref_slice %arg13[%add3A_78, %dma_start3A_98] : memref<10240x64xf32, #tpu.memory_space<vmem_shared>> -> memref<128x64xf32, #tpu.memory_space<vmem_shared>>
      tpu.enqueue_dma source(%dma_start3A_99 : memref<128x64xf32, #tpu.memory_space<vmem_shared>>) target(%dma_start3A_97 : memref<128x64xf32, #tpu.memory_space<hbm>>) target_semaphore(%run_scoped3A : memref<!tpu.dma_semaphore, #tpu.memory_space<semaphore_mem>>)
      %dma_wait3A = arith.constant 0 : i32
      %dma_wait3A_100 = tpu.memref_slice %arg5[%arg0, %add3A_78, %dma_wait3A] : memref<2x10240x64xf32, #tpu.memory_space<hbm>> -> memref<1x128x64xf32, #tpu.memory_space<hbm>>
      %dma_wait3A_101 = tpu.memref_squeeze %dma_wait3A_100 : memref<1x128x64xf32, #tpu.memory_space<hbm>> -> memref<128x64xf32, #tpu.memory_space<hbm>>
      %dma_wait3A_102 = arith.constant 0 : i32
      %dma_wait3A_103 = tpu.memref_slice %arg13[%add3A_78, %dma_wait3A_102] : memref<10240x64xf32, #tpu.memory_space<vmem_shared>> -> memref<128x64xf32, #tpu.memory_space<vmem_shared>>
      tpu.wait_dma2 semaphore(%run_scoped3A : memref<!tpu.dma_semaphore, #tpu.memory_space<semaphore_mem>>) src(%dma_wait3A_103 : memref<128x64xf32, #tpu.memory_space<vmem_shared>>) dst(%dma_wait3A_101 : memref<128x64xf32, #tpu.memory_space<hbm>>)
      tpu.yield
    }) : () -> ()
    %mul3A_79 = arith.constant 640 : i32
    %mul3A_80 = arith.muli %arg1, %mul3A_79 : i32
    %add3A_81 = arith.constant 128 : i32
    %add3A_82 = arith.addi %mul3A_80, %add3A_81 : i32
    "tpu.region"() ({
      %run_scoped3A = tpu.sem_alloc : memref<!tpu.dma_semaphore, #tpu.memory_space<semaphore_mem>>
      %dma_start3A_95 = arith.constant 0 : i32
      %dma_start3A_96 = tpu.memref_slice %arg5[%arg0, %add3A_82, %dma_start3A_95] : memref<2x10240x64xf32, #tpu.memory_space<hbm>> -> memref<1x128x64xf32, #tpu.memory_space<hbm>>
      %dma_start3A_97 = tpu.memref_squeeze %dma_start3A_96 : memref<1x128x64xf32, #tpu.memory_space<hbm>> -> memref<128x64xf32, #tpu.memory_space<hbm>>
      %dma_start3A_98 = arith.constant 0 : i32
      %dma_start3A_99 = tpu.memref_slice %arg13[%add3A_82, %dma_start3A_98] : memref<10240x64xf32, #tpu.memory_space<vmem_shared>> -> memref<128x64xf32, #tpu.memory_space<vmem_shared>>
      tpu.enqueue_dma source(%dma_start3A_99 : memref<128x64xf32, #tpu.memory_space<vmem_shared>>) target(%dma_start3A_97 : memref<128x64xf32, #tpu.memory_space<hbm>>) target_semaphore(%run_scoped3A : memref<!tpu.dma_semaphore, #tpu.memory_space<semaphore_mem>>)
      %dma_wait3A = arith.constant 0 : i32
      %dma_wait3A_100 = tpu.memref_slice %arg5[%arg0, %add3A_82, %dma_wait3A] : memref<2x10240x64xf32, #tpu.memory_space<hbm>> -> memref<1x128x64xf32, #tpu.memory_space<hbm>>
      %dma_wait3A_101 = tpu.memref_squeeze %dma_wait3A_100 : memref<1x128x64xf32, #tpu.memory_space<hbm>> -> memref<128x64xf32, #tpu.memory_space<hbm>>
      %dma_wait3A_102 = arith.constant 0 : i32
      %dma_wait3A_103 = tpu.memref_slice %arg13[%add3A_82, %dma_wait3A_102] : memref<10240x64xf32, #tpu.memory_space<vmem_shared>> -> memref<128x64xf32, #tpu.memory_space<vmem_shared>>
      tpu.wait_dma2 semaphore(%run_scoped3A : memref<!tpu.dma_semaphore, #tpu.memory_space<semaphore_mem>>) src(%dma_wait3A_103 : memref<128x64xf32, #tpu.memory_space<vmem_shared>>) dst(%dma_wait3A_101 : memref<128x64xf32, #tpu.memory_space<hbm>>)
      tpu.yield
    }) : () -> ()
    %mul3A_83 = arith.constant 640 : i32
    %mul3A_84 = arith.muli %arg1, %mul3A_83 : i32
    %add3A_85 = arith.constant 256 : i32
    %add3A_86 = arith.addi %mul3A_84, %add3A_85 : i32
    "tpu.region"() ({
      %run_scoped3A = tpu.sem_alloc : memref<!tpu.dma_semaphore, #tpu.memory_space<semaphore_mem>>
      %dma_start3A_95 = arith.constant 0 : i32
      %dma_start3A_96 = tpu.memref_slice %arg5[%arg0, %add3A_86, %dma_start3A_95] : memref<2x10240x64xf32, #tpu.memory_space<hbm>> -> memref<1x128x64xf32, #tpu.memory_space<hbm>>
      %dma_start3A_97 = tpu.memref_squeeze %dma_start3A_96 : memref<1x128x64xf32, #tpu.memory_space<hbm>> -> memref<128x64xf32, #tpu.memory_space<hbm>>
      %dma_start3A_98 = arith.constant 0 : i32
      %dma_start3A_99 = tpu.memref_slice %arg13[%add3A_86, %dma_start3A_98] : memref<10240x64xf32, #tpu.memory_space<vmem_shared>> -> memref<128x64xf32, #tpu.memory_space<vmem_shared>>
      tpu.enqueue_dma source(%dma_start3A_99 : memref<128x64xf32, #tpu.memory_space<vmem_shared>>) target(%dma_start3A_97 : memref<128x64xf32, #tpu.memory_space<hbm>>) target_semaphore(%run_scoped3A : memref<!tpu.dma_semaphore, #tpu.memory_space<semaphore_mem>>)
      %dma_wait3A = arith.constant 0 : i32
      %dma_wait3A_100 = tpu.memref_slice %arg5[%arg0, %add3A_86, %dma_wait3A] : memref<2x10240x64xf32, #tpu.memory_space<hbm>> -> memref<1x128x64xf32, #tpu.memory_space<hbm>>
      %dma_wait3A_101 = tpu.memref_squeeze %dma_wait3A_100 : memref<1x128x64xf32, #tpu.memory_space<hbm>> -> memref<128x64xf32, #tpu.memory_space<hbm>>
      %dma_wait3A_102 = arith.constant 0 : i32
      %dma_wait3A_103 = tpu.memref_slice %arg13[%add3A_86, %dma_wait3A_102] : memref<10240x64xf32, #tpu.memory_space<vmem_shared>> -> memref<128x64xf32, #tpu.memory_space<vmem_shared>>
      tpu.wait_dma2 semaphore(%run_scoped3A : memref<!tpu.dma_semaphore, #tpu.memory_space<semaphore_mem>>) src(%dma_wait3A_103 : memref<128x64xf32, #tpu.memory_space<vmem_shared>>) dst(%dma_wait3A_101 : memref<128x64xf32, #tpu.memory_space<hbm>>)
      tpu.yield
    }) : () -> ()
    %mul3A_87 = arith.constant 640 : i32
    %mul3A_88 = arith.muli %arg1, %mul3A_87 : i32
    %add3A_89 = arith.constant 384 : i32
    %add3A_90 = arith.addi %mul3A_88, %add3A_89 : i32
    "tpu.region"() ({
      %run_scoped3A = tpu.sem_alloc : memref<!tpu.dma_semaphore, #tpu.memory_space<semaphore_mem>>
      %dma_start3A_95 = arith.constant 0 : i32
      %dma_start3A_96 = tpu.memref_slice %arg5[%arg0, %add3A_90, %dma_start3A_95] : memref<2x10240x64xf32, #tpu.memory_space<hbm>> -> memref<1x128x64xf32, #tpu.memory_space<hbm>>
      %dma_start3A_97 = tpu.memref_squeeze %dma_start3A_96 : memref<1x128x64xf32, #tpu.memory_space<hbm>> -> memref<128x64xf32, #tpu.memory_space<hbm>>
      %dma_start3A_98 = arith.constant 0 : i32
      %dma_start3A_99 = tpu.memref_slice %arg13[%add3A_90, %dma_start3A_98] : memref<10240x64xf32, #tpu.memory_space<vmem_shared>> -> memref<128x64xf32, #tpu.memory_space<vmem_shared>>
      tpu.enqueue_dma source(%dma_start3A_99 : memref<128x64xf32, #tpu.memory_space<vmem_shared>>) target(%dma_start3A_97 : memref<128x64xf32, #tpu.memory_space<hbm>>) target_semaphore(%run_scoped3A : memref<!tpu.dma_semaphore, #tpu.memory_space<semaphore_mem>>)
      %dma_wait3A = arith.constant 0 : i32
      %dma_wait3A_100 = tpu.memref_slice %arg5[%arg0, %add3A_90, %dma_wait3A] : memref<2x10240x64xf32, #tpu.memory_space<hbm>> -> memref<1x128x64xf32, #tpu.memory_space<hbm>>
      %dma_wait3A_101 = tpu.memref_squeeze %dma_wait3A_100 : memref<1x128x64xf32, #tpu.memory_space<hbm>> -> memref<128x64xf32, #tpu.memory_space<hbm>>
      %dma_wait3A_102 = arith.constant 0 : i32
      %dma_wait3A_103 = tpu.memref_slice %arg13[%add3A_90, %dma_wait3A_102] : memref<10240x64xf32, #tpu.memory_space<vmem_shared>> -> memref<128x64xf32, #tpu.memory_space<vmem_shared>>
      tpu.wait_dma2 semaphore(%run_scoped3A : memref<!tpu.dma_semaphore, #tpu.memory_space<semaphore_mem>>) src(%dma_wait3A_103 : memref<128x64xf32, #tpu.memory_space<vmem_shared>>) dst(%dma_wait3A_101 : memref<128x64xf32, #tpu.memory_space<hbm>>)
      tpu.yield
    }) : () -> ()
    %mul3A_91 = arith.constant 640 : i32
    %mul3A_92 = arith.muli %arg1, %mul3A_91 : i32
    %add3A_93 = arith.constant 512 : i32
    %add3A_94 = arith.addi %mul3A_92, %add3A_93 : i32
    "tpu.region"() ({
      %run_scoped3A = tpu.sem_alloc : memref<!tpu.dma_semaphore, #tpu.memory_space<semaphore_mem>>
      %dma_start3A_95 = arith.constant 0 : i32
      %dma_start3A_96 = tpu.memref_slice %arg5[%arg0, %add3A_94, %dma_start3A_95] : memref<2x10240x64xf32, #tpu.memory_space<hbm>> -> memref<1x128x64xf32, #tpu.memory_space<hbm>>
      %dma_start3A_97 = tpu.memref_squeeze %dma_start3A_96 : memref<1x128x64xf32, #tpu.memory_space<hbm>> -> memref<128x64xf32, #tpu.memory_space<hbm>>
      %dma_start3A_98 = arith.constant 0 : i32
      %dma_start3A_99 = tpu.memref_slice %arg13[%add3A_94, %dma_start3A_98] : memref<10240x64xf32, #tpu.memory_space<vmem_shared>> -> memref<128x64xf32, #tpu.memory_space<vmem_shared>>
      tpu.enqueue_dma source(%dma_start3A_99 : memref<128x64xf32, #tpu.memory_space<vmem_shared>>) target(%dma_start3A_97 : memref<128x64xf32, #tpu.memory_space<hbm>>) target_semaphore(%run_scoped3A : memref<!tpu.dma_semaphore, #tpu.memory_space<semaphore_mem>>)
      %dma_wait3A = arith.constant 0 : i32
      %dma_wait3A_100 = tpu.memref_slice %arg5[%arg0, %add3A_94, %dma_wait3A] : memref<2x10240x64xf32, #tpu.memory_space<hbm>> -> memref<1x128x64xf32, #tpu.memory_space<hbm>>
      %dma_wait3A_101 = tpu.memref_squeeze %dma_wait3A_100 : memref<1x128x64xf32, #tpu.memory_space<hbm>> -> memref<128x64xf32, #tpu.memory_space<hbm>>
      %dma_wait3A_102 = arith.constant 0 : i32
      %dma_wait3A_103 = tpu.memref_slice %arg13[%add3A_94, %dma_wait3A_102] : memref<10240x64xf32, #tpu.memory_space<vmem_shared>> -> memref<128x64xf32, #tpu.memory_space<vmem_shared>>
      tpu.wait_dma2 semaphore(%run_scoped3A : memref<!tpu.dma_semaphore, #tpu.memory_space<semaphore_mem>>) src(%dma_wait3A_103 : memref<128x64xf32, #tpu.memory_space<vmem_shared>>) dst(%dma_wait3A_101 : memref<128x64xf32, #tpu.memory_space<hbm>>)
      tpu.yield
    }) : () -> ()
    return
  }
}

#map = affine_map<(d0, d1) -> (0, 0, 0)>
#map1 = affine_map<(d0, d1) -> (0, 0)>
module attributes {stable_mosaic.version = 14 : i64} {
  func.func @k(%arg0: i32, %arg1: i32, %arg2: memref<32x80x128xi32, #tpu.memory_space<hbm>>, %arg3: memref<2x10240xf32, #tpu.memory_space<hbm>>, %arg4: memref<80x128xi32, #tpu.memory_space<vmem>>, %arg5: memref<128xf32, #tpu.memory_space<vmem>>, %arg6: memref<640xf32, #tpu.memory_space<vmem>>, %arg7: memref<10240xf32, #tpu.memory_space<vmem_shared>>) attributes {dimension_semantics = [#tpu.dimension_semantics<core_parallel>, #tpu.dimension_semantics<subcore_parallel>], iteration_bounds = array<i64: 2, 16>, scalar_prefetch = 0 : i64, scratch_operands = 4 : i64, tpu.core_type = #tpu.core_type<sc_vector_subcore>, window_params = [{transform_indices = #map}, {transform_indices = #map1}]} {
    %mul3A = arith.constant 16 : i32
    %mul3A_0 = arith.muli %arg0, %mul3A : i32
    %add3A = arith.addi %mul3A_0, %arg1 : i32
    %broadcast_in_dim3A = arith.constant 1.000000e+00 : f32
    %broadcast_in_dim3A_1 = vector.broadcast %broadcast_in_dim3A : f32 to vector<16xf32>
    %swap3A = arith.constant 0 : index
    %swap3A_2 = tpu.vector_load %arg5[%swap3A] {strides = array<i32>} : memref<128xf32, #tpu.memory_space<vmem>>, vector<16xf32>,
    %swap3A_3 = vector.shape_cast %swap3A_2 : vector<16xf32> to vector<16xf32>
    %swap3A_4 = vector.shape_cast %broadcast_in_dim3A_1 : vector<16xf32> to vector<16xf32>
    tpu.vector_store %arg5[%swap3A], %swap3A_4 {strides = array<i32>} : memref<128xf32, #tpu.memory_space<vmem>>, vector<16xf32>,
    %broadcast_in_dim3A_5 = arith.constant 1.000000e+00 : f32
    %broadcast_in_dim3A_6 = vector.broadcast %broadcast_in_dim3A_5 : f32 to vector<16xf32>
    %swap3A_7 = arith.constant 16 : index
    %swap3A_8 = tpu.vector_load %arg5[%swap3A_7] {strides = array<i32>} : memref<128xf32, #tpu.memory_space<vmem>>, vector<16xf32>,
    %swap3A_9 = vector.shape_cast %swap3A_8 : vector<16xf32> to vector<16xf32>
    %swap3A_10 = vector.shape_cast %broadcast_in_dim3A_6 : vector<16xf32> to vector<16xf32>
    tpu.vector_store %arg5[%swap3A_7], %swap3A_10 {strides = array<i32>} : memref<128xf32, #tpu.memory_space<vmem>>, vector<16xf32>,
    %broadcast_in_dim3A_11 = arith.constant 1.000000e+00 : f32
    %broadcast_in_dim3A_12 = vector.broadcast %broadcast_in_dim3A_11 : f32 to vector<16xf32>
    %swap3A_13 = arith.constant 32 : index
    %swap3A_14 = tpu.vector_load %arg5[%swap3A_13] {strides = array<i32>} : memref<128xf32, #tpu.memory_space<vmem>>, vector<16xf32>,
    %swap3A_15 = vector.shape_cast %swap3A_14 : vector<16xf32> to vector<16xf32>
    %swap3A_16 = vector.shape_cast %broadcast_in_dim3A_12 : vector<16xf32> to vector<16xf32>
    tpu.vector_store %arg5[%swap3A_13], %swap3A_16 {strides = array<i32>} : memref<128xf32, #tpu.memory_space<vmem>>, vector<16xf32>,
    %broadcast_in_dim3A_17 = arith.constant 1.000000e+00 : f32
    %broadcast_in_dim3A_18 = vector.broadcast %broadcast_in_dim3A_17 : f32 to vector<16xf32>
    %swap3A_19 = arith.constant 48 : index
    %swap3A_20 = tpu.vector_load %arg5[%swap3A_19] {strides = array<i32>} : memref<128xf32, #tpu.memory_space<vmem>>, vector<16xf32>,
    %swap3A_21 = vector.shape_cast %swap3A_20 : vector<16xf32> to vector<16xf32>
    %swap3A_22 = vector.shape_cast %broadcast_in_dim3A_18 : vector<16xf32> to vector<16xf32>
    tpu.vector_store %arg5[%swap3A_19], %swap3A_22 {strides = array<i32>} : memref<128xf32, #tpu.memory_space<vmem>>, vector<16xf32>,
    %broadcast_in_dim3A_23 = arith.constant 1.000000e+00 : f32
    %broadcast_in_dim3A_24 = vector.broadcast %broadcast_in_dim3A_23 : f32 to vector<16xf32>
    %swap3A_25 = arith.constant 64 : index
    %swap3A_26 = tpu.vector_load %arg5[%swap3A_25] {strides = array<i32>} : memref<128xf32, #tpu.memory_space<vmem>>, vector<16xf32>,
    %swap3A_27 = vector.shape_cast %swap3A_26 : vector<16xf32> to vector<16xf32>
    %swap3A_28 = vector.shape_cast %broadcast_in_dim3A_24 : vector<16xf32> to vector<16xf32>
    tpu.vector_store %arg5[%swap3A_25], %swap3A_28 {strides = array<i32>} : memref<128xf32, #tpu.memory_space<vmem>>, vector<16xf32>,
    %broadcast_in_dim3A_29 = arith.constant 1.000000e+00 : f32
    %broadcast_in_dim3A_30 = vector.broadcast %broadcast_in_dim3A_29 : f32 to vector<16xf32>
    %swap3A_31 = arith.constant 80 : index
    %swap3A_32 = tpu.vector_load %arg5[%swap3A_31] {strides = array<i32>} : memref<128xf32, #tpu.memory_space<vmem>>, vector<16xf32>,
    %swap3A_33 = vector.shape_cast %swap3A_32 : vector<16xf32> to vector<16xf32>
    %swap3A_34 = vector.shape_cast %broadcast_in_dim3A_30 : vector<16xf32> to vector<16xf32>
    tpu.vector_store %arg5[%swap3A_31], %swap3A_34 {strides = array<i32>} : memref<128xf32, #tpu.memory_space<vmem>>, vector<16xf32>,
    %broadcast_in_dim3A_35 = arith.constant 1.000000e+00 : f32
    %broadcast_in_dim3A_36 = vector.broadcast %broadcast_in_dim3A_35 : f32 to vector<16xf32>
    %swap3A_37 = arith.constant 96 : index
    %swap3A_38 = tpu.vector_load %arg5[%swap3A_37] {strides = array<i32>} : memref<128xf32, #tpu.memory_space<vmem>>, vector<16xf32>,
    %swap3A_39 = vector.shape_cast %swap3A_38 : vector<16xf32> to vector<16xf32>
    %swap3A_40 = vector.shape_cast %broadcast_in_dim3A_36 : vector<16xf32> to vector<16xf32>
    tpu.vector_store %arg5[%swap3A_37], %swap3A_40 {strides = array<i32>} : memref<128xf32, #tpu.memory_space<vmem>>, vector<16xf32>,
    %broadcast_in_dim3A_41 = arith.constant 1.000000e+00 : f32
    %broadcast_in_dim3A_42 = vector.broadcast %broadcast_in_dim3A_41 : f32 to vector<16xf32>
    %swap3A_43 = arith.constant 112 : index
    %swap3A_44 = tpu.vector_load %arg5[%swap3A_43] {strides = array<i32>} : memref<128xf32, #tpu.memory_space<vmem>>, vector<16xf32>,
    %swap3A_45 = vector.shape_cast %swap3A_44 : vector<16xf32> to vector<16xf32>
    %swap3A_46 = vector.shape_cast %broadcast_in_dim3A_42 : vector<16xf32> to vector<16xf32>
    tpu.vector_store %arg5[%swap3A_43], %swap3A_46 {strides = array<i32>} : memref<128xf32, #tpu.memory_space<vmem>>, vector<16xf32>,
    %scan3A = arith.constant 0 : i32
    %scan3A_47 = arith.constant 0 : i32
    %scan3A_48 = arith.constant 40 : i32
    %scan3A_49 = arith.addi %scan3A_47, %scan3A_48 : i32
    %scan3A_50 = arith.constant 1 : i32
    %scan3A_51 = scf.for %scan3A_67 = %scan3A_47 to %scan3A_49 step %scan3A_50 iter_args(%scan3A_68 = %scan3A) -> (i32)  : i32 {
      %broadcast_in_dim3A_69 = arith.constant 0.000000e+00 : f32
      %broadcast_in_dim3A_70 = vector.broadcast %broadcast_in_dim3A_69 : f32 to vector<16xf32>
      %mul3A_71 = arith.constant 16 : i32
      %mul3A_72 = arith.muli %scan3A_67, %mul3A_71 : i32
      %swap3A_73 = arith.index_cast %mul3A_72 : i32 to index
      %swap3A_74 = tpu.vector_load %arg6[%swap3A_73] {strides = array<i32>} : memref<640xf32, #tpu.memory_space<vmem>>, vector<16xf32>,
      %swap3A_75 = vector.shape_cast %swap3A_74 : vector<16xf32> to vector<16xf32>
      %swap3A_76 = vector.shape_cast %broadcast_in_dim3A_70 : vector<16xf32> to vector<16xf32>
      tpu.vector_store %arg6[%swap3A_73], %swap3A_76 {strides = array<i32>} : memref<640xf32, #tpu.memory_space<vmem>>, vector<16xf32>,
      %scan3A_77 = arith.constant 0 : i32
      scf.yield %scan3A_77 : i32
    }
    %scan3A_52 = arith.constant 40 : i32
    %mul3A_53 = arith.constant 640 : i32
    %mul3A_54 = arith.muli %arg1, %mul3A_53 : i32
    "tpu.region"() ({
      %run_scoped3A = tpu.sem_alloc : memref<!tpu.dma_semaphore, #tpu.memory_space<semaphore_mem>>
      %dma_start3A = tpu.memref_slice %arg7[%mul3A_54] : memref<10240xf32, #tpu.memory_space<vmem_shared>> -> memref<640xf32, #tpu.memory_space<vmem_shared>>
      %dma_start3A_67 = tpu.memref_slice %arg7[%mul3A_54] : memref<10240xf32, #tpu.memory_space<vmem_shared>> -> memref<640xf32, #tpu.memory_space<vmem_shared>>
      tpu.enqueue_dma source(%arg6 : memref<640xf32, #tpu.memory_space<vmem>>) target(%dma_start3A_67 : memref<640xf32, #tpu.memory_space<vmem_shared>>) target_semaphore(%run_scoped3A : memref<!tpu.dma_semaphore, #tpu.memory_space<semaphore_mem>>)
      %dma_wait3A = tpu.memref_slice %arg7[%mul3A_54] : memref<10240xf32, #tpu.memory_space<vmem_shared>> -> memref<640xf32, #tpu.memory_space<vmem_shared>>
      %dma_wait3A_68 = tpu.memref_slice %arg7[%mul3A_54] : memref<10240xf32, #tpu.memory_space<vmem_shared>> -> memref<640xf32, #tpu.memory_space<vmem_shared>>
      tpu.wait_dma2 semaphore(%run_scoped3A : memref<!tpu.dma_semaphore, #tpu.memory_space<semaphore_mem>>) src(%arg6 : memref<640xf32, #tpu.memory_space<vmem>>) dst(%dma_wait3A_68 : memref<640xf32, #tpu.memory_space<vmem_shared>>)
      tpu.yield
    }) : () -> ()
    "tpu.region"() ({
      %run_scoped3A = tpu.sem_alloc : memref<!tpu.dma_semaphore, #tpu.memory_space<semaphore_mem>>
      %dma_start3A = arith.constant 0 : i32
      %dma_start3A_67 = arith.constant 0 : i32
      %dma_start3A_68 = tpu.memref_slice %arg2[%add3A, %dma_start3A, %dma_start3A_67] : memref<32x80x128xi32, #tpu.memory_space<hbm>> -> memref<1x80x128xi32, #tpu.memory_space<hbm>>
      %dma_start3A_69 = tpu.memref_squeeze %dma_start3A_68 : memref<1x80x128xi32, #tpu.memory_space<hbm>> -> memref<80x128xi32, #tpu.memory_space<hbm>>
      %dma_start3A_70 = arith.constant 0 : i32
      %dma_start3A_71 = arith.constant 0 : i32
      %dma_start3A_72 = tpu.memref_slice %arg2[%add3A, %dma_start3A_70, %dma_start3A_71] : memref<32x80x128xi32, #tpu.memory_space<hbm>> -> memref<1x80x128xi32, #tpu.memory_space<hbm>>
      %dma_start3A_73 = tpu.memref_squeeze %dma_start3A_72 : memref<1x80x128xi32, #tpu.memory_space<hbm>> -> memref<80x128xi32, #tpu.memory_space<hbm>>
      tpu.enqueue_dma source(%dma_start3A_73 : memref<80x128xi32, #tpu.memory_space<hbm>>) target(%arg4 : memref<80x128xi32, #tpu.memory_space<vmem>>) target_semaphore(%run_scoped3A : memref<!tpu.dma_semaphore, #tpu.memory_space<semaphore_mem>>)
      %dma_wait3A = arith.constant 0 : i32
      %dma_wait3A_74 = arith.constant 0 : i32
      %dma_wait3A_75 = tpu.memref_slice %arg2[%add3A, %dma_wait3A, %dma_wait3A_74] : memref<32x80x128xi32, #tpu.memory_space<hbm>> -> memref<1x80x128xi32, #tpu.memory_space<hbm>>
      %dma_wait3A_76 = tpu.memref_squeeze %dma_wait3A_75 : memref<1x80x128xi32, #tpu.memory_space<hbm>> -> memref<80x128xi32, #tpu.memory_space<hbm>>
      %dma_wait3A_77 = arith.constant 0 : i32
      %dma_wait3A_78 = arith.constant 0 : i32
      %dma_wait3A_79 = tpu.memref_slice %arg2[%add3A, %dma_wait3A_77, %dma_wait3A_78] : memref<32x80x128xi32, #tpu.memory_space<hbm>> -> memref<1x80x128xi32, #tpu.memory_space<hbm>>
      %dma_wait3A_80 = tpu.memref_squeeze %dma_wait3A_79 : memref<1x80x128xi32, #tpu.memory_space<hbm>> -> memref<80x128xi32, #tpu.memory_space<hbm>>
      tpu.wait_dma2 semaphore(%run_scoped3A : memref<!tpu.dma_semaphore, #tpu.memory_space<semaphore_mem>>) src(%dma_wait3A_80 : memref<80x128xi32, #tpu.memory_space<hbm>>) dst(%arg4 : memref<80x128xi32, #tpu.memory_space<vmem>>)
      tpu.yield
    }) : () -> ()
    %barrier3A = arith.constant 0 : index
    tpu.barrier barrier_id(%barrier3A)
    %scan3A_55 = arith.constant 0 : i32
    %scan3A_56 = arith.constant 0 : i32
    %scan3A_57 = arith.constant 80 : i32
    %scan3A_58 = arith.addi %scan3A_56, %scan3A_57 : i32
    %scan3A_59 = arith.constant 1 : i32
    %scan3A_60 = scf.for %scan3A_67 = %scan3A_56 to %scan3A_58 step %scan3A_59 iter_args(%scan3A_68 = %scan3A_55) -> (i32)  : i32 {
      "tpu.region"() ({
        %run_scoped3A = tpu.sem_alloc : memref<!tpu.dma_semaphore, #tpu.memory_space<semaphore_mem>>
        %dma_start3A = arith.constant 0 : i32
        %dma_start3A_70 = tpu.memref_slice %arg4[%scan3A_67, %dma_start3A] : memref<80x128xi32, #tpu.memory_space<vmem>> -> memref<1x128xi32, #tpu.memory_space<vmem>>
        %dma_start3A_71 = tpu.memref_squeeze %dma_start3A_70 : memref<1x128xi32, #tpu.memory_space<vmem>> -> memref<128xi32, #tpu.memory_space<vmem>>
        %dma_start3A_72 = arith.constant 0 : i32
        %dma_start3A_73 = tpu.memref_slice %arg7[%dma_start3A_72] : memref<10240xf32, #tpu.memory_space<vmem_shared>> -> memref<10240xf32, #tpu.memory_space<vmem_shared>>
        tpu.enqueue_indirect_dma source(%arg5 : memref<128xf32, #tpu.memory_space<vmem>>) target(%dma_start3A_73 : memref<10240xf32, #tpu.memory_space<vmem_shared>>) offsets(%dma_start3A_71 : memref<128xi32, #tpu.memory_space<vmem>>) semaphore(%run_scoped3A : memref<!tpu.dma_semaphore, #tpu.memory_space<semaphore_mem>>) {add = true}
        %dma_wait3A = arith.constant 0 : i32
        %dma_wait3A_74 = tpu.memref_slice %arg4[%scan3A_67, %dma_wait3A] : memref<80x128xi32, #tpu.memory_space<vmem>> -> memref<1x128xi32, #tpu.memory_space<vmem>>
        %dma_wait3A_75 = tpu.memref_squeeze %dma_wait3A_74 : memref<1x128xi32, #tpu.memory_space<vmem>> -> memref<128xi32, #tpu.memory_space<vmem>>
        %dma_wait3A_76 = arith.constant 0 : i32
        %dma_wait3A_77 = tpu.memref_slice %arg7[%dma_wait3A_76] : memref<10240xf32, #tpu.memory_space<vmem_shared>> -> memref<10240xf32, #tpu.memory_space<vmem_shared>>
        tpu.wait_indirect_dma semaphore(%run_scoped3A : memref<!tpu.dma_semaphore, #tpu.memory_space<semaphore_mem>>) src(%arg5 : memref<128xf32, #tpu.memory_space<vmem>>) dst(%dma_wait3A_77 : memref<10240xf32, #tpu.memory_space<vmem_shared>>)
        tpu.yield
      }) : () -> ()
      %scan3A_69 = arith.constant 0 : i32
      scf.yield %scan3A_69 : i32
    }
    %scan3A_61 = arith.constant 80 : i32
    %barrier3A_62 = arith.constant 0 : index
    tpu.barrier barrier_id(%barrier3A_62)
    %mul3A_63 = arith.constant 640 : i32
    %mul3A_64 = arith.muli %arg1, %mul3A_63 : i32
    %mul3A_65 = arith.constant 640 : i32
    %mul3A_66 = arith.muli %arg1, %mul3A_65 : i32
    "tpu.region"() ({
      %run_scoped3A = tpu.sem_alloc : memref<!tpu.dma_semaphore, #tpu.memory_space<semaphore_mem>>
      %dma_start3A = tpu.memref_slice %arg3[%arg0, %mul3A_66] : memref<2x10240xf32, #tpu.memory_space<hbm>> -> memref<1x640xf32, #tpu.memory_space<hbm>>
      %dma_start3A_67 = tpu.memref_squeeze %dma_start3A : memref<1x640xf32, #tpu.memory_space<hbm>> -> memref<640xf32, #tpu.memory_space<hbm>>
      %dma_start3A_68 = tpu.memref_slice %arg7[%mul3A_64] : memref<10240xf32, #tpu.memory_space<vmem_shared>> -> memref<640xf32, #tpu.memory_space<vmem_shared>>
      tpu.enqueue_dma source(%dma_start3A_68 : memref<640xf32, #tpu.memory_space<vmem_shared>>) target(%dma_start3A_67 : memref<640xf32, #tpu.memory_space<hbm>>) target_semaphore(%run_scoped3A : memref<!tpu.dma_semaphore, #tpu.memory_space<semaphore_mem>>)
      %dma_wait3A = tpu.memref_slice %arg3[%arg0, %mul3A_66] : memref<2x10240xf32, #tpu.memory_space<hbm>> -> memref<1x640xf32, #tpu.memory_space<hbm>>
      %dma_wait3A_69 = tpu.memref_squeeze %dma_wait3A : memref<1x640xf32, #tpu.memory_space<hbm>> -> memref<640xf32, #tpu.memory_space<hbm>>
      %dma_wait3A_70 = tpu.memref_slice %arg7[%mul3A_64] : memref<10240xf32, #tpu.memory_space<vmem_shared>> -> memref<640xf32, #tpu.memory_space<vmem_shared>>
      tpu.wait_dma2 semaphore(%run_scoped3A : memref<!tpu.dma_semaphore, #tpu.memory_space<semaphore_mem>>) src(%dma_wait3A_70 : memref<640xf32, #tpu.memory_space<vmem_shared>>) dst(%dma_wait3A_69 : memref<640xf32, #tpu.memory_space<hbm>>)
      tpu.yield
    }) : () -> ()
    return
  }
}

#map = affine_map<(d0, d1) -> (0, 0, 0)>
module attributes {stable_mosaic.version = 14 : i64} {
  func.func @k(%arg0: i32, %arg1: i32, %arg2: memref<16x160x128xi32, #tpu.memory_space<hbm>>, %arg3: memref<16x160x128xi32, #tpu.memory_space<hbm>>, %arg4: memref<2x10000x64xf32, #tpu.memory_space<hbm>>, %arg5: memref<2x10240x64xf32, #tpu.memory_space<hbm>>, %arg6: memref<160x128xi32, #tpu.memory_space<vmem>>, %arg7: memref<160x128xi32, #tpu.memory_space<vmem>>, %arg8: memref<128x64xf32, #tpu.memory_space<vmem>>, %arg9: memref<128x64xf32, #tpu.memory_space<vmem>>, %arg10: memref<128x64xf32, #tpu.memory_space<vmem>>, %arg11: memref<128x64xf32, #tpu.memory_space<vmem>>, %arg12: memref<128x64xf32, #tpu.memory_space<vmem>>, %arg13: memref<10240x64xf32, #tpu.memory_space<vmem_shared>>, %arg14: memref<!tpu.dma_semaphore, #tpu.memory_space<semaphore_mem>>, %arg15: memref<!tpu.dma_semaphore, #tpu.memory_space<semaphore_mem>>, %arg16: memref<!tpu.dma_semaphore, #tpu.memory_space<semaphore_mem>>, %arg17: memref<!tpu.dma_semaphore, #tpu.memory_space<semaphore_mem>>) attributes {dimension_semantics = [#tpu.dimension_semantics<core_parallel>, #tpu.dimension_semantics<subcore_parallel>], iteration_bounds = array<i64: 2, 16>, scalar_prefetch = 0 : i64, scratch_operands = 12 : i64, tpu.core_type = #tpu.core_type<sc_vector_subcore>, window_params = [{transform_indices = #map}, {transform_indices = #map}, {transform_indices = #map}, {transform_indices = #map}]} {
    %scan3A = arith.constant 0 : i32
    %scan3A_0 = arith.constant 0 : i32
    %scan3A_1 = arith.constant 128 : i32
    %scan3A_2 = arith.addi %scan3A_0, %scan3A_1 : i32
    %scan3A_3 = arith.constant 1 : i32
    %scan3A_4 = scf.for %scan3A_95 = %scan3A_0 to %scan3A_2 step %scan3A_3 iter_args(%scan3A_96 = %scan3A) -> (i32)  : i32 {
      %broadcast_in_dim3A = arith.constant 0.000000e+00 : f32
      %broadcast_in_dim3A_97 = vector.broadcast %broadcast_in_dim3A : f32 to vector<16xf32>
      %swap3A = arith.index_cast %scan3A_95 : i32 to index
      %swap3A_98 = arith.constant 0 : index
      %swap3A_99 = tpu.vector_load %arg12[%swap3A, %swap3A_98] {strides = array<i32>} : memref<128x64xf32, #tpu.memory_space<vmem>>, vector<1x16xf32>,
      %swap3A_100 = vector.shape_cast %swap3A_99 : vector<1x16xf32> to vector<16xf32>
      %swap3A_101 = vector.shape_cast %broadcast_in_dim3A_97 : vector<16xf32> to vector<1x16xf32>
      tpu.vector_store %arg12[%swap3A, %swap3A_98], %swap3A_101 {strides = array<i32>} : memref<128x64xf32, #tpu.memory_space<vmem>>, vector<1x16xf32>,
      %broadcast_in_dim3A_102 = arith.constant 0.000000e+00 : f32
      %broadcast_in_dim3A_103 = vector.broadcast %broadcast_in_dim3A_102 : f32 to vector<16xf32>
      %swap3A_104 = arith.index_cast %scan3A_95 : i32 to index
      %swap3A_105 = arith.constant 16 : index
      %swap3A_106 = tpu.vector_load %arg12[%swap3A_104, %swap3A_105] {strides = array<i32>} : memref<128x64xf32, #tpu.memory_space<vmem>>, vector<1x16xf32>,
      %swap3A_107 = vector.shape_cast %swap3A_106 : vector<1x16xf32> to vector<16xf32>
      %swap3A_108 = vector.shape_cast %broadcast_in_dim3A_103 : vector<16xf32> to vector<1x16xf32>
      tpu.vector_store %arg12[%swap3A_104, %swap3A_105], %swap3A_108 {strides = array<i32>} : memref<128x64xf32, #tpu.memory_space<vmem>>, vector<1x16xf32>,
      %broadcast_in_dim3A_109 = arith.constant 0.000000e+00 : f32
      %broadcast_in_dim3A_110 = vector.broadcast %broadcast_in_dim3A_109 : f32 to vector<16xf32>
      %swap3A_111 = arith.index_cast %scan3A_95 : i32 to index
      %swap3A_112 = arith.constant 32 : index
      %swap3A_113 = tpu.vector_load %arg12[%swap3A_111, %swap3A_112] {strides = array<i32>} : memref<128x64xf32, #tpu.memory_space<vmem>>, vector<1x16xf32>,
      %swap3A_114 = vector.shape_cast %swap3A_113 : vector<1x16xf32> to vector<16xf32>
      %swap3A_115 = vector.shape_cast %broadcast_in_dim3A_110 : vector<16xf32> to vector<1x16xf32>
      tpu.vector_store %arg12[%swap3A_111, %swap3A_112], %swap3A_115 {strides = array<i32>} : memref<128x64xf32, #tpu.memory_space<vmem>>, vector<1x16xf32>,
      %broadcast_in_dim3A_116 = arith.constant 0.000000e+00 : f32
      %broadcast_in_dim3A_117 = vector.broadcast %broadcast_in_dim3A_116 : f32 to vector<16xf32>
      %swap3A_118 = arith.index_cast %scan3A_95 : i32 to index
      %swap3A_119 = arith.constant 48 : index
      %swap3A_120 = tpu.vector_load %arg12[%swap3A_118, %swap3A_119] {strides = array<i32>} : memref<128x64xf32, #tpu.memory_space<vmem>>, vector<1x16xf32>,
      %swap3A_121 = vector.shape_cast %swap3A_120 : vector<1x16xf32> to vector<16xf32>
      %swap3A_122 = vector.shape_cast %broadcast_in_dim3A_117 : vector<16xf32> to vector<1x16xf32>
      tpu.vector_store %arg12[%swap3A_118, %swap3A_119], %swap3A_122 {strides = array<i32>} : memref<128x64xf32, #tpu.memory_space<vmem>>, vector<1x16xf32>,
      %scan3A_123 = arith.constant 0 : i32
      scf.yield %scan3A_123 : i32
    }
    %scan3A_5 = arith.constant 128 : i32
    %mul3A = arith.constant 640 : i32
    %mul3A_6 = arith.muli %arg1, %mul3A : i32
    %add3A = arith.constant 0 : i32
    %add3A_7 = arith.addi %mul3A_6, %add3A : i32
    "tpu.region"() ({
      %run_scoped3A = tpu.sem_alloc : memref<!tpu.dma_semaphore, #tpu.memory_space<semaphore_mem>>
      %dma_start3A_95 = arith.constant 0 : i32
      %dma_start3A_96 = tpu.memref_slice %arg13[%add3A_7, %dma_start3A_95] : memref<10240x64xf32, #tpu.memory_space<vmem_shared>> -> memref<128x64xf32, #tpu.memory_space<vmem_shared>>
      %dma_start3A_97 = arith.constant 0 : i32
      %dma_start3A_98 = tpu.memref_slice %arg13[%add3A_7, %dma_start3A_97] : memref<10240x64xf32, #tpu.memory_space<vmem_shared>> -> memref<128x64xf32, #tpu.memory_space<vmem_shared>>
      tpu.enqueue_dma source(%arg12 : memref<128x64xf32, #tpu.memory_space<vmem>>) target(%dma_start3A_98 : memref<128x64xf32, #tpu.memory_space<vmem_shared>>) target_semaphore(%run_scoped3A : memref<!tpu.dma_semaphore, #tpu.memory_space<semaphore_mem>>)
      %dma_wait3A = arith.constant 0 : i32
      %dma_wait3A_99 = tpu.memref_slice %arg13[%add3A_7, %dma_wait3A] : memref<10240x64xf32, #tpu.memory_space<vmem_shared>> -> memref<128x64xf32, #tpu.memory_space<vmem_shared>>
      %dma_wait3A_100 = arith.constant 0 : i32
      %dma_wait3A_101 = tpu.memref_slice %arg13[%add3A_7, %dma_wait3A_100] : memref<10240x64xf32, #tpu.memory_space<vmem_shared>> -> memref<128x64xf32, #tpu.memory_space<vmem_shared>>
      tpu.wait_dma2 semaphore(%run_scoped3A : memref<!tpu.dma_semaphore, #tpu.memory_space<semaphore_mem>>) src(%arg12 : memref<128x64xf32, #tpu.memory_space<vmem>>) dst(%dma_wait3A_101 : memref<128x64xf32, #tpu.memory_space<vmem_shared>>)
      tpu.yield
    }) : () -> ()
    %mul3A_8 = arith.constant 640 : i32
    %mul3A_9 = arith.muli %arg1, %mul3A_8 : i32
    %add3A_10 = arith.constant 128 : i32
    %add3A_11 = arith.addi %mul3A_9, %add3A_10 : i32
    "tpu.region"() ({
      %run_scoped3A = tpu.sem_alloc : memref<!tpu.dma_semaphore, #tpu.memory_space<semaphore_mem>>
      %dma_start3A_95 = arith.constant 0 : i32
      %dma_start3A_96 = tpu.memref_slice %arg13[%add3A_11, %dma_start3A_95] : memref<10240x64xf32, #tpu.memory_space<vmem_shared>> -> memref<128x64xf32, #tpu.memory_space<vmem_shared>>
      %dma_start3A_97 = arith.constant 0 : i32
      %dma_start3A_98 = tpu.memref_slice %arg13[%add3A_11, %dma_start3A_97] : memref<10240x64xf32, #tpu.memory_space<vmem_shared>> -> memref<128x64xf32, #tpu.memory_space<vmem_shared>>
      tpu.enqueue_dma source(%arg12 : memref<128x64xf32, #tpu.memory_space<vmem>>) target(%dma_start3A_98 : memref<128x64xf32, #tpu.memory_space<vmem_shared>>) target_semaphore(%run_scoped3A : memref<!tpu.dma_semaphore, #tpu.memory_space<semaphore_mem>>)
      %dma_wait3A = arith.constant 0 : i32
      %dma_wait3A_99 = tpu.memref_slice %arg13[%add3A_11, %dma_wait3A] : memref<10240x64xf32, #tpu.memory_space<vmem_shared>> -> memref<128x64xf32, #tpu.memory_space<vmem_shared>>
      %dma_wait3A_100 = arith.constant 0 : i32
      %dma_wait3A_101 = tpu.memref_slice %arg13[%add3A_11, %dma_wait3A_100] : memref<10240x64xf32, #tpu.memory_space<vmem_shared>> -> memref<128x64xf32, #tpu.memory_space<vmem_shared>>
      tpu.wait_dma2 semaphore(%run_scoped3A : memref<!tpu.dma_semaphore, #tpu.memory_space<semaphore_mem>>) src(%arg12 : memref<128x64xf32, #tpu.memory_space<vmem>>) dst(%dma_wait3A_101 : memref<128x64xf32, #tpu.memory_space<vmem_shared>>)
      tpu.yield
    }) : () -> ()
    %mul3A_12 = arith.constant 640 : i32
    %mul3A_13 = arith.muli %arg1, %mul3A_12 : i32
    %add3A_14 = arith.constant 256 : i32
    %add3A_15 = arith.addi %mul3A_13, %add3A_14 : i32
    "tpu.region"() ({
      %run_scoped3A = tpu.sem_alloc : memref<!tpu.dma_semaphore, #tpu.memory_space<semaphore_mem>>
      %dma_start3A_95 = arith.constant 0 : i32
      %dma_start3A_96 = tpu.memref_slice %arg13[%add3A_15, %dma_start3A_95] : memref<10240x64xf32, #tpu.memory_space<vmem_shared>> -> memref<128x64xf32, #tpu.memory_space<vmem_shared>>
      %dma_start3A_97 = arith.constant 0 : i32
      %dma_start3A_98 = tpu.memref_slice %arg13[%add3A_15, %dma_start3A_97] : memref<10240x64xf32, #tpu.memory_space<vmem_shared>> -> memref<128x64xf32, #tpu.memory_space<vmem_shared>>
      tpu.enqueue_dma source(%arg12 : memref<128x64xf32, #tpu.memory_space<vmem>>) target(%dma_start3A_98 : memref<128x64xf32, #tpu.memory_space<vmem_shared>>) target_semaphore(%run_scoped3A : memref<!tpu.dma_semaphore, #tpu.memory_space<semaphore_mem>>)
      %dma_wait3A = arith.constant 0 : i32
      %dma_wait3A_99 = tpu.memref_slice %arg13[%add3A_15, %dma_wait3A] : memref<10240x64xf32, #tpu.memory_space<vmem_shared>> -> memref<128x64xf32, #tpu.memory_space<vmem_shared>>
      %dma_wait3A_100 = arith.constant 0 : i32
      %dma_wait3A_101 = tpu.memref_slice %arg13[%add3A_15, %dma_wait3A_100] : memref<10240x64xf32, #tpu.memory_space<vmem_shared>> -> memref<128x64xf32, #tpu.memory_space<vmem_shared>>
      tpu.wait_dma2 semaphore(%run_scoped3A : memref<!tpu.dma_semaphore, #tpu.memory_space<semaphore_mem>>) src(%arg12 : memref<128x64xf32, #tpu.memory_space<vmem>>) dst(%dma_wait3A_101 : memref<128x64xf32, #tpu.memory_space<vmem_shared>>)
      tpu.yield
    }) : () -> ()
    %mul3A_16 = arith.constant 640 : i32
    %mul3A_17 = arith.muli %arg1, %mul3A_16 : i32
    %add3A_18 = arith.constant 384 : i32
    %add3A_19 = arith.addi %mul3A_17, %add3A_18 : i32
    "tpu.region"() ({
      %run_scoped3A = tpu.sem_alloc : memref<!tpu.dma_semaphore, #tpu.memory_space<semaphore_mem>>
      %dma_start3A_95 = arith.constant 0 : i32
      %dma_start3A_96 = tpu.memref_slice %arg13[%add3A_19, %dma_start3A_95] : memref<10240x64xf32, #tpu.memory_space<vmem_shared>> -> memref<128x64xf32, #tpu.memory_space<vmem_shared>>
      %dma_start3A_97 = arith.constant 0 : i32
      %dma_start3A_98 = tpu.memref_slice %arg13[%add3A_19, %dma_start3A_97] : memref<10240x64xf32, #tpu.memory_space<vmem_shared>> -> memref<128x64xf32, #tpu.memory_space<vmem_shared>>
      tpu.enqueue_dma source(%arg12 : memref<128x64xf32, #tpu.memory_space<vmem>>) target(%dma_start3A_98 : memref<128x64xf32, #tpu.memory_space<vmem_shared>>) target_semaphore(%run_scoped3A : memref<!tpu.dma_semaphore, #tpu.memory_space<semaphore_mem>>)
      %dma_wait3A = arith.constant 0 : i32
      %dma_wait3A_99 = tpu.memref_slice %arg13[%add3A_19, %dma_wait3A] : memref<10240x64xf32, #tpu.memory_space<vmem_shared>> -> memref<128x64xf32, #tpu.memory_space<vmem_shared>>
      %dma_wait3A_100 = arith.constant 0 : i32
      %dma_wait3A_101 = tpu.memref_slice %arg13[%add3A_19, %dma_wait3A_100] : memref<10240x64xf32, #tpu.memory_space<vmem_shared>> -> memref<128x64xf32, #tpu.memory_space<vmem_shared>>
      tpu.wait_dma2 semaphore(%run_scoped3A : memref<!tpu.dma_semaphore, #tpu.memory_space<semaphore_mem>>) src(%arg12 : memref<128x64xf32, #tpu.memory_space<vmem>>) dst(%dma_wait3A_101 : memref<128x64xf32, #tpu.memory_space<vmem_shared>>)
      tpu.yield
    }) : () -> ()
    %mul3A_20 = arith.constant 640 : i32
    %mul3A_21 = arith.muli %arg1, %mul3A_20 : i32
    %add3A_22 = arith.constant 512 : i32
    %add3A_23 = arith.addi %mul3A_21, %add3A_22 : i32
    "tpu.region"() ({
      %run_scoped3A = tpu.sem_alloc : memref<!tpu.dma_semaphore, #tpu.memory_space<semaphore_mem>>
      %dma_start3A_95 = arith.constant 0 : i32
      %dma_start3A_96 = tpu.memref_slice %arg13[%add3A_23, %dma_start3A_95] : memref<10240x64xf32, #tpu.memory_space<vmem_shared>> -> memref<128x64xf32, #tpu.memory_space<vmem_shared>>
      %dma_start3A_97 = arith.constant 0 : i32
      %dma_start3A_98 = tpu.memref_slice %arg13[%add3A_23, %dma_start3A_97] : memref<10240x64xf32, #tpu.memory_space<vmem_shared>> -> memref<128x64xf32, #tpu.memory_space<vmem_shared>>
      tpu.enqueue_dma source(%arg12 : memref<128x64xf32, #tpu.memory_space<vmem>>) target(%dma_start3A_98 : memref<128x64xf32, #tpu.memory_space<vmem_shared>>) target_semaphore(%run_scoped3A : memref<!tpu.dma_semaphore, #tpu.memory_space<semaphore_mem>>)
      %dma_wait3A = arith.constant 0 : i32
      %dma_wait3A_99 = tpu.memref_slice %arg13[%add3A_23, %dma_wait3A] : memref<10240x64xf32, #tpu.memory_space<vmem_shared>> -> memref<128x64xf32, #tpu.memory_space<vmem_shared>>
      %dma_wait3A_100 = arith.constant 0 : i32
      %dma_wait3A_101 = tpu.memref_slice %arg13[%add3A_23, %dma_wait3A_100] : memref<10240x64xf32, #tpu.memory_space<vmem_shared>> -> memref<128x64xf32, #tpu.memory_space<vmem_shared>>
      tpu.wait_dma2 semaphore(%run_scoped3A : memref<!tpu.dma_semaphore, #tpu.memory_space<semaphore_mem>>) src(%arg12 : memref<128x64xf32, #tpu.memory_space<vmem>>) dst(%dma_wait3A_101 : memref<128x64xf32, #tpu.memory_space<vmem_shared>>)
      tpu.yield
    }) : () -> ()
    "tpu.region"() ({
      %run_scoped3A = tpu.sem_alloc : memref<!tpu.dma_semaphore, #tpu.memory_space<semaphore_mem>>
      %dma_start3A_95 = arith.constant 0 : i32
      %dma_start3A_96 = arith.constant 0 : i32
      %dma_start3A_97 = tpu.memref_slice %arg2[%arg1, %dma_start3A_95, %dma_start3A_96] : memref<16x160x128xi32, #tpu.memory_space<hbm>> -> memref<1x160x128xi32, #tpu.memory_space<hbm>>
      %dma_start3A_98 = tpu.memref_squeeze %dma_start3A_97 : memref<1x160x128xi32, #tpu.memory_space<hbm>> -> memref<160x128xi32, #tpu.memory_space<hbm>>
      %dma_start3A_99 = arith.constant 0 : i32
      %dma_start3A_100 = arith.constant 0 : i32
      %dma_start3A_101 = tpu.memref_slice %arg2[%arg1, %dma_start3A_99, %dma_start3A_100] : memref<16x160x128xi32, #tpu.memory_space<hbm>> -> memref<1x160x128xi32, #tpu.memory_space<hbm>>
      %dma_start3A_102 = tpu.memref_squeeze %dma_start3A_101 : memref<1x160x128xi32, #tpu.memory_space<hbm>> -> memref<160x128xi32, #tpu.memory_space<hbm>>
      tpu.enqueue_dma source(%dma_start3A_102 : memref<160x128xi32, #tpu.memory_space<hbm>>) target(%arg6 : memref<160x128xi32, #tpu.memory_space<vmem>>) target_semaphore(%run_scoped3A : memref<!tpu.dma_semaphore, #tpu.memory_space<semaphore_mem>>)
      %dma_wait3A = arith.constant 0 : i32
      %dma_wait3A_103 = arith.constant 0 : i32
      %dma_wait3A_104 = tpu.memref_slice %arg2[%arg1, %dma_wait3A, %dma_wait3A_103] : memref<16x160x128xi32, #tpu.memory_space<hbm>> -> memref<1x160x128xi32, #tpu.memory_space<hbm>>
      %dma_wait3A_105 = tpu.memref_squeeze %dma_wait3A_104 : memref<1x160x128xi32, #tpu.memory_space<hbm>> -> memref<160x128xi32, #tpu.memory_space<hbm>>
      %dma_wait3A_106 = arith.constant 0 : i32
      %dma_wait3A_107 = arith.constant 0 : i32
      %dma_wait3A_108 = tpu.memref_slice %arg2[%arg1, %dma_wait3A_106, %dma_wait3A_107] : memref<16x160x128xi32, #tpu.memory_space<hbm>> -> memref<1x160x128xi32, #tpu.memory_space<hbm>>
      %dma_wait3A_109 = tpu.memref_squeeze %dma_wait3A_108 : memref<1x160x128xi32, #tpu.memory_space<hbm>> -> memref<160x128xi32, #tpu.memory_space<hbm>>
      tpu.wait_dma2 semaphore(%run_scoped3A : memref<!tpu.dma_semaphore, #tpu.memory_space<semaphore_mem>>) src(%dma_wait3A_109 : memref<160x128xi32, #tpu.memory_space<hbm>>) dst(%arg6 : memref<160x128xi32, #tpu.memory_space<vmem>>)
      tpu.yield
    }) : () -> ()
    "tpu.region"() ({
      %run_scoped3A = tpu.sem_alloc : memref<!tpu.dma_semaphore, #tpu.memory_space<semaphore_mem>>
      %dma_start3A_95 = arith.constant 0 : i32
      %dma_start3A_96 = arith.constant 0 : i32
      %dma_start3A_97 = tpu.memref_slice %arg3[%arg1, %dma_start3A_95, %dma_start3A_96] : memref<16x160x128xi32, #tpu.memory_space<hbm>> -> memref<1x160x128xi32, #tpu.memory_space<hbm>>
      %dma_start3A_98 = tpu.memref_squeeze %dma_start3A_97 : memref<1x160x128xi32, #tpu.memory_space<hbm>> -> memref<160x128xi32, #tpu.memory_space<hbm>>
      %dma_start3A_99 = arith.constant 0 : i32
      %dma_start3A_100 = arith.constant 0 : i32
      %dma_start3A_101 = tpu.memref_slice %arg3[%arg1, %dma_start3A_99, %dma_start3A_100] : memref<16x160x128xi32, #tpu.memory_space<hbm>> -> memref<1x160x128xi32, #tpu.memory_space<hbm>>
      %dma_start3A_102 = tpu.memref_squeeze %dma_start3A_101 : memref<1x160x128xi32, #tpu.memory_space<hbm>> -> memref<160x128xi32, #tpu.memory_space<hbm>>
      tpu.enqueue_dma source(%dma_start3A_102 : memref<160x128xi32, #tpu.memory_space<hbm>>) target(%arg7 : memref<160x128xi32, #tpu.memory_space<vmem>>) target_semaphore(%run_scoped3A : memref<!tpu.dma_semaphore, #tpu.memory_space<semaphore_mem>>)
      %dma_wait3A = arith.constant 0 : i32
      %dma_wait3A_103 = arith.constant 0 : i32
      %dma_wait3A_104 = tpu.memref_slice %arg3[%arg1, %dma_wait3A, %dma_wait3A_103] : memref<16x160x128xi32, #tpu.memory_space<hbm>> -> memref<1x160x128xi32, #tpu.memory_space<hbm>>
      %dma_wait3A_105 = tpu.memref_squeeze %dma_wait3A_104 : memref<1x160x128xi32, #tpu.memory_space<hbm>> -> memref<160x128xi32, #tpu.memory_space<hbm>>
      %dma_wait3A_106 = arith.constant 0 : i32
      %dma_wait3A_107 = arith.constant 0 : i32
      %dma_wait3A_108 = tpu.memref_slice %arg3[%arg1, %dma_wait3A_106, %dma_wait3A_107] : memref<16x160x128xi32, #tpu.memory_space<hbm>> -> memref<1x160x128xi32, #tpu.memory_space<hbm>>
      %dma_wait3A_109 = tpu.memref_squeeze %dma_wait3A_108 : memref<1x160x128xi32, #tpu.memory_space<hbm>> -> memref<160x128xi32, #tpu.memory_space<hbm>>
      tpu.wait_dma2 semaphore(%run_scoped3A : memref<!tpu.dma_semaphore, #tpu.memory_space<semaphore_mem>>) src(%dma_wait3A_109 : memref<160x128xi32, #tpu.memory_space<hbm>>) dst(%arg7 : memref<160x128xi32, #tpu.memory_space<vmem>>)
      tpu.yield
    }) : () -> ()
    %barrier3A = arith.constant 0 : index
    tpu.barrier barrier_id(%barrier3A)
    %dma_start3A = arith.constant 0 : i32
    %dma_start3A_24 = arith.constant 0 : i32
    %dma_start3A_25 = tpu.memref_slice %arg6[%dma_start3A, %dma_start3A_24] : memref<160x128xi32, #tpu.memory_space<vmem>> -> memref<1x128xi32, #tpu.memory_space<vmem>>
    %dma_start3A_26 = tpu.memref_squeeze %dma_start3A_25 : memref<1x128xi32, #tpu.memory_space<vmem>> -> memref<128xi32, #tpu.memory_space<vmem>>
    %dma_start3A_27 = arith.constant 0 : i32
    %dma_start3A_28 = arith.constant 0 : i32
    %dma_start3A_29 = tpu.memref_slice %arg4[%arg0, %dma_start3A_27, %dma_start3A_28] : memref<2x10000x64xf32, #tpu.memory_space<hbm>> -> memref<1x10000x64xf32, #tpu.memory_space<hbm>>
    %dma_start3A_30 = tpu.memref_squeeze %dma_start3A_29 : memref<1x10000x64xf32, #tpu.memory_space<hbm>> -> memref<10000x64xf32, #tpu.memory_space<hbm>>
    %dma_start3A_31 = arith.constant 0 : i32
    %dma_start3A_32 = arith.constant 0 : i32
    %dma_start3A_33 = tpu.memref_slice %dma_start3A_30[%dma_start3A_31, %dma_start3A_32] : memref<10000x64xf32, #tpu.memory_space<hbm>> -> memref<10000x64xf32, #tpu.memory_space<hbm>>
    tpu.enqueue_indirect_dma source(%dma_start3A_33 : memref<10000x64xf32, #tpu.memory_space<hbm>>) target(%arg8 : memref<128x64xf32, #tpu.memory_space<vmem>>) offsets(%dma_start3A_26 : memref<128xi32, #tpu.memory_space<vmem>>) semaphore(%arg14 : memref<!tpu.dma_semaphore, #tpu.memory_space<semaphore_mem>>)
    %dma_start3A_34 = arith.constant 1 : i32
    %dma_start3A_35 = arith.constant 0 : i32
    %dma_start3A_36 = tpu.memref_slice %arg6[%dma_start3A_34, %dma_start3A_35] : memref<160x128xi32, #tpu.memory_space<vmem>> -> memref<1x128xi32, #tpu.memory_space<vmem>>
    %dma_start3A_37 = tpu.memref_squeeze %dma_start3A_36 : memref<1x128xi32, #tpu.memory_space<vmem>> -> memref<128xi32, #tpu.memory_space<vmem>>
    %dma_start3A_38 = arith.constant 0 : i32
    %dma_start3A_39 = arith.constant 0 : i32
    %dma_start3A_40 = tpu.memref_slice %arg4[%arg0, %dma_start3A_38, %dma_start3A_39] : memref<2x10000x64xf32, #tpu.memory_space<hbm>> -> memref<1x10000x64xf32, #tpu.memory_space<hbm>>
    %dma_start3A_41 = tpu.memref_squeeze %dma_start3A_40 : memref<1x10000x64xf32, #tpu.memory_space<hbm>> -> memref<10000x64xf32, #tpu.memory_space<hbm>>
    %dma_start3A_42 = arith.constant 0 : i32
    %dma_start3A_43 = arith.constant 0 : i32
    %dma_start3A_44 = tpu.memref_slice %dma_start3A_41[%dma_start3A_42, %dma_start3A_43] : memref<10000x64xf32, #tpu.memory_space<hbm>> -> memref<10000x64xf32, #tpu.memory_space<hbm>>
    tpu.enqueue_indirect_dma source(%dma_start3A_44 : memref<10000x64xf32, #tpu.memory_space<hbm>>) target(%arg9 : memref<128x64xf32, #tpu.memory_space<vmem>>) offsets(%dma_start3A_37 : memref<128xi32, #tpu.memory_space<vmem>>) semaphore(%arg15 : memref<!tpu.dma_semaphore, #tpu.memory_space<semaphore_mem>>)
    %dma_start3A_45 = arith.constant 2 : i32
    %dma_start3A_46 = arith.constant 0 : i32
    %dma_start3A_47 = tpu.memref_slice %arg6[%dma_start3A_45, %dma_start3A_46] : memref<160x128xi32, #tpu.memory_space<vmem>> -> memref<1x128xi32, #tpu.memory_space<vmem>>
    %dma_start3A_48 = tpu.memref_squeeze %dma_start3A_47 : memref<1x128xi32, #tpu.memory_space<vmem>> -> memref<128xi32, #tpu.memory_space<vmem>>
    %dma_start3A_49 = arith.constant 0 : i32
    %dma_start3A_50 = arith.constant 0 : i32
    %dma_start3A_51 = tpu.memref_slice %arg4[%arg0, %dma_start3A_49, %dma_start3A_50] : memref<2x10000x64xf32, #tpu.memory_space<hbm>> -> memref<1x10000x64xf32, #tpu.memory_space<hbm>>
    %dma_start3A_52 = tpu.memref_squeeze %dma_start3A_51 : memref<1x10000x64xf32, #tpu.memory_space<hbm>> -> memref<10000x64xf32, #tpu.memory_space<hbm>>
    %dma_start3A_53 = arith.constant 0 : i32
    %dma_start3A_54 = arith.constant 0 : i32
    %dma_start3A_55 = tpu.memref_slice %dma_start3A_52[%dma_start3A_53, %dma_start3A_54] : memref<10000x64xf32, #tpu.memory_space<hbm>> -> memref<10000x64xf32, #tpu.memory_space<hbm>>
    tpu.enqueue_indirect_dma source(%dma_start3A_55 : memref<10000x64xf32, #tpu.memory_space<hbm>>) target(%arg10 : memref<128x64xf32, #tpu.memory_space<vmem>>) offsets(%dma_start3A_48 : memref<128xi32, #tpu.memory_space<vmem>>) semaphore(%arg16 : memref<!tpu.dma_semaphore, #tpu.memory_space<semaphore_mem>>)
    %dma_start3A_56 = arith.constant 3 : i32
    %dma_start3A_57 = arith.constant 0 : i32
    %dma_start3A_58 = tpu.memref_slice %arg6[%dma_start3A_56, %dma_start3A_57] : memref<160x128xi32, #tpu.memory_space<vmem>> -> memref<1x128xi32, #tpu.memory_space<vmem>>
    %dma_start3A_59 = tpu.memref_squeeze %dma_start3A_58 : memref<1x128xi32, #tpu.memory_space<vmem>> -> memref<128xi32, #tpu.memory_space<vmem>>
    %dma_start3A_60 = arith.constant 0 : i32
    %dma_start3A_61 = arith.constant 0 : i32
    %dma_start3A_62 = tpu.memref_slice %arg4[%arg0, %dma_start3A_60, %dma_start3A_61] : memref<2x10000x64xf32, #tpu.memory_space<hbm>> -> memref<1x10000x64xf32, #tpu.memory_space<hbm>>
    %dma_start3A_63 = tpu.memref_squeeze %dma_start3A_62 : memref<1x10000x64xf32, #tpu.memory_space<hbm>> -> memref<10000x64xf32, #tpu.memory_space<hbm>>
    %dma_start3A_64 = arith.constant 0 : i32
    %dma_start3A_65 = arith.constant 0 : i32
    %dma_start3A_66 = tpu.memref_slice %dma_start3A_63[%dma_start3A_64, %dma_start3A_65] : memref<10000x64xf32, #tpu.memory_space<hbm>> -> memref<10000x64xf32, #tpu.memory_space<hbm>>
    tpu.enqueue_indirect_dma source(%dma_start3A_66 : memref<10000x64xf32, #tpu.memory_space<hbm>>) target(%arg11 : memref<128x64xf32, #tpu.memory_space<vmem>>) offsets(%dma_start3A_59 : memref<128xi32, #tpu.memory_space<vmem>>) semaphore(%arg17 : memref<!tpu.dma_semaphore, #tpu.memory_space<semaphore_mem>>)
    %scan3A_67 = arith.constant 0 : i32
    %scan3A_68 = arith.constant 0 : i32
    %scan3A_69 = arith.constant 40 : i32
    %scan3A_70 = arith.addi %scan3A_68, %scan3A_69 : i32
    %scan3A_71 = arith.constant 1 : i32
    %scan3A_72 = scf.for %scan3A_95 = %scan3A_68 to %scan3A_70 step %scan3A_71 iter_args(%scan3A_96 = %scan3A_67) -> (i32)  : i32 {
      %mul3A_97 = arith.constant 4 : i32
      %mul3A_98 = arith.muli %mul3A_97, %scan3A_95 : i32
      %add3A_99 = arith.constant 0 : i32
      %add3A_100 = arith.addi %mul3A_98, %add3A_99 : i32
      %dma_wait3A = arith.constant 0 : i32
      %dma_wait3A_101 = tpu.memref_slice %arg6[%add3A_100, %dma_wait3A] : memref<160x128xi32, #tpu.memory_space<vmem>> -> memref<1x128xi32, #tpu.memory_space<vmem>>
      %dma_wait3A_102 = tpu.memref_squeeze %dma_wait3A_101 : memref<1x128xi32, #tpu.memory_space<vmem>> -> memref<128xi32, #tpu.memory_space<vmem>>
      %dma_wait3A_103 = arith.constant 0 : i32
      %dma_wait3A_104 = arith.constant 0 : i32
      %dma_wait3A_105 = tpu.memref_slice %arg4[%arg0, %dma_wait3A_103, %dma_wait3A_104] : memref<2x10000x64xf32, #tpu.memory_space<hbm>> -> memref<1x10000x64xf32, #tpu.memory_space<hbm>>
      %dma_wait3A_106 = tpu.memref_squeeze %dma_wait3A_105 : memref<1x10000x64xf32, #tpu.memory_space<hbm>> -> memref<10000x64xf32, #tpu.memory_space<hbm>>
      %dma_wait3A_107 = arith.constant 0 : i32
      %dma_wait3A_108 = arith.constant 0 : i32
      %dma_wait3A_109 = tpu.memref_slice %dma_wait3A_106[%dma_wait3A_107, %dma_wait3A_108] : memref<10000x64xf32, #tpu.memory_space<hbm>> -> memref<10000x64xf32, #tpu.memory_space<hbm>>
      tpu.wait_indirect_dma semaphore(%arg14 : memref<!tpu.dma_semaphore, #tpu.memory_space<semaphore_mem>>) src(%dma_wait3A_109 : memref<10000x64xf32, #tpu.memory_space<hbm>>) dst(%arg8 : memref<128x64xf32, #tpu.memory_space<vmem>>)
      "tpu.region"() ({
        %run_scoped3A = tpu.sem_alloc : memref<!tpu.dma_semaphore, #tpu.memory_space<semaphore_mem>>
        %dma_start3A_178 = arith.constant 0 : i32
        %dma_start3A_179 = tpu.memref_slice %arg7[%add3A_100, %dma_start3A_178] : memref<160x128xi32, #tpu.memory_space<vmem>> -> memref<1x128xi32, #tpu.memory_space<vmem>>
        %dma_start3A_180 = tpu.memref_squeeze %dma_start3A_179 : memref<1x128xi32, #tpu.memory_space<vmem>> -> memref<128xi32, #tpu.memory_space<vmem>>
        %dma_start3A_181 = arith.constant 0 : i32
        %dma_start3A_182 = arith.constant 0 : i32
        %dma_start3A_183 = tpu.memref_slice %arg13[%dma_start3A_181, %dma_start3A_182] : memref<10240x64xf32, #tpu.memory_space<vmem_shared>> -> memref<10240x64xf32, #tpu.memory_space<vmem_shared>>
        tpu.enqueue_indirect_dma source(%arg8 : memref<128x64xf32, #tpu.memory_space<vmem>>) target(%dma_start3A_183 : memref<10240x64xf32, #tpu.memory_space<vmem_shared>>) offsets(%dma_start3A_180 : memref<128xi32, #tpu.memory_space<vmem>>) semaphore(%run_scoped3A : memref<!tpu.dma_semaphore, #tpu.memory_space<semaphore_mem>>) {add = true}
        %dma_wait3A_184 = arith.constant 0 : i32
        %dma_wait3A_185 = tpu.memref_slice %arg7[%add3A_100, %dma_wait3A_184] : memref<160x128xi32, #tpu.memory_space<vmem>> -> memref<1x128xi32, #tpu.memory_space<vmem>>
        %dma_wait3A_186 = tpu.memref_squeeze %dma_wait3A_185 : memref<1x128xi32, #tpu.memory_space<vmem>> -> memref<128xi32, #tpu.memory_space<vmem>>
        %dma_wait3A_187 = arith.constant 0 : i32
        %dma_wait3A_188 = arith.constant 0 : i32
        %dma_wait3A_189 = tpu.memref_slice %arg13[%dma_wait3A_187, %dma_wait3A_188] : memref<10240x64xf32, #tpu.memory_space<vmem_shared>> -> memref<10240x64xf32, #tpu.memory_space<vmem_shared>>
        tpu.wait_indirect_dma semaphore(%run_scoped3A : memref<!tpu.dma_semaphore, #tpu.memory_space<semaphore_mem>>) src(%arg8 : memref<128x64xf32, #tpu.memory_space<vmem>>) dst(%dma_wait3A_189 : memref<10240x64xf32, #tpu.memory_space<vmem_shared>>)
        tpu.yield
      }) : () -> ()
      %add3A_110 = arith.constant 4 : i32
      %add3A_111 = arith.addi %add3A_100, %add3A_110 : i32
      %lt3A = arith.constant 160 : i32
      %lt3A_112 = arith.cmpi slt, %add3A_111, %lt3A : i32
      %convert_element_type3A = arith.extui %lt3A_112 : i1 to i32
      %cond3A = arith.constant 0 : i32
      %cond3A_113 = arith.cmpi ne, %convert_element_type3A, %cond3A : i32
      scf.if %cond3A_113 {
        %add3A_178 = arith.constant 4 : i32
        %add3A_179 = arith.addi %add3A_100, %add3A_178 : i32
        %dma_start3A_180 = arith.constant 0 : i32
        %dma_start3A_181 = tpu.memref_slice %arg6[%add3A_179, %dma_start3A_180] : memref<160x128xi32, #tpu.memory_space<vmem>> -> memref<1x128xi32, #tpu.memory_space<vmem>>
        %dma_start3A_182 = tpu.memref_squeeze %dma_start3A_181 : memref<1x128xi32, #tpu.memory_space<vmem>> -> memref<128xi32, #tpu.memory_space<vmem>>
        %dma_start3A_183 = arith.constant 0 : i32
        %dma_start3A_184 = arith.constant 0 : i32
        %dma_start3A_185 = tpu.memref_slice %arg4[%arg0, %dma_start3A_183, %dma_start3A_184] : memref<2x10000x64xf32, #tpu.memory_space<hbm>> -> memref<1x10000x64xf32, #tpu.memory_space<hbm>>
        %dma_start3A_186 = tpu.memref_squeeze %dma_start3A_185 : memref<1x10000x64xf32, #tpu.memory_space<hbm>> -> memref<10000x64xf32, #tpu.memory_space<hbm>>
        %dma_start3A_187 = arith.constant 0 : i32
        %dma_start3A_188 = arith.constant 0 : i32
        %dma_start3A_189 = tpu.memref_slice %dma_start3A_186[%dma_start3A_187, %dma_start3A_188] : memref<10000x64xf32, #tpu.memory_space<hbm>> -> memref<10000x64xf32, #tpu.memory_space<hbm>>
        tpu.enqueue_indirect_dma source(%dma_start3A_189 : memref<10000x64xf32, #tpu.memory_space<hbm>>) target(%arg8 : memref<128x64xf32, #tpu.memory_space<vmem>>) offsets(%dma_start3A_182 : memref<128xi32, #tpu.memory_space<vmem>>) semaphore(%arg14 : memref<!tpu.dma_semaphore, #tpu.memory_space<semaphore_mem>>)
      } else {
      }
      %mul3A_114 = arith.constant 4 : i32
      %mul3A_115 = arith.muli %mul3A_114, %scan3A_95 : i32
      %add3A_116 = arith.constant 1 : i32
      %add3A_117 = arith.addi %mul3A_115, %add3A_116 : i32
      %dma_wait3A_118 = arith.constant 0 : i32
      %dma_wait3A_119 = tpu.memref_slice %arg6[%add3A_117, %dma_wait3A_118] : memref<160x128xi32, #tpu.memory_space<vmem>> -> memref<1x128xi32, #tpu.memory_space<vmem>>
      %dma_wait3A_120 = tpu.memref_squeeze %dma_wait3A_119 : memref<1x128xi32, #tpu.memory_space<vmem>> -> memref<128xi32, #tpu.memory_space<vmem>>
      %dma_wait3A_121 = arith.constant 0 : i32
      %dma_wait3A_122 = arith.constant 0 : i32
      %dma_wait3A_123 = tpu.memref_slice %arg4[%arg0, %dma_wait3A_121, %dma_wait3A_122] : memref<2x10000x64xf32, #tpu.memory_space<hbm>> -> memref<1x10000x64xf32, #tpu.memory_space<hbm>>
      %dma_wait3A_124 = tpu.memref_squeeze %dma_wait3A_123 : memref<1x10000x64xf32, #tpu.memory_space<hbm>> -> memref<10000x64xf32, #tpu.memory_space<hbm>>
      %dma_wait3A_125 = arith.constant 0 : i32
      %dma_wait3A_126 = arith.constant 0 : i32
      %dma_wait3A_127 = tpu.memref_slice %dma_wait3A_124[%dma_wait3A_125, %dma_wait3A_126] : memref<10000x64xf32, #tpu.memory_space<hbm>> -> memref<10000x64xf32, #tpu.memory_space<hbm>>
      tpu.wait_indirect_dma semaphore(%arg15 : memref<!tpu.dma_semaphore, #tpu.memory_space<semaphore_mem>>) src(%dma_wait3A_127 : memref<10000x64xf32, #tpu.memory_space<hbm>>) dst(%arg9 : memref<128x64xf32, #tpu.memory_space<vmem>>)
      "tpu.region"() ({
        %run_scoped3A = tpu.sem_alloc : memref<!tpu.dma_semaphore, #tpu.memory_space<semaphore_mem>>
        %dma_start3A_178 = arith.constant 0 : i32
        %dma_start3A_179 = tpu.memref_slice %arg7[%add3A_117, %dma_start3A_178] : memref<160x128xi32, #tpu.memory_space<vmem>> -> memref<1x128xi32, #tpu.memory_space<vmem>>
        %dma_start3A_180 = tpu.memref_squeeze %dma_start3A_179 : memref<1x128xi32, #tpu.memory_space<vmem>> -> memref<128xi32, #tpu.memory_space<vmem>>
        %dma_start3A_181 = arith.constant 0 : i32
        %dma_start3A_182 = arith.constant 0 : i32
        %dma_start3A_183 = tpu.memref_slice %arg13[%dma_start3A_181, %dma_start3A_182] : memref<10240x64xf32, #tpu.memory_space<vmem_shared>> -> memref<10240x64xf32, #tpu.memory_space<vmem_shared>>
        tpu.enqueue_indirect_dma source(%arg9 : memref<128x64xf32, #tpu.memory_space<vmem>>) target(%dma_start3A_183 : memref<10240x64xf32, #tpu.memory_space<vmem_shared>>) offsets(%dma_start3A_180 : memref<128xi32, #tpu.memory_space<vmem>>) semaphore(%run_scoped3A : memref<!tpu.dma_semaphore, #tpu.memory_space<semaphore_mem>>) {add = true}
        %dma_wait3A_184 = arith.constant 0 : i32
        %dma_wait3A_185 = tpu.memref_slice %arg7[%add3A_117, %dma_wait3A_184] : memref<160x128xi32, #tpu.memory_space<vmem>> -> memref<1x128xi32, #tpu.memory_space<vmem>>
        %dma_wait3A_186 = tpu.memref_squeeze %dma_wait3A_185 : memref<1x128xi32, #tpu.memory_space<vmem>> -> memref<128xi32, #tpu.memory_space<vmem>>
        %dma_wait3A_187 = arith.constant 0 : i32
        %dma_wait3A_188 = arith.constant 0 : i32
        %dma_wait3A_189 = tpu.memref_slice %arg13[%dma_wait3A_187, %dma_wait3A_188] : memref<10240x64xf32, #tpu.memory_space<vmem_shared>> -> memref<10240x64xf32, #tpu.memory_space<vmem_shared>>
        tpu.wait_indirect_dma semaphore(%run_scoped3A : memref<!tpu.dma_semaphore, #tpu.memory_space<semaphore_mem>>) src(%arg9 : memref<128x64xf32, #tpu.memory_space<vmem>>) dst(%dma_wait3A_189 : memref<10240x64xf32, #tpu.memory_space<vmem_shared>>)
        tpu.yield
      }) : () -> ()
      %add3A_128 = arith.constant 4 : i32
      %add3A_129 = arith.addi %add3A_117, %add3A_128 : i32
      %lt3A_130 = arith.constant 160 : i32
      %lt3A_131 = arith.cmpi slt, %add3A_129, %lt3A_130 : i32
      %convert_element_type3A_132 = arith.extui %lt3A_131 : i1 to i32
      %cond3A_133 = arith.constant 0 : i32
      %cond3A_134 = arith.cmpi ne, %convert_element_type3A_132, %cond3A_133 : i32
      scf.if %cond3A_134 {
        %add3A_178 = arith.constant 4 : i32
        %add3A_179 = arith.addi %add3A_117, %add3A_178 : i32
        %dma_start3A_180 = arith.constant 0 : i32
        %dma_start3A_181 = tpu.memref_slice %arg6[%add3A_179, %dma_start3A_180] : memref<160x128xi32, #tpu.memory_space<vmem>> -> memref<1x128xi32, #tpu.memory_space<vmem>>
        %dma_start3A_182 = tpu.memref_squeeze %dma_start3A_181 : memref<1x128xi32, #tpu.memory_space<vmem>> -> memref<128xi32, #tpu.memory_space<vmem>>
        %dma_start3A_183 = arith.constant 0 : i32
        %dma_start3A_184 = arith.constant 0 : i32
        %dma_start3A_185 = tpu.memref_slice %arg4[%arg0, %dma_start3A_183, %dma_start3A_184] : memref<2x10000x64xf32, #tpu.memory_space<hbm>> -> memref<1x10000x64xf32, #tpu.memory_space<hbm>>
        %dma_start3A_186 = tpu.memref_squeeze %dma_start3A_185 : memref<1x10000x64xf32, #tpu.memory_space<hbm>> -> memref<10000x64xf32, #tpu.memory_space<hbm>>
        %dma_start3A_187 = arith.constant 0 : i32
        %dma_start3A_188 = arith.constant 0 : i32
        %dma_start3A_189 = tpu.memref_slice %dma_start3A_186[%dma_start3A_187, %dma_start3A_188] : memref<10000x64xf32, #tpu.memory_space<hbm>> -> memref<10000x64xf32, #tpu.memory_space<hbm>>
        tpu.enqueue_indirect_dma source(%dma_start3A_189 : memref<10000x64xf32, #tpu.memory_space<hbm>>) target(%arg9 : memref<128x64xf32, #tpu.memory_space<vmem>>) offsets(%dma_start3A_182 : memref<128xi32, #tpu.memory_space<vmem>>) semaphore(%arg15 : memref<!tpu.dma_semaphore, #tpu.memory_space<semaphore_mem>>)
      } else {
      }
      %mul3A_135 = arith.constant 4 : i32
      %mul3A_136 = arith.muli %mul3A_135, %scan3A_95 : i32
      %add3A_137 = arith.constant 2 : i32
      %add3A_138 = arith.addi %mul3A_136, %add3A_137 : i32
      %dma_wait3A_139 = arith.constant 0 : i32
      %dma_wait3A_140 = tpu.memref_slice %arg6[%add3A_138, %dma_wait3A_139] : memref<160x128xi32, #tpu.memory_space<vmem>> -> memref<1x128xi32, #tpu.memory_space<vmem>>
      %dma_wait3A_141 = tpu.memref_squeeze %dma_wait3A_140 : memref<1x128xi32, #tpu.memory_space<vmem>> -> memref<128xi32, #tpu.memory_space<vmem>>
      %dma_wait3A_142 = arith.constant 0 : i32
      %dma_wait3A_143 = arith.constant 0 : i32
      %dma_wait3A_144 = tpu.memref_slice %arg4[%arg0, %dma_wait3A_142, %dma_wait3A_143] : memref<2x10000x64xf32, #tpu.memory_space<hbm>> -> memref<1x10000x64xf32, #tpu.memory_space<hbm>>
      %dma_wait3A_145 = tpu.memref_squeeze %dma_wait3A_144 : memref<1x10000x64xf32, #tpu.memory_space<hbm>> -> memref<10000x64xf32, #tpu.memory_space<hbm>>
      %dma_wait3A_146 = arith.constant 0 : i32
      %dma_wait3A_147 = arith.constant 0 : i32
      %dma_wait3A_148 = tpu.memref_slice %dma_wait3A_145[%dma_wait3A_146, %dma_wait3A_147] : memref<10000x64xf32, #tpu.memory_space<hbm>> -> memref<10000x64xf32, #tpu.memory_space<hbm>>
      tpu.wait_indirect_dma semaphore(%arg16 : memref<!tpu.dma_semaphore, #tpu.memory_space<semaphore_mem>>) src(%dma_wait3A_148 : memref<10000x64xf32, #tpu.memory_space<hbm>>) dst(%arg10 : memref<128x64xf32, #tpu.memory_space<vmem>>)
      "tpu.region"() ({
        %run_scoped3A = tpu.sem_alloc : memref<!tpu.dma_semaphore, #tpu.memory_space<semaphore_mem>>
        %dma_start3A_178 = arith.constant 0 : i32
        %dma_start3A_179 = tpu.memref_slice %arg7[%add3A_138, %dma_start3A_178] : memref<160x128xi32, #tpu.memory_space<vmem>> -> memref<1x128xi32, #tpu.memory_space<vmem>>
        %dma_start3A_180 = tpu.memref_squeeze %dma_start3A_179 : memref<1x128xi32, #tpu.memory_space<vmem>> -> memref<128xi32, #tpu.memory_space<vmem>>
        %dma_start3A_181 = arith.constant 0 : i32
        %dma_start3A_182 = arith.constant 0 : i32
        %dma_start3A_183 = tpu.memref_slice %arg13[%dma_start3A_181, %dma_start3A_182] : memref<10240x64xf32, #tpu.memory_space<vmem_shared>> -> memref<10240x64xf32, #tpu.memory_space<vmem_shared>>
        tpu.enqueue_indirect_dma source(%arg10 : memref<128x64xf32, #tpu.memory_space<vmem>>) target(%dma_start3A_183 : memref<10240x64xf32, #tpu.memory_space<vmem_shared>>) offsets(%dma_start3A_180 : memref<128xi32, #tpu.memory_space<vmem>>) semaphore(%run_scoped3A : memref<!tpu.dma_semaphore, #tpu.memory_space<semaphore_mem>>) {add = true}
        %dma_wait3A_184 = arith.constant 0 : i32
        %dma_wait3A_185 = tpu.memref_slice %arg7[%add3A_138, %dma_wait3A_184] : memref<160x128xi32, #tpu.memory_space<vmem>> -> memref<1x128xi32, #tpu.memory_space<vmem>>
        %dma_wait3A_186 = tpu.memref_squeeze %dma_wait3A_185 : memref<1x128xi32, #tpu.memory_space<vmem>> -> memref<128xi32, #tpu.memory_space<vmem>>
        %dma_wait3A_187 = arith.constant 0 : i32
        %dma_wait3A_188 = arith.constant 0 : i32
        %dma_wait3A_189 = tpu.memref_slice %arg13[%dma_wait3A_187, %dma_wait3A_188] : memref<10240x64xf32, #tpu.memory_space<vmem_shared>> -> memref<10240x64xf32, #tpu.memory_space<vmem_shared>>
        tpu.wait_indirect_dma semaphore(%run_scoped3A : memref<!tpu.dma_semaphore, #tpu.memory_space<semaphore_mem>>) src(%arg10 : memref<128x64xf32, #tpu.memory_space<vmem>>) dst(%dma_wait3A_189 : memref<10240x64xf32, #tpu.memory_space<vmem_shared>>)
        tpu.yield
      }) : () -> ()
      %add3A_149 = arith.constant 4 : i32
      %add3A_150 = arith.addi %add3A_138, %add3A_149 : i32
      %lt3A_151 = arith.constant 160 : i32
      %lt3A_152 = arith.cmpi slt, %add3A_150, %lt3A_151 : i32
      %convert_element_type3A_153 = arith.extui %lt3A_152 : i1 to i32
      %cond3A_154 = arith.constant 0 : i32
      %cond3A_155 = arith.cmpi ne, %convert_element_type3A_153, %cond3A_154 : i32
      scf.if %cond3A_155 {
        %add3A_178 = arith.constant 4 : i32
        %add3A_179 = arith.addi %add3A_138, %add3A_178 : i32
        %dma_start3A_180 = arith.constant 0 : i32
        %dma_start3A_181 = tpu.memref_slice %arg6[%add3A_179, %dma_start3A_180] : memref<160x128xi32, #tpu.memory_space<vmem>> -> memref<1x128xi32, #tpu.memory_space<vmem>>
        %dma_start3A_182 = tpu.memref_squeeze %dma_start3A_181 : memref<1x128xi32, #tpu.memory_space<vmem>> -> memref<128xi32, #tpu.memory_space<vmem>>
        %dma_start3A_183 = arith.constant 0 : i32
        %dma_start3A_184 = arith.constant 0 : i32
        %dma_start3A_185 = tpu.memref_slice %arg4[%arg0, %dma_start3A_183, %dma_start3A_184] : memref<2x10000x64xf32, #tpu.memory_space<hbm>> -> memref<1x10000x64xf32, #tpu.memory_space<hbm>>
        %dma_start3A_186 = tpu.memref_squeeze %dma_start3A_185 : memref<1x10000x64xf32, #tpu.memory_space<hbm>> -> memref<10000x64xf32, #tpu.memory_space<hbm>>
        %dma_start3A_187 = arith.constant 0 : i32
        %dma_start3A_188 = arith.constant 0 : i32
        %dma_start3A_189 = tpu.memref_slice %dma_start3A_186[%dma_start3A_187, %dma_start3A_188] : memref<10000x64xf32, #tpu.memory_space<hbm>> -> memref<10000x64xf32, #tpu.memory_space<hbm>>
        tpu.enqueue_indirect_dma source(%dma_start3A_189 : memref<10000x64xf32, #tpu.memory_space<hbm>>) target(%arg10 : memref<128x64xf32, #tpu.memory_space<vmem>>) offsets(%dma_start3A_182 : memref<128xi32, #tpu.memory_space<vmem>>) semaphore(%arg16 : memref<!tpu.dma_semaphore, #tpu.memory_space<semaphore_mem>>)
      } else {
      }
      %mul3A_156 = arith.constant 4 : i32
      %mul3A_157 = arith.muli %mul3A_156, %scan3A_95 : i32
      %add3A_158 = arith.constant 3 : i32
      %add3A_159 = arith.addi %mul3A_157, %add3A_158 : i32
      %dma_wait3A_160 = arith.constant 0 : i32
      %dma_wait3A_161 = tpu.memref_slice %arg6[%add3A_159, %dma_wait3A_160] : memref<160x128xi32, #tpu.memory_space<vmem>> -> memref<1x128xi32, #tpu.memory_space<vmem>>
      %dma_wait3A_162 = tpu.memref_squeeze %dma_wait3A_161 : memref<1x128xi32, #tpu.memory_space<vmem>> -> memref<128xi32, #tpu.memory_space<vmem>>
      %dma_wait3A_163 = arith.constant 0 : i32
      %dma_wait3A_164 = arith.constant 0 : i32
      %dma_wait3A_165 = tpu.memref_slice %arg4[%arg0, %dma_wait3A_163, %dma_wait3A_164] : memref<2x10000x64xf32, #tpu.memory_space<hbm>> -> memref<1x10000x64xf32, #tpu.memory_space<hbm>>
      %dma_wait3A_166 = tpu.memref_squeeze %dma_wait3A_165 : memref<1x10000x64xf32, #tpu.memory_space<hbm>> -> memref<10000x64xf32, #tpu.memory_space<hbm>>
      %dma_wait3A_167 = arith.constant 0 : i32
      %dma_wait3A_168 = arith.constant 0 : i32
      %dma_wait3A_169 = tpu.memref_slice %dma_wait3A_166[%dma_wait3A_167, %dma_wait3A_168] : memref<10000x64xf32, #tpu.memory_space<hbm>> -> memref<10000x64xf32, #tpu.memory_space<hbm>>
      tpu.wait_indirect_dma semaphore(%arg17 : memref<!tpu.dma_semaphore, #tpu.memory_space<semaphore_mem>>) src(%dma_wait3A_169 : memref<10000x64xf32, #tpu.memory_space<hbm>>) dst(%arg11 : memref<128x64xf32, #tpu.memory_space<vmem>>)
      "tpu.region"() ({
        %run_scoped3A = tpu.sem_alloc : memref<!tpu.dma_semaphore, #tpu.memory_space<semaphore_mem>>
        %dma_start3A_178 = arith.constant 0 : i32
        %dma_start3A_179 = tpu.memref_slice %arg7[%add3A_159, %dma_start3A_178] : memref<160x128xi32, #tpu.memory_space<vmem>> -> memref<1x128xi32, #tpu.memory_space<vmem>>
        %dma_start3A_180 = tpu.memref_squeeze %dma_start3A_179 : memref<1x128xi32, #tpu.memory_space<vmem>> -> memref<128xi32, #tpu.memory_space<vmem>>
        %dma_start3A_181 = arith.constant 0 : i32
        %dma_start3A_182 = arith.constant 0 : i32
        %dma_start3A_183 = tpu.memref_slice %arg13[%dma_start3A_181, %dma_start3A_182] : memref<10240x64xf32, #tpu.memory_space<vmem_shared>> -> memref<10240x64xf32, #tpu.memory_space<vmem_shared>>
        tpu.enqueue_indirect_dma source(%arg11 : memref<128x64xf32, #tpu.memory_space<vmem>>) target(%dma_start3A_183 : memref<10240x64xf32, #tpu.memory_space<vmem_shared>>) offsets(%dma_start3A_180 : memref<128xi32, #tpu.memory_space<vmem>>) semaphore(%run_scoped3A : memref<!tpu.dma_semaphore, #tpu.memory_space<semaphore_mem>>) {add = true}
        %dma_wait3A_184 = arith.constant 0 : i32
        %dma_wait3A_185 = tpu.memref_slice %arg7[%add3A_159, %dma_wait3A_184] : memref<160x128xi32, #tpu.memory_space<vmem>> -> memref<1x128xi32, #tpu.memory_space<vmem>>
        %dma_wait3A_186 = tpu.memref_squeeze %dma_wait3A_185 : memref<1x128xi32, #tpu.memory_space<vmem>> -> memref<128xi32, #tpu.memory_space<vmem>>
        %dma_wait3A_187 = arith.constant 0 : i32
        %dma_wait3A_188 = arith.constant 0 : i32
        %dma_wait3A_189 = tpu.memref_slice %arg13[%dma_wait3A_187, %dma_wait3A_188] : memref<10240x64xf32, #tpu.memory_space<vmem_shared>> -> memref<10240x64xf32, #tpu.memory_space<vmem_shared>>
        tpu.wait_indirect_dma semaphore(%run_scoped3A : memref<!tpu.dma_semaphore, #tpu.memory_space<semaphore_mem>>) src(%arg11 : memref<128x64xf32, #tpu.memory_space<vmem>>) dst(%dma_wait3A_189 : memref<10240x64xf32, #tpu.memory_space<vmem_shared>>)
        tpu.yield
      }) : () -> ()
      %add3A_170 = arith.constant 4 : i32
      %add3A_171 = arith.addi %add3A_159, %add3A_170 : i32
      %lt3A_172 = arith.constant 160 : i32
      %lt3A_173 = arith.cmpi slt, %add3A_171, %lt3A_172 : i32
      %convert_element_type3A_174 = arith.extui %lt3A_173 : i1 to i32
      %cond3A_175 = arith.constant 0 : i32
      %cond3A_176 = arith.cmpi ne, %convert_element_type3A_174, %cond3A_175 : i32
      scf.if %cond3A_176 {
        %add3A_178 = arith.constant 4 : i32
        %add3A_179 = arith.addi %add3A_159, %add3A_178 : i32
        %dma_start3A_180 = arith.constant 0 : i32
        %dma_start3A_181 = tpu.memref_slice %arg6[%add3A_179, %dma_start3A_180] : memref<160x128xi32, #tpu.memory_space<vmem>> -> memref<1x128xi32, #tpu.memory_space<vmem>>
        %dma_start3A_182 = tpu.memref_squeeze %dma_start3A_181 : memref<1x128xi32, #tpu.memory_space<vmem>> -> memref<128xi32, #tpu.memory_space<vmem>>
        %dma_start3A_183 = arith.constant 0 : i32
        %dma_start3A_184 = arith.constant 0 : i32
        %dma_start3A_185 = tpu.memref_slice %arg4[%arg0, %dma_start3A_183, %dma_start3A_184] : memref<2x10000x64xf32, #tpu.memory_space<hbm>> -> memref<1x10000x64xf32, #tpu.memory_space<hbm>>
        %dma_start3A_186 = tpu.memref_squeeze %dma_start3A_185 : memref<1x10000x64xf32, #tpu.memory_space<hbm>> -> memref<10000x64xf32, #tpu.memory_space<hbm>>
        %dma_start3A_187 = arith.constant 0 : i32
        %dma_start3A_188 = arith.constant 0 : i32
        %dma_start3A_189 = tpu.memref_slice %dma_start3A_186[%dma_start3A_187, %dma_start3A_188] : memref<10000x64xf32, #tpu.memory_space<hbm>> -> memref<10000x64xf32, #tpu.memory_space<hbm>>
        tpu.enqueue_indirect_dma source(%dma_start3A_189 : memref<10000x64xf32, #tpu.memory_space<hbm>>) target(%arg11 : memref<128x64xf32, #tpu.memory_space<vmem>>) offsets(%dma_start3A_182 : memref<128xi32, #tpu.memory_space<vmem>>) semaphore(%arg17 : memref<!tpu.dma_semaphore, #tpu.memory_space<semaphore_mem>>)
      } else {
      }
      %scan3A_177 = arith.constant 0 : i32
      scf.yield %scan3A_177 : i32
    }
    %scan3A_73 = arith.constant 40 : i32
    %barrier3A_74 = arith.constant 0 : index
    tpu.barrier barrier_id(%barrier3A_74)
    %mul3A_75 = arith.constant 640 : i32
    %mul3A_76 = arith.muli %arg1, %mul3A_75 : i32
    %add3A_77 = arith.constant 0 : i32
    %add3A_78 = arith.addi %mul3A_76, %add3A_77 : i32
    "tpu.region"() ({
      %run_scoped3A = tpu.sem_alloc : memref<!tpu.dma_semaphore, #tpu.memory_space<semaphore_mem>>
      %dma_start3A_95 = arith.constant 0 : i32
      %dma_start3A_96 = tpu.memref_slice %arg5[%arg0, %add3A_78, %dma_start3A_95] : memref<2x10240x64xf32, #tpu.memory_space<hbm>> -> memref<1x128x64xf32, #tpu.memory_space<hbm>>
      %dma_start3A_97 = tpu.memref_squeeze %dma_start3A_96 : memref<1x128x64xf32, #tpu.memory_space<hbm>> -> memref<128x64xf32, #tpu.memory_space<hbm>>
      %dma_start3A_98 = arith.constant 0 : i32
      %dma_start3A_99 = tpu.memref_slice %arg13[%add3A_78, %dma_start3A_98] : memref<10240x64xf32, #tpu.memory_space<vmem_shared>> -> memref<128x64xf32, #tpu.memory_space<vmem_shared>>
      tpu.enqueue_dma source(%dma_start3A_99 : memref<128x64xf32, #tpu.memory_space<vmem_shared>>) target(%dma_start3A_97 : memref<128x64xf32, #tpu.memory_space<hbm>>) target_semaphore(%run_scoped3A : memref<!tpu.dma_semaphore, #tpu.memory_space<semaphore_mem>>)
      %dma_wait3A = arith.constant 0 : i32
      %dma_wait3A_100 = tpu.memref_slice %arg5[%arg0, %add3A_78, %dma_wait3A] : memref<2x10240x64xf32, #tpu.memory_space<hbm>> -> memref<1x128x64xf32, #tpu.memory_space<hbm>>
      %dma_wait3A_101 = tpu.memref_squeeze %dma_wait3A_100 : memref<1x128x64xf32, #tpu.memory_space<hbm>> -> memref<128x64xf32, #tpu.memory_space<hbm>>
      %dma_wait3A_102 = arith.constant 0 : i32
      %dma_wait3A_103 = tpu.memref_slice %arg13[%add3A_78, %dma_wait3A_102] : memref<10240x64xf32, #tpu.memory_space<vmem_shared>> -> memref<128x64xf32, #tpu.memory_space<vmem_shared>>
      tpu.wait_dma2 semaphore(%run_scoped3A : memref<!tpu.dma_semaphore, #tpu.memory_space<semaphore_mem>>) src(%dma_wait3A_103 : memref<128x64xf32, #tpu.memory_space<vmem_shared>>) dst(%dma_wait3A_101 : memref<128x64xf32, #tpu.memory_space<hbm>>)
      tpu.yield
    }) : () -> ()
    %mul3A_79 = arith.constant 640 : i32
    %mul3A_80 = arith.muli %arg1, %mul3A_79 : i32
    %add3A_81 = arith.constant 128 : i32
    %add3A_82 = arith.addi %mul3A_80, %add3A_81 : i32
    "tpu.region"() ({
      %run_scoped3A = tpu.sem_alloc : memref<!tpu.dma_semaphore, #tpu.memory_space<semaphore_mem>>
      %dma_start3A_95 = arith.constant 0 : i32
      %dma_start3A_96 = tpu.memref_slice %arg5[%arg0, %add3A_82, %dma_start3A_95] : memref<2x10240x64xf32, #tpu.memory_space<hbm>> -> memref<1x128x64xf32, #tpu.memory_space<hbm>>
      %dma_start3A_97 = tpu.memref_squeeze %dma_start3A_96 : memref<1x128x64xf32, #tpu.memory_space<hbm>> -> memref<128x64xf32, #tpu.memory_space<hbm>>
      %dma_start3A_98 = arith.constant 0 : i32
      %dma_start3A_99 = tpu.memref_slice %arg13[%add3A_82, %dma_start3A_98] : memref<10240x64xf32, #tpu.memory_space<vmem_shared>> -> memref<128x64xf32, #tpu.memory_space<vmem_shared>>
      tpu.enqueue_dma source(%dma_start3A_99 : memref<128x64xf32, #tpu.memory_space<vmem_shared>>) target(%dma_start3A_97 : memref<128x64xf32, #tpu.memory_space<hbm>>) target_semaphore(%run_scoped3A : memref<!tpu.dma_semaphore, #tpu.memory_space<semaphore_mem>>)
      %dma_wait3A = arith.constant 0 : i32
      %dma_wait3A_100 = tpu.memref_slice %arg5[%arg0, %add3A_82, %dma_wait3A] : memref<2x10240x64xf32, #tpu.memory_space<hbm>> -> memref<1x128x64xf32, #tpu.memory_space<hbm>>
      %dma_wait3A_101 = tpu.memref_squeeze %dma_wait3A_100 : memref<1x128x64xf32, #tpu.memory_space<hbm>> -> memref<128x64xf32, #tpu.memory_space<hbm>>
      %dma_wait3A_102 = arith.constant 0 : i32
      %dma_wait3A_103 = tpu.memref_slice %arg13[%add3A_82, %dma_wait3A_102] : memref<10240x64xf32, #tpu.memory_space<vmem_shared>> -> memref<128x64xf32, #tpu.memory_space<vmem_shared>>
      tpu.wait_dma2 semaphore(%run_scoped3A : memref<!tpu.dma_semaphore, #tpu.memory_space<semaphore_mem>>) src(%dma_wait3A_103 : memref<128x64xf32, #tpu.memory_space<vmem_shared>>) dst(%dma_wait3A_101 : memref<128x64xf32, #tpu.memory_space<hbm>>)
      tpu.yield
    }) : () -> ()
    %mul3A_83 = arith.constant 640 : i32
    %mul3A_84 = arith.muli %arg1, %mul3A_83 : i32
    %add3A_85 = arith.constant 256 : i32
    %add3A_86 = arith.addi %mul3A_84, %add3A_85 : i32
    "tpu.region"() ({
      %run_scoped3A = tpu.sem_alloc : memref<!tpu.dma_semaphore, #tpu.memory_space<semaphore_mem>>
      %dma_start3A_95 = arith.constant 0 : i32
      %dma_start3A_96 = tpu.memref_slice %arg5[%arg0, %add3A_86, %dma_start3A_95] : memref<2x10240x64xf32, #tpu.memory_space<hbm>> -> memref<1x128x64xf32, #tpu.memory_space<hbm>>
      %dma_start3A_97 = tpu.memref_squeeze %dma_start3A_96 : memref<1x128x64xf32, #tpu.memory_space<hbm>> -> memref<128x64xf32, #tpu.memory_space<hbm>>
      %dma_start3A_98 = arith.constant 0 : i32
      %dma_start3A_99 = tpu.memref_slice %arg13[%add3A_86, %dma_start3A_98] : memref<10240x64xf32, #tpu.memory_space<vmem_shared>> -> memref<128x64xf32, #tpu.memory_space<vmem_shared>>
      tpu.enqueue_dma source(%dma_start3A_99 : memref<128x64xf32, #tpu.memory_space<vmem_shared>>) target(%dma_start3A_97 : memref<128x64xf32, #tpu.memory_space<hbm>>) target_semaphore(%run_scoped3A : memref<!tpu.dma_semaphore, #tpu.memory_space<semaphore_mem>>)
      %dma_wait3A = arith.constant 0 : i32
      %dma_wait3A_100 = tpu.memref_slice %arg5[%arg0, %add3A_86, %dma_wait3A] : memref<2x10240x64xf32, #tpu.memory_space<hbm>> -> memref<1x128x64xf32, #tpu.memory_space<hbm>>
      %dma_wait3A_101 = tpu.memref_squeeze %dma_wait3A_100 : memref<1x128x64xf32, #tpu.memory_space<hbm>> -> memref<128x64xf32, #tpu.memory_space<hbm>>
      %dma_wait3A_102 = arith.constant 0 : i32
      %dma_wait3A_103 = tpu.memref_slice %arg13[%add3A_86, %dma_wait3A_102] : memref<10240x64xf32, #tpu.memory_space<vmem_shared>> -> memref<128x64xf32, #tpu.memory_space<vmem_shared>>
      tpu.wait_dma2 semaphore(%run_scoped3A : memref<!tpu.dma_semaphore, #tpu.memory_space<semaphore_mem>>) src(%dma_wait3A_103 : memref<128x64xf32, #tpu.memory_space<vmem_shared>>) dst(%dma_wait3A_101 : memref<128x64xf32, #tpu.memory_space<hbm>>)
      tpu.yield
    }) : () -> ()
    %mul3A_87 = arith.constant 640 : i32
    %mul3A_88 = arith.muli %arg1, %mul3A_87 : i32
    %add3A_89 = arith.constant 384 : i32
    %add3A_90 = arith.addi %mul3A_88, %add3A_89 : i32
    "tpu.region"() ({
      %run_scoped3A = tpu.sem_alloc : memref<!tpu.dma_semaphore, #tpu.memory_space<semaphore_mem>>
      %dma_start3A_95 = arith.constant 0 : i32
      %dma_start3A_96 = tpu.memref_slice %arg5[%arg0, %add3A_90, %dma_start3A_95] : memref<2x10240x64xf32, #tpu.memory_space<hbm>> -> memref<1x128x64xf32, #tpu.memory_space<hbm>>
      %dma_start3A_97 = tpu.memref_squeeze %dma_start3A_96 : memref<1x128x64xf32, #tpu.memory_space<hbm>> -> memref<128x64xf32, #tpu.memory_space<hbm>>
      %dma_start3A_98 = arith.constant 0 : i32
      %dma_start3A_99 = tpu.memref_slice %arg13[%add3A_90, %dma_start3A_98] : memref<10240x64xf32, #tpu.memory_space<vmem_shared>> -> memref<128x64xf32, #tpu.memory_space<vmem_shared>>
      tpu.enqueue_dma source(%dma_start3A_99 : memref<128x64xf32, #tpu.memory_space<vmem_shared>>) target(%dma_start3A_97 : memref<128x64xf32, #tpu.memory_space<hbm>>) target_semaphore(%run_scoped3A : memref<!tpu.dma_semaphore, #tpu.memory_space<semaphore_mem>>)
      %dma_wait3A = arith.constant 0 : i32
      %dma_wait3A_100 = tpu.memref_slice %arg5[%arg0, %add3A_90, %dma_wait3A] : memref<2x10240x64xf32, #tpu.memory_space<hbm>> -> memref<1x128x64xf32, #tpu.memory_space<hbm>>
      %dma_wait3A_101 = tpu.memref_squeeze %dma_wait3A_100 : memref<1x128x64xf32, #tpu.memory_space<hbm>> -> memref<128x64xf32, #tpu.memory_space<hbm>>
      %dma_wait3A_102 = arith.constant 0 : i32
      %dma_wait3A_103 = tpu.memref_slice %arg13[%add3A_90, %dma_wait3A_102] : memref<10240x64xf32, #tpu.memory_space<vmem_shared>> -> memref<128x64xf32, #tpu.memory_space<vmem_shared>>
      tpu.wait_dma2 semaphore(%run_scoped3A : memref<!tpu.dma_semaphore, #tpu.memory_space<semaphore_mem>>) src(%dma_wait3A_103 : memref<128x64xf32, #tpu.memory_space<vmem_shared>>) dst(%dma_wait3A_101 : memref<128x64xf32, #tpu.memory_space<hbm>>)
      tpu.yield
    }) : () -> ()
    %mul3A_91 = arith.constant 640 : i32
    %mul3A_92 = arith.muli %arg1, %mul3A_91 : i32
    %add3A_93 = arith.constant 512 : i32
    %add3A_94 = arith.addi %mul3A_92, %add3A_93 : i32
    "tpu.region"() ({
      %run_scoped3A = tpu.sem_alloc : memref<!tpu.dma_semaphore, #tpu.memory_space<semaphore_mem>>
      %dma_start3A_95 = arith.constant 0 : i32
      %dma_start3A_96 = tpu.memref_slice %arg5[%arg0, %add3A_94, %dma_start3A_95] : memref<2x10240x64xf32, #tpu.memory_space<hbm>> -> memref<1x128x64xf32, #tpu.memory_space<hbm>>
      %dma_start3A_97 = tpu.memref_squeeze %dma_start3A_96 : memref<1x128x64xf32, #tpu.memory_space<hbm>> -> memref<128x64xf32, #tpu.memory_space<hbm>>
      %dma_start3A_98 = arith.constant 0 : i32
      %dma_start3A_99 = tpu.memref_slice %arg13[%add3A_94, %dma_start3A_98] : memref<10240x64xf32, #tpu.memory_space<vmem_shared>> -> memref<128x64xf32, #tpu.memory_space<vmem_shared>>
      tpu.enqueue_dma source(%dma_start3A_99 : memref<128x64xf32, #tpu.memory_space<vmem_shared>>) target(%dma_start3A_97 : memref<128x64xf32, #tpu.memory_space<hbm>>) target_semaphore(%run_scoped3A : memref<!tpu.dma_semaphore, #tpu.memory_space<semaphore_mem>>)
      %dma_wait3A = arith.constant 0 : i32
      %dma_wait3A_100 = tpu.memref_slice %arg5[%arg0, %add3A_94, %dma_wait3A] : memref<2x10240x64xf32, #tpu.memory_space<hbm>> -> memref<1x128x64xf32, #tpu.memory_space<hbm>>
      %dma_wait3A_101 = tpu.memref_squeeze %dma_wait3A_100 : memref<1x128x64xf32, #tpu.memory_space<hbm>> -> memref<128x64xf32, #tpu.memory_space<hbm>>
      %dma_wait3A_102 = arith.constant 0 : i32
      %dma_wait3A_103 = tpu.memref_slice %arg13[%add3A_94, %dma_wait3A_102] : memref<10240x64xf32, #tpu.memory_space<vmem_shared>> -> memref<128x64xf32, #tpu.memory_space<vmem_shared>>
      tpu.wait_dma2 semaphore(%run_scoped3A : memref<!tpu.dma_semaphore, #tpu.memory_space<semaphore_mem>>) src(%dma_wait3A_103 : memref<128x64xf32, #tpu.memory_space<vmem_shared>>) dst(%dma_wait3A_101 : memref<128x64xf32, #tpu.memory_space<hbm>>)
      tpu.yield
    }) : () -> ()
    return
  }
}

module attributes {stable_mosaic.version = 14 : i64} {
  func.func @body(%arg0: i32, %arg1: memref<1000x128xf32, #tpu.memory_space<vmem>>, %arg2: memref<128x128xf32, #tpu.memory_space<vmem>>, %arg3: memref<1x128xf32, #tpu.memory_space<vmem>>, %arg4: memref<2x1000x1xf32, #tpu.memory_space<vmem>>, %arg5: memref<2x1000x64xf32, #tpu.memory_space<vmem>>) attributes {dimension_semantics = [#tpu.dimension_semantics<arbitrary>], iteration_bounds = array<i64: 10>, scalar_prefetch = 0 : i64, scratch_operands = 0 : i64, tpu.core_type = #tpu.core_type<tc>, window_params = [{transform_indices = @transform_0, window_bounds = array<i64: 1000, 128>}, {pipeline_mode = #tpu.pipeline_mode<synchronous>, transform_indices = @transform_1, window_bounds = array<i64: 128, 128>}, {pipeline_mode = #tpu.pipeline_mode<synchronous>, transform_indices = @transform_2, window_bounds = array<i64: 1, 128>}, {transform_indices = @transform_3, window_bounds = array<i64: 2, 1000, 1>}, {transform_indices = @transform_4, window_bounds = array<i64: 2, 1000, 64>}]} {
    %get3A = arith.constant 0 : index
    %get3A_0 = arith.constant 0 : index
    %get3A_1 = vector.load %arg1[%get3A, %get3A_0] : memref<1000x128xf32, #tpu.memory_space<vmem>>, vector<1000x128xf32>
    %get3A_2 = arith.constant 0 : index
    %get3A_3 = arith.constant 0 : index
    %get3A_4 = vector.load %arg2[%get3A_2, %get3A_3] : memref<128x128xf32, #tpu.memory_space<vmem>>, vector<128x128xf32>
    %dot_general3A = arith.constant dense<0.000000e+00> : vector<1000x128xf32>
    %dot_general3A_5 = tpu.matmul %get3A_1, %get3A_4, %dot_general3A {dimension_numbers = #tpu.dot_dimension_numbers<[1], [0], [0], [1], [0, 0, 1, 1], [], []>, transpose_lhs_hint = false} : vector<1000x128xf32>, vector<128x128xf32>, vector<1000x128xf32> -> vector<1000x128xf32>
    %get3A_6 = arith.constant 0 : index
    %get3A_7 = arith.constant 0 : index
    %get3A_8 = vector.load %arg3[%get3A_6, %get3A_7] : memref<1x128xf32, #tpu.memory_space<vmem>>, vector<1x128xf32>
    %add3A = vector.broadcast %get3A_8 : vector<1x128xf32> to vector<1000x128xf32>
    %add3A_9 = arith.addf %dot_general3A_5, %add3A : vector<1000x128xf32>
    %get3A_10 = arith.constant 0 : index
    %get3A_11 = arith.constant 0 : index
    %get3A_12 = arith.constant 0 : index
    %get3A_13 = vector.load %arg4[%get3A_10, %get3A_11, %get3A_12] : memref<2x1000x1xf32, #tpu.memory_space<vmem>>, vector<1x1000x1xf32>
    %get3A_14 = vector.shape_cast %get3A_13 : vector<1x1000x1xf32> to vector<1000x1xf32>
    %get3A_15 = arith.constant 1 : index
    %get3A_16 = arith.constant 0 : index
    %get3A_17 = arith.constant 0 : index
    %get3A_18 = vector.load %arg4[%get3A_15, %get3A_16, %get3A_17] : memref<2x1000x1xf32, #tpu.memory_space<vmem>>, vector<1x1000x1xf32>
    %get3A_19 = vector.shape_cast %get3A_18 : vector<1x1000x1xf32> to vector<1000x1xf32>
    %add3A_20 = arith.addf %get3A_14, %get3A_19 : vector<1000x1xf32>
    %add3A_21 = arith.constant 1.000000e+00 : f32
    %add3A_22 = vector.broadcast %add3A_21 : f32 to vector<1000x1xf32>
    %add3A_23 = arith.addf %add3A_20, %add3A_22 : vector<1000x1xf32>
    %rsqrt3A = math.rsqrt %add3A_23 : vector<1000x1xf32>
    %mul3A = vector.broadcast %rsqrt3A : vector<1000x1xf32> to vector<1000x128xf32>
    %mul3A_24 = arith.mulf %add3A_9, %mul3A : vector<1000x128xf32>
    %slice3A = vector.extract_strided_slice %mul3A_24 {offsets = [0, 0], sizes = [1000, 64], strides = [1, 1]} : vector<1000x128xf32> to vector<1000x64xf32>
    %swap3A = arith.constant 0 : index
    %swap3A_25 = arith.constant 0 : index
    %swap3A_26 = arith.constant 0 : index
    %swap3A_27 = vector.load %arg5[%swap3A, %swap3A_25, %swap3A_26] : memref<2x1000x64xf32, #tpu.memory_space<vmem>>, vector<1x1000x64xf32>
    %swap3A_28 = vector.shape_cast %swap3A_27 : vector<1x1000x64xf32> to vector<1000x64xf32>
    %swap3A_29 = vector.shape_cast %slice3A : vector<1000x64xf32> to vector<1x1000x64xf32>
    tpu.vector_store %arg5[%swap3A, %swap3A_25, %swap3A_26], %swap3A_29 {strides = array<i32>} : memref<2x1000x64xf32, #tpu.memory_space<vmem>>, vector<1x1000x64xf32>,
    %slice3A_30 = vector.extract_strided_slice %mul3A_24 {offsets = [0, 64], sizes = [1000, 64], strides = [1, 1]} : vector<1000x128xf32> to vector<1000x64xf32>
    %swap3A_31 = arith.constant 1 : index
    %swap3A_32 = arith.constant 0 : index
    %swap3A_33 = arith.constant 0 : index
    %swap3A_34 = vector.load %arg5[%swap3A_31, %swap3A_32, %swap3A_33] : memref<2x1000x64xf32, #tpu.memory_space<vmem>>, vector<1x1000x64xf32>
    %swap3A_35 = vector.shape_cast %swap3A_34 : vector<1x1000x64xf32> to vector<1000x64xf32>
    %swap3A_36 = vector.shape_cast %slice3A_30 : vector<1000x64xf32> to vector<1x1000x64xf32>
    tpu.vector_store %arg5[%swap3A_31, %swap3A_32, %swap3A_33], %swap3A_36 {strides = array<i32>} : memref<2x1000x64xf32, #tpu.memory_space<vmem>>, vector<1x1000x64xf32>,
    return
  }
  func.func @transform_0(%arg0: i32) -> (i32, i32) {
    %c0_i32 = arith.constant 0 : i32
    %c0_i32_0 = arith.constant 0 : i32
    return %arg0, %c0_i32 : i32, i32
  }
  func.func @transform_1(%arg0: i32) -> (i32, i32) {
    %c0_i32 = arith.constant 0 : i32
    %c0_i32_0 = arith.constant 0 : i32
    %c0_i32_1 = arith.constant 0 : i32
    return %c0_i32, %c0_i32_0 : i32, i32
  }
  func.func @transform_2(%arg0: i32) -> (i32, i32) {
    %c0_i32 = arith.constant 0 : i32
    %c0_i32_0 = arith.constant 0 : i32
    %c0_i32_1 = arith.constant 0 : i32
    return %c0_i32, %c0_i32_0 : i32, i32
  }
  func.func @transform_3(%arg0: i32) -> (i32, i32, i32) {
    %c0_i32 = arith.constant 0 : i32
    %c0_i32_0 = arith.constant 0 : i32
    %c0_i32_1 = arith.constant 0 : i32
    return %c0_i32, %arg0, %c0_i32_0 : i32, i32, i32
  }
  func.func @transform_4(%arg0: i32) -> (i32, i32, i32) {
    %c0_i32 = arith.constant 0 : i32
    %c0_i32_0 = arith.constant 0 : i32
    %c0_i32_1 = arith.constant 0 : i32
    return %c0_i32, %arg0, %c0_i32_0 : i32, i32, i32
  }
}

module attributes {stable_mosaic.version = 14 : i64} {
  func.func @body(%arg0: i32, %arg1: memref<2x1000x64xf32, #tpu.memory_space<vmem>>, %arg2: memref<2x1000x64xf32, #tpu.memory_space<vmem>>, %arg3: memref<2x1000x1xf32, #tpu.memory_space<vmem>>, %arg4: memref<128x128xf32, #tpu.memory_space<vmem>>, %arg5: memref<1x128xf32, #tpu.memory_space<vmem>>, %arg6: memref<2x1000x64xf32, #tpu.memory_space<vmem>>) attributes {dimension_semantics = [#tpu.dimension_semantics<arbitrary>], iteration_bounds = array<i64: 10>, scalar_prefetch = 0 : i64, scratch_operands = 0 : i64, tpu.core_type = #tpu.core_type<tc>, window_params = [{transform_indices = @transform_0, window_bounds = array<i64: 2, 1000, 64>}, {transform_indices = @transform_1, window_bounds = array<i64: 2, 1000, 64>}, {transform_indices = @transform_2, window_bounds = array<i64: 2, 1000, 1>}, {pipeline_mode = #tpu.pipeline_mode<synchronous>, transform_indices = @transform_3, window_bounds = array<i64: 128, 128>}, {pipeline_mode = #tpu.pipeline_mode<synchronous>, transform_indices = @transform_4, window_bounds = array<i64: 1, 128>}, {transform_indices = @transform_5, window_bounds = array<i64: 2, 1000, 64>}]} {
    %get3A = arith.constant 0 : index
    %get3A_0 = arith.constant 0 : index
    %get3A_1 = arith.constant 0 : index
    %get3A_2 = vector.load %arg3[%get3A, %get3A_0, %get3A_1] : memref<2x1000x1xf32, #tpu.memory_space<vmem>>, vector<1x1000x1xf32>
    %get3A_3 = vector.shape_cast %get3A_2 : vector<1x1000x1xf32> to vector<1000x1xf32>
    %get3A_4 = arith.constant 1 : index
    %get3A_5 = arith.constant 0 : index
    %get3A_6 = arith.constant 0 : index
    %get3A_7 = vector.load %arg3[%get3A_4, %get3A_5, %get3A_6] : memref<2x1000x1xf32, #tpu.memory_space<vmem>>, vector<1x1000x1xf32>
    %get3A_8 = vector.shape_cast %get3A_7 : vector<1x1000x1xf32> to vector<1000x1xf32>
    %add3A = arith.addf %get3A_3, %get3A_8 : vector<1000x1xf32>
    %add3A_9 = arith.constant 1.000000e+00 : f32
    %add3A_10 = vector.broadcast %add3A_9 : f32 to vector<1000x1xf32>
    %add3A_11 = arith.addf %add3A, %add3A_10 : vector<1000x1xf32>
    %rsqrt3A = math.rsqrt %add3A_11 : vector<1000x1xf32>
    %get3A_12 = arith.constant 0 : index
    %get3A_13 = arith.constant 0 : index
    %get3A_14 = arith.constant 0 : index
    %get3A_15 = vector.load %arg1[%get3A_12, %get3A_13, %get3A_14] : memref<2x1000x64xf32, #tpu.memory_space<vmem>>, vector<1x1000x64xf32>
    %get3A_16 = vector.shape_cast %get3A_15 : vector<1x1000x64xf32> to vector<1000x64xf32>
    %get3A_17 = arith.constant 0 : index
    %get3A_18 = arith.constant 0 : index
    %get3A_19 = arith.constant 0 : index
    %get3A_20 = vector.load %arg2[%get3A_17, %get3A_18, %get3A_19] : memref<2x1000x64xf32, #tpu.memory_space<vmem>>, vector<1x1000x64xf32>
    %get3A_21 = vector.shape_cast %get3A_20 : vector<1x1000x64xf32> to vector<1000x64xf32>
    %add3A_22 = arith.addf %get3A_16, %get3A_21 : vector<1000x64xf32>
    %get3A_23 = arith.constant 1 : index
    %get3A_24 = arith.constant 0 : index
    %get3A_25 = arith.constant 0 : index
    %get3A_26 = vector.load %arg1[%get3A_23, %get3A_24, %get3A_25] : memref<2x1000x64xf32, #tpu.memory_space<vmem>>, vector<1x1000x64xf32>
    %get3A_27 = vector.shape_cast %get3A_26 : vector<1x1000x64xf32> to vector<1000x64xf32>
    %get3A_28 = arith.constant 1 : index
    %get3A_29 = arith.constant 0 : index
    %get3A_30 = arith.constant 0 : index
    %get3A_31 = vector.load %arg2[%get3A_28, %get3A_29, %get3A_30] : memref<2x1000x64xf32, #tpu.memory_space<vmem>>, vector<1x1000x64xf32>
    %get3A_32 = vector.shape_cast %get3A_31 : vector<1x1000x64xf32> to vector<1000x64xf32>
    %add3A_33 = arith.addf %get3A_27, %get3A_32 : vector<1000x64xf32>
    %concatenate3A = tpu.concatenate %add3A_22, %add3A_33 in 1 : vector<1000x64xf32>, vector<1000x64xf32> -> vector<1000x128xf32>
    %mul3A = vector.broadcast %rsqrt3A : vector<1000x1xf32> to vector<1000x128xf32>
    %mul3A_34 = arith.mulf %concatenate3A, %mul3A : vector<1000x128xf32>
    %get3A_35 = arith.constant 0 : index
    %get3A_36 = arith.constant 0 : index
    %get3A_37 = vector.load %arg4[%get3A_35, %get3A_36] : memref<128x128xf32, #tpu.memory_space<vmem>>, vector<128x128xf32>
    %dot_general3A = arith.constant dense<0.000000e+00> : vector<1000x128xf32>
    %dot_general3A_38 = tpu.matmul %mul3A_34, %get3A_37, %dot_general3A {dimension_numbers = #tpu.dot_dimension_numbers<[1], [0], [0], [1], [0, 0, 1, 1], [], []>, transpose_lhs_hint = false} : vector<1000x128xf32>, vector<128x128xf32>, vector<1000x128xf32> -> vector<1000x128xf32>
    %get3A_39 = arith.constant 0 : index
    %get3A_40 = arith.constant 0 : index
    %get3A_41 = vector.load %arg5[%get3A_39, %get3A_40] : memref<1x128xf32, #tpu.memory_space<vmem>>, vector<1x128xf32>
    %add3A_42 = vector.broadcast %get3A_41 : vector<1x128xf32> to vector<1000x128xf32>
    %add3A_43 = arith.addf %dot_general3A_38, %add3A_42 : vector<1000x128xf32>
    %max3A = arith.constant 0.000000e+00 : f32
    %max3A_44 = vector.broadcast %max3A : f32 to vector<1000x128xf32>
    %max3A_45 = arith.maximumf %add3A_43, %max3A_44 : vector<1000x128xf32>
    %mul3A_46 = vector.broadcast %rsqrt3A : vector<1000x1xf32> to vector<1000x128xf32>
    %mul3A_47 = arith.mulf %max3A_45, %mul3A_46 : vector<1000x128xf32>
    %slice3A = vector.extract_strided_slice %mul3A_47 {offsets = [0, 0], sizes = [1000, 64], strides = [1, 1]} : vector<1000x128xf32> to vector<1000x64xf32>
    %swap3A = arith.constant 0 : index
    %swap3A_48 = arith.constant 0 : index
    %swap3A_49 = arith.constant 0 : index
    %swap3A_50 = vector.load %arg6[%swap3A, %swap3A_48, %swap3A_49] : memref<2x1000x64xf32, #tpu.memory_space<vmem>>, vector<1x1000x64xf32>
    %swap3A_51 = vector.shape_cast %swap3A_50 : vector<1x1000x64xf32> to vector<1000x64xf32>
    %swap3A_52 = vector.shape_cast %slice3A : vector<1000x64xf32> to vector<1x1000x64xf32>
    tpu.vector_store %arg6[%swap3A, %swap3A_48, %swap3A_49], %swap3A_52 {strides = array<i32>} : memref<2x1000x64xf32, #tpu.memory_space<vmem>>, vector<1x1000x64xf32>,
    %slice3A_53 = vector.extract_strided_slice %mul3A_47 {offsets = [0, 64], sizes = [1000, 64], strides = [1, 1]} : vector<1000x128xf32> to vector<1000x64xf32>
    %swap3A_54 = arith.constant 1 : index
    %swap3A_55 = arith.constant 0 : index
    %swap3A_56 = arith.constant 0 : index
    %swap3A_57 = vector.load %arg6[%swap3A_54, %swap3A_55, %swap3A_56] : memref<2x1000x64xf32, #tpu.memory_space<vmem>>, vector<1x1000x64xf32>
    %swap3A_58 = vector.shape_cast %swap3A_57 : vector<1x1000x64xf32> to vector<1000x64xf32>
    %swap3A_59 = vector.shape_cast %slice3A_53 : vector<1000x64xf32> to vector<1x1000x64xf32>
    tpu.vector_store %arg6[%swap3A_54, %swap3A_55, %swap3A_56], %swap3A_59 {strides = array<i32>} : memref<2x1000x64xf32, #tpu.memory_space<vmem>>, vector<1x1000x64xf32>,
    return
  }
  func.func @transform_0(%arg0: i32) -> (i32, i32, i32) {
    %c0_i32 = arith.constant 0 : i32
    %c0_i32_0 = arith.constant 0 : i32
    %c0_i32_1 = arith.constant 0 : i32
    return %c0_i32, %arg0, %c0_i32_0 : i32, i32, i32
  }
  func.func @transform_1(%arg0: i32) -> (i32, i32, i32) {
    %c0_i32 = arith.constant 0 : i32
    %c0_i32_0 = arith.constant 0 : i32
    %c0_i32_1 = arith.constant 0 : i32
    return %c0_i32, %arg0, %c0_i32_0 : i32, i32, i32
  }
  func.func @transform_2(%arg0: i32) -> (i32, i32, i32) {
    %c0_i32 = arith.constant 0 : i32
    %c0_i32_0 = arith.constant 0 : i32
    %c0_i32_1 = arith.constant 0 : i32
    return %c0_i32, %arg0, %c0_i32_0 : i32, i32, i32
  }
  func.func @transform_3(%arg0: i32) -> (i32, i32) {
    %c0_i32 = arith.constant 0 : i32
    %c0_i32_0 = arith.constant 0 : i32
    %c0_i32_1 = arith.constant 0 : i32
    return %c0_i32, %c0_i32_0 : i32, i32
  }
  func.func @transform_4(%arg0: i32) -> (i32, i32) {
    %c0_i32 = arith.constant 0 : i32
    %c0_i32_0 = arith.constant 0 : i32
    %c0_i32_1 = arith.constant 0 : i32
    return %c0_i32, %c0_i32_0 : i32, i32
  }
  func.func @transform_5(%arg0: i32) -> (i32, i32, i32) {
    %c0_i32 = arith.constant 0 : i32
    %c0_i32_0 = arith.constant 0 : i32
    %c0_i32_1 = arith.constant 0 : i32
    return %c0_i32, %arg0, %c0_i32_0 : i32, i32, i32
  }
}

module attributes {stable_mosaic.version = 14 : i64} {
  func.func @body(%arg0: i32, %arg1: memref<2x1000x64xf32, #tpu.memory_space<vmem>>, %arg2: memref<2x1000x64xf32, #tpu.memory_space<vmem>>, %arg3: memref<2x1000x1xf32, #tpu.memory_space<vmem>>, %arg4: memref<128x128xf32, #tpu.memory_space<vmem>>, %arg5: memref<1x128xf32, #tpu.memory_space<vmem>>, %arg6: memref<1000x1xi32, #tpu.memory_space<vmem>>, %arg7: memref<128x1xf32, #tpu.memory_space<vmem>>, %arg8: memref<1x1xf32, #tpu.memory_space<vmem>>, %arg9: memref<64x1xf32, #tpu.memory_space<vmem>>, %arg10: memref<64x128xf32, #tpu.memory_space<vmem>>, %arg11: memref<64x1xf32, #tpu.memory_space<vmem>>) attributes {dimension_semantics = [#tpu.dimension_semantics<arbitrary>], iteration_bounds = array<i64: 10>, scalar_prefetch = 0 : i64, scratch_operands = 2 : i64, tpu.core_type = #tpu.core_type<tc>, window_params = [{transform_indices = @transform_0, window_bounds = array<i64: 2, 1000, 64>}, {transform_indices = @transform_1, window_bounds = array<i64: 2, 1000, 64>}, {transform_indices = @transform_2, window_bounds = array<i64: 2, 1000, 1>}, {pipeline_mode = #tpu.pipeline_mode<synchronous>, transform_indices = @transform_3, window_bounds = array<i64: 128, 128>}, {pipeline_mode = #tpu.pipeline_mode<synchronous>, transform_indices = @transform_4, window_bounds = array<i64: 1, 128>}, {transform_indices = @transform_5, window_bounds = array<i64: 1000, 1>}, {pipeline_mode = #tpu.pipeline_mode<synchronous>, transform_indices = @transform_6, window_bounds = array<i64: 128, 1>}, {pipeline_mode = #tpu.pipeline_mode<synchronous>, transform_indices = @transform_7, window_bounds = array<i64: 1, 1>}, {pipeline_mode = #tpu.pipeline_mode<synchronous>, transform_indices = @transform_8, window_bounds = array<i64: 64, 1>}]} {
    %get3A = arith.constant 0 : index
    %get3A_0 = arith.constant 0 : index
    %get3A_1 = arith.constant 0 : index
    %get3A_2 = vector.load %arg3[%get3A, %get3A_0, %get3A_1] : memref<2x1000x1xf32, #tpu.memory_space<vmem>>, vector<1x1000x1xf32>
    %get3A_3 = vector.shape_cast %get3A_2 : vector<1x1000x1xf32> to vector<1000x1xf32>
    %get3A_4 = arith.constant 1 : index
    %get3A_5 = arith.constant 0 : index
    %get3A_6 = arith.constant 0 : index
    %get3A_7 = vector.load %arg3[%get3A_4, %get3A_5, %get3A_6] : memref<2x1000x1xf32, #tpu.memory_space<vmem>>, vector<1x1000x1xf32>
    %get3A_8 = vector.shape_cast %get3A_7 : vector<1x1000x1xf32> to vector<1000x1xf32>
    %add3A = arith.addf %get3A_3, %get3A_8 : vector<1000x1xf32>
    %add3A_9 = arith.constant 1.000000e+00 : f32
    %add3A_10 = vector.broadcast %add3A_9 : f32 to vector<1000x1xf32>
    %add3A_11 = arith.addf %add3A, %add3A_10 : vector<1000x1xf32>
    %rsqrt3A = math.rsqrt %add3A_11 : vector<1000x1xf32>
    %get3A_12 = arith.constant 0 : index
    %get3A_13 = arith.constant 0 : index
    %get3A_14 = arith.constant 0 : index
    %get3A_15 = vector.load %arg1[%get3A_12, %get3A_13, %get3A_14] : memref<2x1000x64xf32, #tpu.memory_space<vmem>>, vector<1x1000x64xf32>
    %get3A_16 = vector.shape_cast %get3A_15 : vector<1x1000x64xf32> to vector<1000x64xf32>
    %get3A_17 = arith.constant 0 : index
    %get3A_18 = arith.constant 0 : index
    %get3A_19 = arith.constant 0 : index
    %get3A_20 = vector.load %arg2[%get3A_17, %get3A_18, %get3A_19] : memref<2x1000x64xf32, #tpu.memory_space<vmem>>, vector<1x1000x64xf32>
    %get3A_21 = vector.shape_cast %get3A_20 : vector<1x1000x64xf32> to vector<1000x64xf32>
    %add3A_22 = arith.addf %get3A_16, %get3A_21 : vector<1000x64xf32>
    %get3A_23 = arith.constant 1 : index
    %get3A_24 = arith.constant 0 : index
    %get3A_25 = arith.constant 0 : index
    %get3A_26 = vector.load %arg1[%get3A_23, %get3A_24, %get3A_25] : memref<2x1000x64xf32, #tpu.memory_space<vmem>>, vector<1x1000x64xf32>
    %get3A_27 = vector.shape_cast %get3A_26 : vector<1x1000x64xf32> to vector<1000x64xf32>
    %get3A_28 = arith.constant 1 : index
    %get3A_29 = arith.constant 0 : index
    %get3A_30 = arith.constant 0 : index
    %get3A_31 = vector.load %arg2[%get3A_28, %get3A_29, %get3A_30] : memref<2x1000x64xf32, #tpu.memory_space<vmem>>, vector<1x1000x64xf32>
    %get3A_32 = vector.shape_cast %get3A_31 : vector<1x1000x64xf32> to vector<1000x64xf32>
    %add3A_33 = arith.addf %get3A_27, %get3A_32 : vector<1000x64xf32>
    %concatenate3A = tpu.concatenate %add3A_22, %add3A_33 in 1 : vector<1000x64xf32>, vector<1000x64xf32> -> vector<1000x128xf32>
    %mul3A = vector.broadcast %rsqrt3A : vector<1000x1xf32> to vector<1000x128xf32>
    %mul3A_34 = arith.mulf %concatenate3A, %mul3A : vector<1000x128xf32>
    %get3A_35 = arith.constant 0 : index
    %get3A_36 = arith.constant 0 : index
    %get3A_37 = vector.load %arg4[%get3A_35, %get3A_36] : memref<128x128xf32, #tpu.memory_space<vmem>>, vector<128x128xf32>
    %dot_general3A = arith.constant dense<0.000000e+00> : vector<1000x128xf32>
    %dot_general3A_38 = tpu.matmul %mul3A_34, %get3A_37, %dot_general3A {dimension_numbers = #tpu.dot_dimension_numbers<[1], [0], [0], [1], [0, 0, 1, 1], [], []>, transpose_lhs_hint = false} : vector<1000x128xf32>, vector<128x128xf32>, vector<1000x128xf32> -> vector<1000x128xf32>
    %get3A_39 = arith.constant 0 : index
    %get3A_40 = arith.constant 0 : index
    %get3A_41 = vector.load %arg5[%get3A_39, %get3A_40] : memref<1x128xf32, #tpu.memory_space<vmem>>, vector<1x128xf32>
    %add3A_42 = vector.broadcast %get3A_41 : vector<1x128xf32> to vector<1000x128xf32>
    %add3A_43 = arith.addf %dot_general3A_38, %add3A_42 : vector<1000x128xf32>
    %max3A = arith.constant 0.000000e+00 : f32
    %max3A_44 = vector.broadcast %max3A : f32 to vector<1000x128xf32>
    %max3A_45 = arith.maximumf %add3A_43, %max3A_44 : vector<1000x128xf32>
    %iota3A = tpu.iota {dimensions = array<i32: 1>} : vector<1000x64xi32>
    %get3A_46 = arith.constant 0 : index
    %get3A_47 = arith.constant 0 : index
    %get3A_48 = vector.load %arg6[%get3A_46, %get3A_47] : memref<1000x1xi32, #tpu.memory_space<vmem>>, vector<1000x1xi32>
    %eq3A = vector.broadcast %get3A_48 : vector<1000x1xi32> to vector<1000x64xi32>
    %eq3A_49 = arith.cmpi eq, %eq3A, %iota3A : vector<1000x64xi32>
    %convert_element_type3A = arith.extui %eq3A_49 : vector<1000x64xi1> to vector<1000x64xi32>
    %convert_element_type3A_50 = arith.sitofp %convert_element_type3A : vector<1000x64xi32> to vector<1000x64xf32>
    %dot_general3A_51 = arith.constant dense<0.000000e+00> : vector<64x128xf32>
    %dot_general3A_52 = tpu.matmul %convert_element_type3A_50, %max3A_45, %dot_general3A_51 {dimension_numbers = #tpu.dot_dimension_numbers<[0], [0], [1], [1], [0, 1, 1, 1], [], []>, transpose_lhs_hint = false} : vector<1000x64xf32>, vector<1000x128xf32>, vector<64x128xf32> -> vector<64x128xf32>
    %broadcast_in_dim3A = arith.constant 1.000000e+00 : f32
    %broadcast_in_dim3A_53 = vector.broadcast %broadcast_in_dim3A : f32 to vector<1000x1xf32>
    %dot_general3A_54 = arith.constant dense<0.000000e+00> : vector<64x1xf32>
    %dot_general3A_55 = tpu.matmul %convert_element_type3A_50, %broadcast_in_dim3A_53, %dot_general3A_54 {dimension_numbers = #tpu.dot_dimension_numbers<[0], [0], [1], [1], [0, 1, 1, 1], [], []>, transpose_lhs_hint = false} : vector<1000x64xf32>, vector<1000x1xf32>, vector<64x1xf32> -> vector<64x1xf32>
    %eq3A_56 = arith.constant 0 : i32
    %eq3A_57 = arith.cmpi eq, %arg0, %eq3A_56 : i32
    %convert_element_type3A_58 = arith.extui %eq3A_57 : i1 to i32
    %cond3A = arith.constant 0 : i32
    %cond3A_59 = arith.cmpi ne, %convert_element_type3A_58, %cond3A : i32
    scf.if %cond3A_59 {
      %swap3A = arith.constant 0 : index
      %swap3A_69 = arith.constant 0 : index
      %swap3A_70 = vector.load %arg10[%swap3A, %swap3A_69] : memref<64x128xf32, #tpu.memory_space<vmem>>, vector<64x128xf32>
      tpu.vector_store %arg10[%swap3A, %swap3A_69], %dot_general3A_52 {strides = array<i32>} : memref<64x128xf32, #tpu.memory_space<vmem>>, vector<64x128xf32>,
      %swap3A_71 = arith.constant 0 : index
      %swap3A_72 = arith.constant 0 : index
      %swap3A_73 = vector.load %arg11[%swap3A_71, %swap3A_72] : memref<64x1xf32, #tpu.memory_space<vmem>>, vector<64x1xf32>
      tpu.vector_store %arg11[%swap3A_71, %swap3A_72], %dot_general3A_55 {strides = array<i32>} : memref<64x1xf32, #tpu.memory_space<vmem>>, vector<64x1xf32>,
    } else {
    }
    %gt3A = arith.constant 0 : i32
    %gt3A_60 = arith.cmpi sgt, %arg0, %gt3A : i32
    %convert_element_type3A_61 = arith.extui %gt3A_60 : i1 to i32
    %cond3A_62 = arith.constant 0 : i32
    %cond3A_63 = arith.cmpi ne, %convert_element_type3A_61, %cond3A_62 : i32
    scf.if %cond3A_63 {
      %get3A_69 = arith.constant 0 : index
      %get3A_70 = arith.constant 0 : index
      %get3A_71 = vector.load %arg10[%get3A_69, %get3A_70] : memref<64x128xf32, #tpu.memory_space<vmem>>, vector<64x128xf32>
      %add3A_72 = arith.addf %get3A_71, %dot_general3A_52 : vector<64x128xf32>
      %swap3A = arith.constant 0 : index
      %swap3A_73 = arith.constant 0 : index
      %swap3A_74 = vector.load %arg10[%swap3A, %swap3A_73] : memref<64x128xf32, #tpu.memory_space<vmem>>, vector<64x128xf32>
      tpu.vector_store %arg10[%swap3A, %swap3A_73], %add3A_72 {strides = array<i32>} : memref<64x128xf32, #tpu.memory_space<vmem>>, vector<64x128xf32>,
      %get3A_75 = arith.constant 0 : index
      %get3A_76 = arith.constant 0 : index
      %get3A_77 = vector.load %arg11[%get3A_75, %get3A_76] : memref<64x1xf32, #tpu.memory_space<vmem>>, vector<64x1xf32>
      %add3A_78 = arith.addf %get3A_77, %dot_general3A_55 : vector<64x1xf32>
      %swap3A_79 = arith.constant 0 : index
      %swap3A_80 = arith.constant 0 : index
      %swap3A_81 = vector.load %arg11[%swap3A_79, %swap3A_80] : memref<64x1xf32, #tpu.memory_space<vmem>>, vector<64x1xf32>
      tpu.vector_store %arg11[%swap3A_79, %swap3A_80], %add3A_78 {strides = array<i32>} : memref<64x1xf32, #tpu.memory_space<vmem>>, vector<64x1xf32>,
    } else {
    }
    %eq3A_64 = arith.constant 9 : i32
    %eq3A_65 = arith.cmpi eq, %arg0, %eq3A_64 : i32
    %convert_element_type3A_66 = arith.extui %eq3A_65 : i1 to i32
    %cond3A_67 = arith.constant 0 : i32
    %cond3A_68 = arith.cmpi ne, %convert_element_type3A_66, %cond3A_67 : i32
    scf.if %cond3A_68 {
      %get3A_69 = arith.constant 0 : index
      %get3A_70 = arith.constant 0 : index
      %get3A_71 = vector.load %arg10[%get3A_69, %get3A_70] : memref<64x128xf32, #tpu.memory_space<vmem>>, vector<64x128xf32>
      %get3A_72 = arith.constant 0 : index
      %get3A_73 = arith.constant 0 : index
      %get3A_74 = vector.load %arg11[%get3A_72, %get3A_73] : memref<64x1xf32, #tpu.memory_space<vmem>>, vector<64x1xf32>
      %max3A_75 = arith.constant 1.000000e+00 : f32
      %max3A_76 = vector.broadcast %max3A_75 : f32 to vector<64x1xf32>
      %max3A_77 = arith.maximumf %get3A_74, %max3A_76 : vector<64x1xf32>
      %div3A = vector.broadcast %max3A_77 : vector<64x1xf32> to vector<64x128xf32>
      %div3A_78 = arith.divf %get3A_71, %div3A : vector<64x128xf32>
      %get3A_79 = arith.constant 0 : index
      %get3A_80 = arith.constant 0 : index
      %get3A_81 = vector.load %arg7[%get3A_79, %get3A_80] : memref<128x1xf32, #tpu.memory_space<vmem>>, vector<128x1xf32>
      %dot_general3A_82 = arith.constant dense<0.000000e+00> : vector<64x1xf32>
      %dot_general3A_83 = tpu.matmul %div3A_78, %get3A_81, %dot_general3A_82 {dimension_numbers = #tpu.dot_dimension_numbers<[1], [0], [0], [1], [0, 0, 1, 1], [], []>, transpose_lhs_hint = false} : vector<64x128xf32>, vector<128x1xf32>, vector<64x1xf32> -> vector<64x1xf32>
      %get3A_84 = arith.constant 0 : index
      %get3A_85 = arith.constant 0 : index
      %get3A_86 = vector.load %arg8[%get3A_84, %get3A_85] : memref<1x1xf32, #tpu.memory_space<vmem>>, vector<1x1xf32>
      %add3A_87 = vector.broadcast %get3A_86 : vector<1x1xf32> to vector<64x1xf32>
      %add3A_88 = arith.addf %dot_general3A_83, %add3A_87 : vector<64x1xf32>
      %swap3A = arith.constant 0 : index
      %swap3A_89 = arith.constant 0 : index
      %swap3A_90 = vector.load %arg9[%swap3A, %swap3A_89] : memref<64x1xf32, #tpu.memory_space<vmem>>, vector<64x1xf32>
      tpu.vector_store %arg9[%swap3A, %swap3A_89], %add3A_88 {strides = array<i32>} : memref<64x1xf32, #tpu.memory_space<vmem>>, vector<64x1xf32>,
    } else {
    }
    return
  }
  func.func @transform_0(%arg0: i32) -> (i32, i32, i32) {
    %c0_i32 = arith.constant 0 : i32
    %c0_i32_0 = arith.constant 0 : i32
    %c0_i32_1 = arith.constant 0 : i32
    return %c0_i32, %arg0, %c0_i32_0 : i32, i32, i32
  }
  func.func @transform_1(%arg0: i32) -> (i32, i32, i32) {
    %c0_i32 = arith.constant 0 : i32
    %c0_i32_0 = arith.constant 0 : i32
    %c0_i32_1 = arith.constant 0 : i32
    return %c0_i32, %arg0, %c0_i32_0 : i32, i32, i32
  }
  func.func @transform_2(%arg0: i32) -> (i32, i32, i32) {
    %c0_i32 = arith.constant 0 : i32
    %c0_i32_0 = arith.constant 0 : i32
    %c0_i32_1 = arith.constant 0 : i32
    return %c0_i32, %arg0, %c0_i32_0 : i32, i32, i32
  }
  func.func @transform_3(%arg0: i32) -> (i32, i32) {
    %c0_i32 = arith.constant 0 : i32
    %c0_i32_0 = arith.constant 0 : i32
    %c0_i32_1 = arith.constant 0 : i32
    return %c0_i32, %c0_i32_0 : i32, i32
  }
  func.func @transform_4(%arg0: i32) -> (i32, i32) {
    %c0_i32 = arith.constant 0 : i32
    %c0_i32_0 = arith.constant 0 : i32
    %c0_i32_1 = arith.constant 0 : i32
    return %c0_i32, %c0_i32_0 : i32, i32
  }
  func.func @transform_5(%arg0: i32) -> (i32, i32) {
    %c0_i32 = arith.constant 0 : i32
    %c0_i32_0 = arith.constant 0 : i32
    return %arg0, %c0_i32 : i32, i32
  }
  func.func @transform_6(%arg0: i32) -> (i32, i32) {
    %c0_i32 = arith.constant 0 : i32
    %c0_i32_0 = arith.constant 0 : i32
    %c0_i32_1 = arith.constant 0 : i32
    return %c0_i32, %c0_i32_0 : i32, i32
  }
  func.func @transform_7(%arg0: i32) -> (i32, i32) {
    %c0_i32 = arith.constant 0 : i32
    %c0_i32_0 = arith.constant 0 : i32
    %c0_i32_1 = arith.constant 0 : i32
    return %c0_i32, %c0_i32_0 : i32, i32
  }
  func.func @transform_8(%arg0: i32) -> (i32, i32) {
    %c0_i32 = arith.constant 0 : i32
    %c0_i32_0 = arith.constant 0 : i32
    %c0_i32_1 = arith.constant 0 : i32
    return %c0_i32, %c0_i32_0 : i32, i32
  }
}

</mosaic_0001>

<sc_bundles>
// kernel: kernel.11.cloned.1.call-start
scs
__scs_entry_jumppad:
0x0: {  	(pc) =	sbr.rel $0x88, $3  }
0x1: {  	(tag) =	ssettag $0x0;
	lr =	simm.s32 $0x1  }
0x2: {  	[smem:$0x3F96] =	sst lr;
	_ =	strace $0xD0000000  }
0x3: {  	_ = 	snop  }
0x4: {  	_ = 	snop  }
0x5: {  	_ = 	snop  }
0x6: {  	_ = 	snop  }
0x7: {  	_ = 	snop  }
__scs_overlays_trampoline_lowered:
0x8: {  	[smem:$0x3FA5] =	sst s0  }
0x9: {  	[smem:$0x3FA6] =	sst s1  }
0xa: {  	[smem:$0x3FA7] =	sst s2  }
0xb: {  	[smem:$0x3FA8] =	sst s3  }
0xc: {  	[smem:$0x3FA9] =	sst s4  }
0xd: {  	[smem:$0x3FAA] =	sst s5  }
0xe: {  	[smem:$0x3FAB] =	sst s6  }
0xf: {  	[smem:$0x3FAC] =	sst s7  }
0x10: {  	[smem:$0x3FAD] =	sst s8  }
0x11: {  	[smem:$0x3FAE] =	sst s9;
	s0 =	simm.s32 @!p0 $0x0  }
0x12: {  	s1 =	sld [smem:$0x3F94];
	s0 =	simm.s32 @p0 $0x1  }
0x13: {  	[smem:$0x3FAF] =	sst s0;
	s0 =	simm.s32 @!p1 $0x0  }
0x14: {  	s2 =	sld [smem:$0x3F93];
	s0 =	simm.s32 @p1 $0x1  }
0x15: {  	[smem:$0x3FB0] =	sst s0;
	s0 =	simm.s32 @!p2 $0x0  }
0x16: {  	s3 =	sld [smem:$0x3FDB];
	s0 =	simm.s32 @p2 $0x1  }
0x17: {  	s4 =	simm.s32 $0x1BF5;
	[smem:$0x3FB2] =	sst s0  }
0x18: {  	s0 =	sld [smem:$0x3F95];
	_ =	swait.ge [sflag:s4], $0x0  }
0x19: {  	s7 =	sld [smem:$0x3F96]  }
0x1a: {  	s8 =	sadd.s32 $0xFFFFE003, lr  }
0x1b: {  	s9 =	sadd.s32 $0xFFFFFEF7, lr;
	s5 =	simm.s32 $0xFFFFFFFF;
	p2 =	slt.u32 s8, $0xFFFFF086  }
0x1c: {  	p1 =	slt.u32 s9, $0xF7A;
	s5 =	simm.s32 @!p2 $0x0  }
0x1d: {  	s5 =	simm.s32 @p1 $0x1;
	p0 =	seq.s32 s7, s2  }
0x1e: {  	s7 =	smul.u32 @!p0 $0xF7A, s2;
	p2 =	seq.s32 @!p0 s5, $0x0  }
0x1f: {  	s9 =	smul.u32 $0xF7A, s1;
	s8 =	simm.s32 @!p0 $0x1BF5;
	p2 =	por !p2, p0  }
0x20: {  	[sflag:s8] =	ssyncset.s32 @!p0 $0xFFFFF086;
	s6 =	sadd.s32 @!p0 s3, s7;
	s7 =	simm.s32 @!p0 $0x108  }
0x21: {  	s3 =	sadd.s32 s3, s9;
	s6 =	sadd.s32 @!p0 $0x88, s6;
	s7 =	simm.s32 @p2 $0x1082  }
0x22: {  	[simem:s7], [sflag:s8] =	dma.local @!p0 [hbm:s6], $0xF7A  }
0x23: {  	s9 =	sor.u32 $0xD0000000, s2;
	s6 =	simm.s32 $0x108;
	_ =	swait.ge @!p0 [sflag:s8], $0x0  }
0x24: {  	s3 =	sadd.s32 $0x88, s3;
	s6 =	simm.s32 @!p1 $0x1082;
	[sflag:s4] =	ssyncset.s32 $0xFFFFF086  }
0x25: {  	[simem:s6], [sflag:s4] =	dma.local [hbm:s3], $0xF7A  }
0x26: {  	[smem:$0x3F96] =	sst s1;
	(tag) =	ssettag s2;
	_ =	strace s9  }
0x27: {  	s1 =	sld [smem:$0x3FA6]  }
0x28: {  	s2 =	sld [smem:$0x3FA7]  }
0x29: {  	s4 =	sld [smem:$0x3FA9]  }
0x2a: {  	p0 =	seq.s32 s5, $0x0;
	s5 =	sld [smem:$0x3FAA]  }
0x2b: {  	s6 =	sld [smem:$0x3FAB]  }
0x2c: {  	s7 =	sld [smem:$0x3FAC]  }
0x2d: {  	s3 =	simm.s32 $0x108;
	s8 =	sld [smem:$0x3FAD]  }
0x2e: {  	s3 =	simm.s32 @!p0 $0x1082;
	s9 =	sld [smem:$0x3FAE]  }
0x2f: {  	lr =	sadd.s32 s0, s3;
	s0 =	sld [smem:$0x3FA5]  }
0x30: {  	s3 =	sld [smem:$0x3FA8]  }
0x31: {  	[smem:$0x3FB1] =	sst s10  }
0x32: {  	s10 =	sld [smem:$0x3FAF];
	_ =	sdelay $0x3  }
0x33: {  	p0 =	seq.s32 s10, $0x1;
	s10 =	sld [smem:$0x3FB1];
	_ =	sdelay $0x3  }
0x34: {  	[smem:$0x3FB1] =	sst s10  }
0x35: {  	s10 =	sld [smem:$0x3FB0];
	_ =	sdelay $0x3  }
0x36: {  	p1 =	seq.s32 s10, $0x1;
	s10 =	sld [smem:$0x3FB1];
	_ =	sdelay $0x3  }
0x37: {  	[smem:$0x3FB1] =	sst s10  }
0x38: {  	s10 =	sld [smem:$0x3FB2]  }
0x39: {  	_ = 	snop;
	(pc) =	sbr.ind lr, $3  }
0x3a: {  	_ = 	snop  }
0x3b: {  	_ = 	snop  }
0x3c: {  	p2 =	seq.s32 s10, $0x1;
	s10 =	sld [smem:$0x3FB1]  }
0x3d: {  	_ =	shalt  }
0x3e: {  	_ =	shalt  }
0x3f: {  	_ =	shalt  }
0x40: {  	_ =	shalt  }
0x41: {  	_ =	shalt  }
0x42: {  	_ =	shalt  }
0x43: {  	_ =	shalt  }
0x44: {  	_ =	shalt  }
0x45: {  	_ =	shalt  }
0x46: {  	_ =	shalt  }
0x47: {  	_ =	shalt  }
0x48: {  	_ =	shalt  }
0x49: {  	_ =	shalt  }
0x4a: {  	_ =	shalt  }
0x4b: {  	_ =	shalt  }
0x4c: {  	_ =	shalt  }
0x4d: {  	_ =	shalt  }
0x4e: {  	_ =	shalt  }
0x4f: {  	_ =	shalt  }
0x50: {  	_ =	shalt  }
0x51: {  	_ =	shalt  }
0x52: {  	_ =	shalt  }
0x53: {  	_ =	shalt  }
0x54: {  	_ =	shalt  }
0x55: {  	_ =	shalt  }
0x56: {  	_ =	shalt  }
0x57: {  	_ =	shalt  }
0x58: {  	_ =	shalt  }
0x59: {  	_ =	shalt  }
0x5a: {  	_ =	shalt  }
0x5b: {  	_ =	shalt  }
0x5c: {  	_ =	shalt  }
0x5d: {  	_ =	shalt  }
0x5e: {  	_ =	shalt  }
0x5f: {  	_ =	shalt  }
0x60: {  	_ =	shalt  }
0x61: {  	_ =	shalt  }
0x62: {  	_ =	shalt  }
0x63: {  	_ =	shalt  }
0x64: {  	_ =	shalt  }
0x65: {  	_ =	shalt  }
0x66: {  	_ =	shalt  }
0x67: {  	_ =	shalt  }
0x68: {  	_ =	shalt  }
0x69: {  	_ =	shalt  }
0x6a: {  	_ =	shalt  }
0x6b: {  	_ =	shalt  }
0x6c: {  	_ =	shalt  }
0x6d: {  	_ =	shalt  }
0x6e: {  	_ =	shalt  }
0x6f: {  	_ =	shalt  }
0x70: {  	_ =	shalt  }
0x71: {  	_ =	shalt  }
0x72: {  	_ =	shalt  }
0x73: {  	_ =	shalt  }
0x74: {  	_ =	shalt  }
0x75: {  	_ =	shalt  }
0x76: {  	_ =	shalt  }
0x77: {  	_ =	shalt  }
0x78: {  	_ =	shalt  }
0x79: {  	_ =	shalt  }
0x7a: {  	_ =	shalt  }
0x7b: {  	_ =	shalt  }
0x7c: {  	_ =	shalt  }
0x7d: {  	_ =	shalt  }
0x7e: {  	_ =	shalt  }
0x7f: {  	_ =	shalt  }
0x80: {  	_ =	shalt  }
0x81: {  	_ =	shalt  }
0x82: {  	_ =	shalt  }
0x83: {  	_ =	shalt  }
0x84: {  	_ =	shalt  }
0x85: {  	_ =	shalt  }
0x86: {  	_ =	shalt  }
0x87: {  	_ =	shalt  }
.Lfunc_end0:
.L_simem_size_0:
called_computation.1_lowered:
.L_overlay_start_0:
0x88: {  	s2 =	sld [smem:$0x3FD9]  }
0x89: {  	s3 =	sld [smem:$0x3FFE];
	_ =	sdelay $0x1  }
0x8a: {  	s1 =	srdreg.scid  }
0x8b: {  	s0 =	sand.u32 $0x1, s1  }
0x8c: {  	s16 =	sshll.u32 s0, $0xA;
	s2 =	sadd.s32 s3, s2  }
0x8d: {  	s2 =	sadd.s32 s2, s16  }
0x8e: {  	[smem:$0x3FBD] =	sst s2  }
0x8f: {  	_ = 	snop  }
0x90: {  	(tm) =	ssettm $0x1  }
0x91: {  	s17 =	sld [smem:$0x3FFB];
	_ =	sdelay $0x3  }
0x92: {  	_ =	strace s17  }
0x93: {  	s2 =	sld [smem:$0x3FFC];
	_ =	sdelay $0x3  }
0x94: {  	_ =	strace s2  }
0x95: {  	s2 =	sld [smem:$0x3FFD];
	_ =	sdelay $0x3  }
0x96: {  	_ =	strace s2  }
0x97: {  	_ =	strace $0x8FFFFFFF  }
0x98: {  	s18 =	sld [smem:$0x3FDB];
	_ =	sdelay $0x1  }
0x99: {  	s19 =	simm.s32 $_scs_section_size  }
0x9a: {  	s4 =	simm.s32 $_size__tile_overlayer_lowered;
	s5 =	simm.s32 $_tile_overlayer_lowered  }
0x9b: {  	s22 =	simm.s32 $0x1BFF;
	s21 =	sshll.u32 s5, $0x1;
	s2 =	sadd.s32 s19, s18  }
0x9c: {  	s6 =	simm.s32 $0x0;
	s20 =	sshll.u32 s4, $0x1;
	s4 =	sadd.s32 s21, s2  }
0x9d: {  	[timem:s6], [sflag:s22] =	dma.local [hbm:s4], s20  }
0x9e: {  	_ =	swait.ge [sflag:s22], s20  }
0x9f: {  	s3 =	ssub.s32 $0x0, s20;
	[sflag:s22] =	ssyncset.done $0x0  }
0xa0: {  	[sflag:s22] =	ssyncadd.s32 s3;
	_ =	sdelay $0x1  }
0xa1: {  	s23 =	simm.s32 $0x1B8B  }
0xa2: {  	_ =	swait.ge [sflag:s23], $0x1  }
0xa3: {  	[sflag:s23] =	ssyncset.done $0x0  }
0xa4: {  	s25 =	simm.s32 $0x1B8E;
	s24 =	sld [smem:$0x3FFE];
	[sflag:s23] =	ssyncadd.s32 $0xFFFFFFFF  }
0xa5: {  	s26 =	simm.s32 $execute0_lowered;
	[smem:$0x3FD2] =	sst s25  }
0xa6: {  	s4 =	sshll.u32 s26, $0x1;
	_ =	strace $0x80000049;
	[dreg:$0x1] =	wrdreg $0xFFFFFFFF  }
0xa7: {  	s28 =	simm.s32 $_size_execute0_lowered;
	s2 =	sadd.s32 s2, s4;
	[dreg:$0x0] =	wrdreg $0x0  }
0xa8: {  	s4 =	sshll.u32 s28, $0x1;
	[dreg:$0x2] =	wrdreg s2  }
0xa9: {  	[dreg:$0x3] =	wrdreg s4  }
0xaa: {  	[dreg:$0x4] =	wrdreg $0xC0  }
0xab: {  	_ =	task [dreg:s6], $0x5FFFF  }
0xac: {  	[dreg:$0x1] =	wrdreg $0xFFFFFFFF  }
0xad: {  	[dreg:$0x0] =	wrdreg $0x60  }
0xae: {  	[dreg:$0x2] =	wrdreg s24  }
0xaf: {  	[dreg:$0x3] =	wrdreg $0x140000  }
0xb0: {  	[dreg:$0x4] =	wrdreg $0x9  }
0xb1: {  	_ =	task.clear_ibuf [dreg:s6], $0x5FFFF;
	_ =	strace $0x90000049  }
0xb2: {  	s29 =	simm.s32 $0x9;
	_ =	strace $0x8000004B  }
0xb3: {  	_ =	swait.ge [sflag:s29], $0x1  }
0xb4: {  	[sflag:s29] =	ssyncadd.s32 $0xFFFFFFFF  }
0xb5: {  	_ =	strace $0x9000004B  }
0xb6: {  	_ =	sfence  }
0xb7: {  	s30 =	sld [smem:$0x0];
	_ =	sdelay $0x2  }
0xb8: {  	s31 =	sshll.u32 s1, $0xD;
	s1 =	sshrl.u32 s1, $0x2  }
0xb9: {  	s3 =	sand.u32 $0x4000, s31;
	s1 =	sadd.s32 s1, s30  }
0xba: {  	s0 =	sor.u32 s3, s0;
	s1 =	sshll.u32 s1, $0x11  }
0xbb: {  	s0 =	sor.u32 s1, s0  }
0xbc: {  	s0 =	sadd.s32 $0x8F2B, s0  }
0xbd: {  	[sflag:s0] =	ssyncadd.remote.s32 $0x1  }
0xbe: {  	_ =	sfence.sel $0xFFFF  }
0xbf: {  	[dreg:$0x0] =	wrdreg $0xFFFFFFFF;
	(pc) =	sbr.abs _section_cstart, $3  }
0xc0: {  	[dreg:$0x1] =	wrdreg $0xFFFFFFFF  }
0xc1: {  	_ =	task.clear_ibuf [dreg:s6], $0x2FFFF;
	_ =	strace $0x9FFFFFFF  }
0xc2: {  	(tm) =	ssettm $0x7FFFFFFF  }
0xc3: {  	_ =	shalt  }
tec
execute0_lowered:
.L_overlay_start_1:
0x0: {  	(tag) =	ssettag $0x1  }
0x1: {  	s0 =	rddreg [dreg:$0x0]  }
0x2: {  	s2 =	rddreg [dreg:$0x1];
	s3 =	simm.s32 $0x0;
	s6 =	stileid.u32  }
0x3: {  	s1 =	srdreg.scid;
	s19 =	simm.s32 $0x5;
	s21 =	simm.s32 $0x80  }
0x4: {  	s22 =	simm.s32 $0xA000;
	s23 =	simm.s32 $0xC000;
	s28 =	simm.s32 $0x10000  }
0x5: {  	s29 =	simm.s32 $0x1;
	s30 =	simm.s32 $0x2;
	s4 =	smul.u32 $0xA00, s6  }
0x6: {  	[smem:$0x7FF] =	sst s3;
	s1 =	sand.u32 $0x1, s1;
	s11 =	smul.u32 $0xA000, s6  }
0x7: {  	s31 =	simm.s32 $0x3;
	_ =	strace $0x8000004A;
	s5 =	smul.u32 $0x13880, s1  }
0x8: {  	s24 =	ssub.s32 $0x2, s1;
	s1 =	smul.u32 $0xA0000, s1;
	s10 =	sadd.s32 s4, s0  }
0x9: {  	s25 =	sshrl.u32 s24, $0x1;
	s13 =	sadd.s32 $0x2000, s11;
	s14 =	sadd.s32 $0x4000, s11  }
0xa: {  	s4 =	sadd.s32 s11, s2;
	s15 =	sadd.s32 $0x6000, s11;
	s16 =	sadd.s32 $0x8000, s11  }
0xb: {  	s12 =	sadd.s32 s5, s0;
	s0 =	sadd.s32 $0xDC000, s0;
	s17 =	ssub.s32 s24, s25  }
0xc: {  	s5 =	sadd.s32 s13, s2;
	s6 =	sadd.s32 s14, s2;
	s7 =	sadd.s32 s15, s2  }
0xd: {  	s8 =	sadd.s32 s16, s2;
	s9 =	sadd.s32 $0x2200, s10;
	s10 =	sadd.s32 $0xC200, s10  }
0xe: {  	s18 =	sadd.s32 s11, s1;
	s13 =	sadd.s32 s1, s13;
	s14 =	sadd.s32 s1, s14  }
0xf: {  	s15 =	sadd.s32 s1, s15;
	s1 =	sadd.s32 s1, s16;
	s25 =	simm.s32 $0xE000  }
0x10: {  	s11 =	sadd.s32 $0xB4E00, s12;
	s26 =	sshrl.u32 s18, $0x3;
	s13 =	sshrl.u32 s13, $0x3  }
0x11: {  	s14 =	sshrl.u32 s14, $0x3;
	s15 =	sshrl.u32 s15, $0x3;
	s1 =	sshrl.u32 s1, $0x3  }
0x12: {  	s17 =	smax.u32 s17, $0x1;
	s18 =	simm.s32 $0x12000;
	s12 =	sadd.s32 s0, s26  }
0x13: {  	s13 =	sadd.s32 s0, s13;
	s14 =	sadd.s32 s0, s14;
	s15 =	sadd.s32 s0, s15  }
0x14: {  	v0 =	vimm.f32 $0.0e+00;
	s16 =	sadd.s32 s0, s1;
	s0 =	simm.s32 $0x4;
	s26 =	simm.s32 $0x9F80  }
.LBB2_1:
0x15: {  	s20 =	simm.s32 $0x100;
	s1 =	simm.s32 $0x0  }
.LBB2_2:
0x16: {  	p0 =	sne.s32 s20, $0x7F00;
	[tilespmem:s1+$0x12030] =	vst v0;
	s24 =	smov.u32 s20;
	s20 =	sadd.s32 $0x100, s20  }
.Ltmp0:
0x17: {  	[tilespmem:s1+$0x12020] =	vst v0;
	(pc) =	sbr.rel @p0 .LBB2_2-.Ltmp0, $3  }
0x18: {  	[tilespmem:s1+$0x12000] =	vst v0  }
0x19: {  	[tilespmem:s1+$0x12010] =	vst v0;
	_ =	sdelay $0x1  }
0x1a: {  	s1 =	sshra.s32 s24, $0x2  }
0x1b: {  	[tilespmem:s1+$0x12030] =	vst v0  }
0x1c: {  	[tilespmem:s1+$0x12020] =	vst v0  }
0x1d: {  	[tilespmem:s1+$0x12000] =	vst v0  }
0x1e: {  	[tilespmem:s1+$0x12010] =	vst v0  }
0x1f: {  	[spmem:s4] =	stream.linear.scatter [tilespmem:s18], [sflag:$0x5], $0x2000, $0x38;
	[tilespmem:$0x1E000] =	vst v63  }
0x20: {  	_ =	swait.ge [sflag:s19], $0x2000  }
0x21: {  	[sflag:s19] =	ssyncset.done $0x0  }
0x22: {  	[sflag:s19] =	ssyncadd.s32 $0xFFFFE000  }
0x23: {  	[spmem:s5] =	stream.linear.scatter [tilespmem:s18], [sflag:$0x5], $0x2000, $0x38;
	[tilespmem:$0x1E000] =	vst v63  }
0x24: {  	_ =	swait.ge [sflag:s19], $0x2000  }
0x25: {  	[sflag:s19] =	ssyncset.done $0x0  }
0x26: {  	[sflag:s19] =	ssyncadd.s32 $0xFFFFE000  }
0x27: {  	[spmem:s6] =	stream.linear.scatter [tilespmem:s18], [sflag:$0x5], $0x2000, $0x38;
	[tilespmem:$0x1E000] =	vst v63  }
0x28: {  	_ =	swait.ge [sflag:s19], $0x2000  }
0x29: {  	[sflag:s19] =	ssyncset.done $0x0  }
0x2a: {  	[sflag:s19] =	ssyncadd.s32 $0xFFFFE000  }
0x2b: {  	[spmem:s7] =	stream.linear.scatter [tilespmem:s18], [sflag:$0x5], $0x2000, $0x38;
	[tilespmem:$0x1E000] =	vst v63  }
0x2c: {  	_ =	swait.ge [sflag:s19], $0x2000  }
0x2d: {  	[sflag:s19] =	ssyncset.done $0x0  }
0x2e: {  	[sflag:s19] =	ssyncadd.s32 $0xFFFFE000  }
0x2f: {  	[spmem:s8] =	stream.linear.scatter [tilespmem:s18], [sflag:$0x5], $0x2000, $0x38;
	[tilespmem:$0x1E000] =	vst v63  }
0x30: {  	_ =	swait.ge [sflag:s19], $0x2000  }
0x31: {  	[sflag:s19] =	ssyncset.done $0x0  }
0x32: {  	s24 =	simm.s32 $0x0;
	[sflag:s19] =	ssyncadd.s32 $0xFFFFE000  }
0x33: {  	[tilespmem:s24], [sflag:$0x5] =	stream.linear.gather [hbm4b:s9+s24], $0x5000, $0x38;
	[tilespmem:$0x1E000] =	vst v63  }
0x34: {  	_ =	swait.ge [sflag:s19], $0x5000  }
0x35: {  	[sflag:s19] =	ssyncset.done $0x0  }
0x36: {  	s20 =	simm.s32 $0x5000;
	[sflag:s19] =	ssyncadd.s32 $0xFFFFB000  }
0x37: {  	[tilespmem:s20], [sflag:$0x5] =	stream.linear.gather [hbm4b:s10+s24], $0x5000, $0x38;
	[tilespmem:$0x1E000] =	vst v63  }
0x38: {  	_ =	swait.ge [sflag:s19], $0x5000  }
0x39: {  	[sflag:s19] =	ssyncset.done $0x0  }
0x3a: {  	[sflag:s19] =	ssyncadd.s32 $0xFFFFB000  }
0x3b: {  	[bflag:$0x0] =	sbarrier.arrive $0xFFFF  }
0x3c: {  	[tilespmem:s22], [sflag:$0x1] =	stream.indirect.gather [hbm4b:s11+s21], $0x40, s24, s21, $0xb8;
	[tilespmem:$0x1E000] =	vst v63  }
0x3d: {  	_ = 	snop  }
0x3e: {  	[tilespmem:s23], [sflag:$0x2] =	stream.indirect.gather [hbm4b:s11+s21], $0x40, s21, s21, $0xb8;
	[tilespmem:$0x1E000] =	vst v63  }
0x3f: {  	s24 =	simm.s32 $0x100  }
0x40: {  	[tilespmem:s25], [sflag:$0x3] =	stream.indirect.gather [hbm4b:s11+s21], $0x40, s24, s21, $0xb8;
	[tilespmem:$0x1E000] =	vst v63  }
0x41: {  	s20 =	simm.s32 $0x180  }
0x42: {  	[tilespmem:s28], [sflag:$0x4] =	stream.indirect.gather [hbm4b:s11+s21], $0x40, s20, s21, $0xb8;
	[tilespmem:$0x1E000] =	vst v63  }
0x43: {  	_ =	swait.ge [sflag:s29], $0x2000  }
0x44: {  	[sflag:s29] =	ssyncset.done $0x0  }
0x45: {  	s24 =	simm.s32 $0x5000;
	[sflag:s29] =	ssyncadd.s32 $0xFFFFE000  }
0x46: {  	[spmem:s2] =	stream.indirect.scatter.add.f32 [tilespmem:s22], [sflag:$0x5], $0x40, s24, s21, $0xb8;
	[tilespmem:$0x1E000] =	vst v63  }
0x47: {  	_ =	swait.ge [sflag:s19], $0x2000  }
0x48: {  	[sflag:s19] =	ssyncset.done $0x0  }
0x49: {  	s20 =	simm.s32 $0x200;
	[sflag:s19] =	ssyncadd.s32 $0xFFFFE000  }
0x4a: {  	[tilespmem:s22], [sflag:$0x1] =	stream.indirect.gather [hbm4b:s11+s21], $0x40, s20, s21, $0xb8;
	[tilespmem:$0x1E000] =	vst v63  }
0x4b: {  	_ =	swait.ge [sflag:s30], $0x2000  }
0x4c: {  	[sflag:s30] =	ssyncset.done $0x0  }
0x4d: {  	s24 =	simm.s32 $0x5080;
	[sflag:s30] =	ssyncadd.s32 $0xFFFFE000  }
0x4e: {  	[spmem:s2] =	stream.indirect.scatter.add.f32 [tilespmem:s23], [sflag:$0x5], $0x40, s24, s21, $0xb8;
	[tilespmem:$0x1E000] =	vst v63  }
0x4f: {  	_ =	swait.ge [sflag:s19], $0x2000  }
0x50: {  	[sflag:s19] =	ssyncset.done $0x0  }
0x51: {  	s20 =	simm.s32 $0x280;
	[sflag:s19] =	ssyncadd.s32 $0xFFFFE000  }
0x52: {  	[tilespmem:s23], [sflag:$0x2] =	stream.indirect.gather [hbm4b:s11+s21], $0x40, s20, s21, $0xb8;
	[tilespmem:$0x1E000] =	vst v63  }
0x53: {  	_ =	swait.ge [sflag:s31], $0x2000  }
0x54: {  	[sflag:s31] =	ssyncset.done $0x0  }
0x55: {  	s24 =	simm.s32 $0x5100;
	[sflag:s31] =	ssyncadd.s32 $0xFFFFE000  }
0x56: {  	[spmem:s2] =	stream.indirect.scatter.add.f32 [tilespmem:s25], [sflag:$0x5], $0x40, s24, s21, $0xb8;
	[tilespmem:$0x1E000] =	vst v63  }
0x57: {  	_ =	swait.ge [sflag:s19], $0x2000  }
0x58: {  	[sflag:s19] =	ssyncset.done $0x0  }
0x59: {  	s20 =	simm.s32 $0x300;
	[sflag:s19] =	ssyncadd.s32 $0xFFFFE000  }
0x5a: {  	[tilespmem:s25], [sflag:$0x3] =	stream.indirect.gather [hbm4b:s11+s21], $0x40, s20, s21, $0xb8;
	[tilespmem:$0x1E000] =	vst v63  }
0x5b: {  	_ =	swait.ge [sflag:s0], $0x2000  }
0x5c: {  	[sflag:s0] =	ssyncset.done $0x0  }
0x5d: {  	s24 =	simm.s32 $0x5180;
	[sflag:s0] =	ssyncadd.s32 $0xFFFFE000  }
0x5e: {  	[spmem:s2] =	stream.indirect.scatter.add.f32 [tilespmem:s28], [sflag:$0x5], $0x40, s24, s21, $0xb8;
	[tilespmem:$0x1E000] =	vst v63  }
0x5f: {  	_ =	swait.ge [sflag:s19], $0x2000  }
0x60: {  	[sflag:s19] =	ssyncset.done $0x0  }
0x61: {  	s1 =	simm.s32 $0x800;
	s20 =	simm.s32 $0x380;
	[sflag:s19] =	ssyncadd.s32 $0xFFFFE000  }
.LBB2_4:
0x62: {  	[tilespmem:s28], [sflag:$0x4] =	stream.indirect.gather [hbm4b:s11+s21], $0x40, s20, s21, $0xb8;
	[tilespmem:$0x1E000] =	vst v63  }
0x63: {  	s20 =	smov.u32 s1  }
0x64: {  	p0 =	sne.s32 s1, $0x13000;
	s1 =	sadd.s32 $0x800, s1;
	_ =	swait.ge [sflag:s29], $0x2000  }
0x65: {  	s20 =	sshra.s32 s20, $0x2;
	[sflag:s29] =	ssyncset.done $0x0  }
0x66: {  	s24 =	sadd.s32 $0x5000, s20;
	[sflag:s29] =	ssyncadd.s32 $0xFFFFE000  }
0x67: {  	[spmem:s2] =	stream.indirect.scatter.add.f32 [tilespmem:s22], [sflag:$0x5], $0x40, s24, s21, $0xb8;
	[tilespmem:$0x1E000] =	vst v63  }
0x68: {  	_ =	swait.ge [sflag:s19], $0x2000  }
0x69: {  	[sflag:s19] =	ssyncset.done $0x0  }
0x6a: {  	s24 =	sadd.s32 $0x200, s20;
	[sflag:s19] =	ssyncadd.s32 $0xFFFFE000  }
0x6b: {  	[tilespmem:s22], [sflag:$0x1] =	stream.indirect.gather [hbm4b:s11+s21], $0x40, s24, s21, $0xb8;
	[tilespmem:$0x1E000] =	vst v63  }
0x6c: {  	_ =	swait.ge [sflag:s30], $0x2000  }
0x6d: {  	[sflag:s30] =	ssyncset.done $0x0  }
0x6e: {  	s24 =	sadd.s32 $0x5080, s20;
	[sflag:s30] =	ssyncadd.s32 $0xFFFFE000  }
0x6f: {  	[spmem:s2] =	stream.indirect.scatter.add.f32 [tilespmem:s23], [sflag:$0x5], $0x40, s24, s21, $0xb8;
	[tilespmem:$0x1E000] =	vst v63  }
0x70: {  	_ =	swait.ge [sflag:s19], $0x2000  }
0x71: {  	[sflag:s19] =	ssyncset.done $0x0  }
0x72: {  	s24 =	sadd.s32 $0x280, s20;
	[sflag:s19] =	ssyncadd.s32 $0xFFFFE000  }
0x73: {  	[tilespmem:s23], [sflag:$0x2] =	stream.indirect.gather [hbm4b:s11+s21], $0x40, s24, s21, $0xb8;
	[tilespmem:$0x1E000] =	vst v63  }
0x74: {  	_ =	swait.ge [sflag:s31], $0x2000  }
0x75: {  	[sflag:s31] =	ssyncset.done $0x0  }
0x76: {  	s24 =	sadd.s32 $0x5100, s20;
	[sflag:s31] =	ssyncadd.s32 $0xFFFFE000  }
0x77: {  	[spmem:s2] =	stream.indirect.scatter.add.f32 [tilespmem:s25], [sflag:$0x5], $0x40, s24, s21, $0xb8;
	[tilespmem:$0x1E000] =	vst v63  }
0x78: {  	_ =	swait.ge [sflag:s19], $0x2000  }
0x79: {  	[sflag:s19] =	ssyncset.done $0x0  }
0x7a: {  	s24 =	sadd.s32 $0x300, s20;
	[sflag:s19] =	ssyncadd.s32 $0xFFFFE000  }
0x7b: {  	[tilespmem:s25], [sflag:$0x3] =	stream.indirect.gather [hbm4b:s11+s21], $0x40, s24, s21, $0xb8;
	[tilespmem:$0x1E000] =	vst v63  }
0x7c: {  	_ =	swait.ge [sflag:s0], $0x2000  }
0x7d: {  	[sflag:s0] =	ssyncset.done $0x0  }
.Ltmp1:
0x7e: {  	s24 =	sadd.s32 $0x5180, s20;
	[sflag:s0] =	ssyncadd.s32 $0xFFFFE000;
	(pc) =	sbr.rel @p0 .LBB2_4-.Ltmp1, $4  }
0x7f: {  	[spmem:s2] =	stream.indirect.scatter.add.f32 [tilespmem:s28], [sflag:$0x5], $0x40, s24, s21, $0xb8;
	[tilespmem:$0x1E000] =	vst v63  }
0x80: {  	_ =	swait.ge [sflag:s19], $0x2000  }
0x81: {  	[sflag:s19] =	ssyncset.done $0x0  }
0x82: {  	s20 =	sadd.s32 $0x380, s20;
	[sflag:s19] =	ssyncadd.s32 $0xFFFFE000  }
0x83: {  	[tilespmem:s28], [sflag:$0x4] =	stream.indirect.gather [hbm4b:s11+s21], $0x40, s20, s21, $0xb8;
	[tilespmem:$0x1E000] =	vst v63  }
0x84: {  	_ =	swait.ge [sflag:s29], $0x2000  }
0x85: {  	[sflag:s29] =	ssyncset.done $0x0  }
0x86: {  	s1 =	simm.s32 $0x9E00;
	[sflag:s29] =	ssyncadd.s32 $0xFFFFE000  }
0x87: {  	[spmem:s2] =	stream.indirect.scatter.add.f32 [tilespmem:s22], [sflag:$0x5], $0x40, s1, s21, $0xb8;
	[tilespmem:$0x1E000] =	vst v63  }
0x88: {  	_ =	swait.ge [sflag:s19], $0x2000  }
0x89: {  	[sflag:s19] =	ssyncset.done $0x0  }
0x8a: {  	[sflag:s19] =	ssyncadd.s32 $0xFFFFE000  }
0x8b: {  	_ =	swait.ge [sflag:s30], $0x2000  }
0x8c: {  	[sflag:s30] =	ssyncset.done $0x0  }
0x8d: {  	s20 =	simm.s32 $0x9E80;
	[sflag:s30] =	ssyncadd.s32 $0xFFFFE000  }
0x8e: {  	[spmem:s2] =	stream.indirect.scatter.add.f32 [tilespmem:s23], [sflag:$0x5], $0x40, s20, s21, $0xb8;
	[tilespmem:$0x1E000] =	vst v63  }
0x8f: {  	_ =	swait.ge [sflag:s19], $0x2000  }
0x90: {  	[sflag:s19] =	ssyncset.done $0x0  }
0x91: {  	[sflag:s19] =	ssyncadd.s32 $0xFFFFE000  }
0x92: {  	_ =	swait.ge [sflag:s31], $0x2000  }
0x93: {  	[sflag:s31] =	ssyncset.done $0x0  }
0x94: {  	s24 =	simm.s32 $0x9F00;
	[sflag:s31] =	ssyncadd.s32 $0xFFFFE000  }
0x95: {  	[spmem:s2] =	stream.indirect.scatter.add.f32 [tilespmem:s25], [sflag:$0x5], $0x40, s24, s21, $0xb8;
	[tilespmem:$0x1E000] =	vst v63  }
0x96: {  	_ =	swait.ge [sflag:s19], $0x2000  }
0x97: {  	[sflag:s19] =	ssyncset.done $0x0  }
0x98: {  	[sflag:s19] =	ssyncadd.s32 $0xFFFFE000  }
0x99: {  	_ =	swait.ge [sflag:s0], $0x2000  }
0x9a: {  	[sflag:s0] =	ssyncset.done $0x0  }
0x9b: {  	[sflag:s0] =	ssyncadd.s32 $0xFFFFE000  }
0x9c: {  	[spmem:s2] =	stream.indirect.scatter.add.f32 [tilespmem:s28], [sflag:$0x5], $0x40, s26, s21, $0xb8;
	[tilespmem:$0x1E000] =	vst v63  }
0x9d: {  	_ =	swait.ge [sflag:s19], $0x2000  }
0x9e: {  	s20 =	stileid.u32;
	[sflag:s19] =	ssyncset.done $0x0  }
0x9f: {  	s1 =	sshll.u32 s20, $0x6;
	[sflag:s19] =	ssyncadd.s32 $0xFFFFE000  }
0xa0: {  	s1 =	sor.u32 $0x1C05, s1;
	s24 =	sshrl.u32 s4, $0x3;
	[bflag:$0x0] =	sbarrier.arrive $0xFFFF  }
0xa1: {  	[hbm:s12], [sflag:s1] =	dma.local [spmem:s24], $0x400  }
0xa2: {  	_ =	swait.ge [sflag:s19], $0x400  }
0xa3: {  	[sflag:s19] =	ssyncset.done $0x0  }
0xa4: {  	s24 =	sshrl.u32 s5, $0x3;
	[sflag:s19] =	ssyncadd.s32 $0xFFFFFC00  }
0xa5: {  	[hbm:s13], [sflag:s1] =	dma.local [spmem:s24], $0x400  }
0xa6: {  	_ =	swait.ge [sflag:s19], $0x400  }
0xa7: {  	[sflag:s19] =	ssyncset.done $0x0  }
0xa8: {  	s24 =	sshrl.u32 s6, $0x3;
	[sflag:s19] =	ssyncadd.s32 $0xFFFFFC00  }
0xa9: {  	[hbm:s14], [sflag:s1] =	dma.local [spmem:s24], $0x400  }
0xaa: {  	_ =	swait.ge [sflag:s19], $0x400  }
0xab: {  	[sflag:s19] =	ssyncset.done $0x0  }
0xac: {  	s24 =	sshrl.u32 s7, $0x3;
	[sflag:s19] =	ssyncadd.s32 $0xFFFFFC00  }
0xad: {  	[hbm:s15], [sflag:s1] =	dma.local [spmem:s24], $0x400  }
0xae: {  	s3 =	sadd.s32 $0x1, s3;
	_ =	swait.ge [sflag:s19], $0x400  }
0xaf: {  	p0 =	sne.s32 s3, s17;
	[sflag:s19] =	ssyncset.done $0x0  }
.Ltmp2:
0xb0: {  	s24 =	sshrl.u32 s8, $0x3;
	[sflag:s19] =	ssyncadd.s32 $0xFFFFFC00;
	(pc) =	sbr.rel @p0 .LBB2_1-.Ltmp2, $4  }
0xb1: {  	[hbm:s16], [sflag:s1] =	dma.local [spmem:s24], $0x400  }
0xb2: {  	_ =	swait.ge [sflag:s19], $0x400  }
0xb3: {  	[sflag:s19] =	ssyncset.done $0x0  }
0xb4: {  	[sflag:s19] =	ssyncadd.s32 $0xFFFFFC00  }
0xb5: {  	_ =	sfence.sel $0x180000  }
0xb6: {  	[bflag:$0x0] =	sbarrier.arrive $0xFFFF  }
0xb7: {  	_ =	strace $0x9000004A  }
0xb8: {  	s0 =	stileid.u32;
	[bflag:$0x2] =	sbarrier.arrive $0xFFFF  }
0xb9: {  	p0 =	sne.s32 s0, $0x0;
	s0 =	rddreg [dreg:$0x2]  }
0xba: {  	s0 =	sadd.s32 @!p0 $0x100000, s0  }
0xbb: {  	[sflag:s0] =	ssyncadd.tile.s32 @!p0 $0x1;
	_ =	shalt  }
.Lfunc_end2:
_tile_overlayer_lowered:
.L_overlay_start_2:
0xbc: {  	(tag) =	ssettag $0x2  }
0xbd: {  	s0 =	rddreg [dreg:$0x0];
	s2 =	stileid.u32  }
0xbe: {  	s1 =	rddreg [dreg:$0x1];
	p0 =	sne.s32 s2, $0x0  }
0xbf: {  	s3 =	rddreg [dreg:$0x2];
	[bflag:$0x3] =	sbarrier.arrive $0xFFFF;
	s2 =	simm.s32 @!p0 $0x1C05  }
0xc0: {  	[timem:s3], [sflag:s2] =	dma.local @!p0 [hbm:s0], s1  }
0xc1: {  	s0 =	simm.s32 @!p0 $0x5  }
0xc2: {  	_ =	swait.ge @!p0 [sflag:s0], s1  }
0xc3: {  	s1 =	ssub.s32 @!p0 $0x0, s1;
	[sflag:s0] =	ssyncset.done @!p0 $0x0  }
0xc4: {  	[sflag:s0] =	ssyncadd.s32 @!p0 s1  }
0xc5: {  	[bflag:$0x3] =	sbarrier.arrive $0xFFFF  }
0xc6: {  	_ =	shalt  }

// kernel: kernel.14.cloned.1.call-start
scs
__scs_entry_jumppad:
0x0: {  	(pc) =	sbr.rel $0x88, $3  }
0x1: {  	(tag) =	ssettag $0x0;
	lr =	simm.s32 $0x1  }
0x2: {  	[smem:$0x3F96] =	sst lr;
	_ =	strace $0xD0000000  }
0x3: {  	_ = 	snop  }
0x4: {  	_ = 	snop  }
0x5: {  	_ = 	snop  }
0x6: {  	_ = 	snop  }
0x7: {  	_ = 	snop  }
__scs_overlays_trampoline_lowered:
0x8: {  	[smem:$0x3FA5] =	sst s0  }
0x9: {  	[smem:$0x3FA6] =	sst s1  }
0xa: {  	[smem:$0x3FA7] =	sst s2  }
0xb: {  	[smem:$0x3FA8] =	sst s3  }
0xc: {  	[smem:$0x3FA9] =	sst s4  }
0xd: {  	[smem:$0x3FAA] =	sst s5  }
0xe: {  	[smem:$0x3FAB] =	sst s6  }
0xf: {  	[smem:$0x3FAC] =	sst s7  }
0x10: {  	[smem:$0x3FAD] =	sst s8  }
0x11: {  	[smem:$0x3FAE] =	sst s9;
	s0 =	simm.s32 @!p0 $0x0  }
0x12: {  	s1 =	sld [smem:$0x3F94];
	s0 =	simm.s32 @p0 $0x1  }
0x13: {  	[smem:$0x3FAF] =	sst s0;
	s0 =	simm.s32 @!p1 $0x0  }
0x14: {  	s2 =	sld [smem:$0x3F93];
	s0 =	simm.s32 @p1 $0x1  }
0x15: {  	[smem:$0x3FB0] =	sst s0;
	s0 =	simm.s32 @!p2 $0x0  }
0x16: {  	s3 =	sld [smem:$0x3FDB];
	s0 =	simm.s32 @p2 $0x1  }
0x17: {  	s4 =	simm.s32 $0x1BF5;
	[smem:$0x3FB2] =	sst s0  }
0x18: {  	s0 =	sld [smem:$0x3F95];
	_ =	swait.ge [sflag:s4], $0x0  }
0x19: {  	s7 =	sld [smem:$0x3F96]  }
0x1a: {  	s8 =	sadd.s32 $0xFFFFE003, lr  }
0x1b: {  	s9 =	sadd.s32 $0xFFFFFEF7, lr;
	s5 =	simm.s32 $0xFFFFFFFF;
	p2 =	slt.u32 s8, $0xFFFFF086  }
0x1c: {  	p1 =	slt.u32 s9, $0xF7A;
	s5 =	simm.s32 @!p2 $0x0  }
0x1d: {  	s5 =	simm.s32 @p1 $0x1;
	p0 =	seq.s32 s7, s2  }
0x1e: {  	s7 =	smul.u32 @!p0 $0xF7A, s2;
	p2 =	seq.s32 @!p0 s5, $0x0  }
0x1f: {  	s9 =	smul.u32 $0xF7A, s1;
	s8 =	simm.s32 @!p0 $0x1BF5;
	p2 =	por !p2, p0  }
0x20: {  	[sflag:s8] =	ssyncset.s32 @!p0 $0xFFFFF086;
	s6 =	sadd.s32 @!p0 s3, s7;
	s7 =	simm.s32 @!p0 $0x108  }
0x21: {  	s3 =	sadd.s32 s3, s9;
	s6 =	sadd.s32 @!p0 $0x88, s6;
	s7 =	simm.s32 @p2 $0x1082  }
0x22: {  	[simem:s7], [sflag:s8] =	dma.local @!p0 [hbm:s6], $0xF7A  }
0x23: {  	s9 =	sor.u32 $0xD0000000, s2;
	s6 =	simm.s32 $0x108;
	_ =	swait.ge @!p0 [sflag:s8], $0x0  }
0x24: {  	s3 =	sadd.s32 $0x88, s3;
	s6 =	simm.s32 @!p1 $0x1082;
	[sflag:s4] =	ssyncset.s32 $0xFFFFF086  }
0x25: {  	[simem:s6], [sflag:s4] =	dma.local [hbm:s3], $0xF7A  }
0x26: {  	[smem:$0x3F96] =	sst s1;
	(tag) =	ssettag s2;
	_ =	strace s9  }
0x27: {  	s1 =	sld [smem:$0x3FA6]  }
0x28: {  	s2 =	sld [smem:$0x3FA7]  }
0x29: {  	s4 =	sld [smem:$0x3FA9]  }
0x2a: {  	p0 =	seq.s32 s5, $0x0;
	s5 =	sld [smem:$0x3FAA]  }
0x2b: {  	s6 =	sld [smem:$0x3FAB]  }
0x2c: {  	s7 =	sld [smem:$0x3FAC]  }
0x2d: {  	s3 =	simm.s32 $0x108;
	s8 =	sld [smem:$0x3FAD]  }
0x2e: {  	s3 =	simm.s32 @!p0 $0x1082;
	s9 =	sld [smem:$0x3FAE]  }
0x2f: {  	lr =	sadd.s32 s0, s3;
	s0 =	sld [smem:$0x3FA5]  }
0x30: {  	s3 =	sld [smem:$0x3FA8]  }
0x31: {  	[smem:$0x3FB1] =	sst s10  }
0x32: {  	s10 =	sld [smem:$0x3FAF];
	_ =	sdelay $0x3  }
0x33: {  	p0 =	seq.s32 s10, $0x1;
	s10 =	sld [smem:$0x3FB1];
	_ =	sdelay $0x3  }
0x34: {  	[smem:$0x3FB1] =	sst s10  }
0x35: {  	s10 =	sld [smem:$0x3FB0];
	_ =	sdelay $0x3  }
0x36: {  	p1 =	seq.s32 s10, $0x1;
	s10 =	sld [smem:$0x3FB1];
	_ =	sdelay $0x3  }
0x37: {  	[smem:$0x3FB1] =	sst s10  }
0x38: {  	s10 =	sld [smem:$0x3FB2]  }
0x39: {  	_ = 	snop;
	(pc) =	sbr.ind lr, $3  }
0x3a: {  	_ = 	snop  }
0x3b: {  	_ = 	snop  }
0x3c: {  	p2 =	seq.s32 s10, $0x1;
	s10 =	sld [smem:$0x3FB1]  }
0x3d: {  	_ =	shalt  }
0x3e: {  	_ =	shalt  }
0x3f: {  	_ =	shalt  }
0x40: {  	_ =	shalt  }
0x41: {  	_ =	shalt  }
0x42: {  	_ =	shalt  }
0x43: {  	_ =	shalt  }
0x44: {  	_ =	shalt  }
0x45: {  	_ =	shalt  }
0x46: {  	_ =	shalt  }
0x47: {  	_ =	shalt  }
0x48: {  	_ =	shalt  }
0x49: {  	_ =	shalt  }
0x4a: {  	_ =	shalt  }
0x4b: {  	_ =	shalt  }
0x4c: {  	_ =	shalt  }
0x4d: {  	_ =	shalt  }
0x4e: {  	_ =	shalt  }
0x4f: {  	_ =	shalt  }
0x50: {  	_ =	shalt  }
0x51: {  	_ =	shalt  }
0x52: {  	_ =	shalt  }
0x53: {  	_ =	shalt  }
0x54: {  	_ =	shalt  }
0x55: {  	_ =	shalt  }
0x56: {  	_ =	shalt  }
0x57: {  	_ =	shalt  }
0x58: {  	_ =	shalt  }
0x59: {  	_ =	shalt  }
0x5a: {  	_ =	shalt  }
0x5b: {  	_ =	shalt  }
0x5c: {  	_ =	shalt  }
0x5d: {  	_ =	shalt  }
0x5e: {  	_ =	shalt  }
0x5f: {  	_ =	shalt  }
0x60: {  	_ =	shalt  }
0x61: {  	_ =	shalt  }
0x62: {  	_ =	shalt  }
0x63: {  	_ =	shalt  }
0x64: {  	_ =	shalt  }
0x65: {  	_ =	shalt  }
0x66: {  	_ =	shalt  }
0x67: {  	_ =	shalt  }
0x68: {  	_ =	shalt  }
0x69: {  	_ =	shalt  }
0x6a: {  	_ =	shalt  }
0x6b: {  	_ =	shalt  }
0x6c: {  	_ =	shalt  }
0x6d: {  	_ =	shalt  }
0x6e: {  	_ =	shalt  }
0x6f: {  	_ =	shalt  }
0x70: {  	_ =	shalt  }
0x71: {  	_ =	shalt  }
0x72: {  	_ =	shalt  }
0x73: {  	_ =	shalt  }
0x74: {  	_ =	shalt  }
0x75: {  	_ =	shalt  }
0x76: {  	_ =	shalt  }
0x77: {  	_ =	shalt  }
0x78: {  	_ =	shalt  }
0x79: {  	_ =	shalt  }
0x7a: {  	_ =	shalt  }
0x7b: {  	_ =	shalt  }
0x7c: {  	_ =	shalt  }
0x7d: {  	_ =	shalt  }
0x7e: {  	_ =	shalt  }
0x7f: {  	_ =	shalt  }
0x80: {  	_ =	shalt  }
0x81: {  	_ =	shalt  }
0x82: {  	_ =	shalt  }
0x83: {  	_ =	shalt  }
0x84: {  	_ =	shalt  }
0x85: {  	_ =	shalt  }
0x86: {  	_ =	shalt  }
0x87: {  	_ =	shalt  }
.Lfunc_end0:
.L_simem_size_0:
called_computation.2_lowered:
.L_overlay_start_0:
0x88: {  	s2 =	sld [smem:$0x3FD9]  }
0x89: {  	s3 =	sld [smem:$0x3FFE];
	_ =	sdelay $0x1  }
0x8a: {  	s1 =	srdreg.scid  }
0x8b: {  	s0 =	sand.u32 $0x1, s1  }
0x8c: {  	s16 =	sshll.u32 s0, $0xA;
	s2 =	sadd.s32 s3, s2  }
0x8d: {  	s2 =	sadd.s32 s2, s16  }
0x8e: {  	[smem:$0x3FBD] =	sst s2  }
0x8f: {  	_ = 	snop  }
0x90: {  	(tm) =	ssettm $0x1  }
0x91: {  	s17 =	sld [smem:$0x3FFB];
	_ =	sdelay $0x3  }
0x92: {  	_ =	strace s17  }
0x93: {  	s2 =	sld [smem:$0x3FFC];
	_ =	sdelay $0x3  }
0x94: {  	_ =	strace s2  }
0x95: {  	s2 =	sld [smem:$0x3FFD];
	_ =	sdelay $0x3  }
0x96: {  	_ =	strace s2  }
0x97: {  	_ =	strace $0x8FFFFFFF  }
0x98: {  	s18 =	sld [smem:$0x3FDB];
	_ =	sdelay $0x1  }
0x99: {  	s19 =	simm.s32 $_scs_section_size  }
0x9a: {  	s4 =	simm.s32 $_size__tile_overlayer_lowered;
	s5 =	simm.s32 $_tile_overlayer_lowered  }
0x9b: {  	s22 =	simm.s32 $0x1BFF;
	s21 =	sshll.u32 s5, $0x1;
	s2 =	sadd.s32 s19, s18  }
0x9c: {  	s6 =	simm.s32 $0x0;
	s20 =	sshll.u32 s4, $0x1;
	s4 =	sadd.s32 s21, s2  }
0x9d: {  	[timem:s6], [sflag:s22] =	dma.local [hbm:s4], s20  }
0x9e: {  	_ =	swait.ge [sflag:s22], s20  }
0x9f: {  	s3 =	ssub.s32 $0x0, s20;
	[sflag:s22] =	ssyncset.done $0x0  }
0xa0: {  	[sflag:s22] =	ssyncadd.s32 s3;
	_ =	sdelay $0x1  }
0xa1: {  	s23 =	simm.s32 $0x1B8B  }
0xa2: {  	_ =	swait.ge [sflag:s23], $0x1  }
0xa3: {  	[sflag:s23] =	ssyncset.done $0x0  }
0xa4: {  	s25 =	simm.s32 $0x1B8E;
	s24 =	sld [smem:$0x3FFE];
	[sflag:s23] =	ssyncadd.s32 $0xFFFFFFFF  }
0xa5: {  	s26 =	simm.s32 $execute0_lowered;
	[smem:$0x3FD2] =	sst s25  }
0xa6: {  	s4 =	sshll.u32 s26, $0x1;
	_ =	strace $0x8000004C;
	[dreg:$0x1] =	wrdreg $0xFFFFFFFF  }
0xa7: {  	s28 =	simm.s32 $_size_execute0_lowered;
	s2 =	sadd.s32 s2, s4;
	[dreg:$0x0] =	wrdreg $0x0  }
0xa8: {  	s4 =	sshll.u32 s28, $0x1;
	[dreg:$0x2] =	wrdreg s2  }
0xa9: {  	[dreg:$0x3] =	wrdreg s4  }
0xaa: {  	[dreg:$0x4] =	wrdreg $0xC0  }
0xab: {  	_ =	task [dreg:s6], $0x5FFFF  }
0xac: {  	[dreg:$0x1] =	wrdreg $0xFFFFFFFF  }
0xad: {  	[dreg:$0x0] =	wrdreg $0x60  }
0xae: {  	[dreg:$0x2] =	wrdreg s24  }
0xaf: {  	[dreg:$0x3] =	wrdreg $0x140000  }
0xb0: {  	[dreg:$0x4] =	wrdreg $0x9  }
0xb1: {  	_ =	task.clear_ibuf [dreg:s6], $0x5FFFF;
	_ =	strace $0x9000004C  }
0xb2: {  	s29 =	simm.s32 $0x9;
	_ =	strace $0x8000004E  }
0xb3: {  	_ =	swait.ge [sflag:s29], $0x1  }
0xb4: {  	[sflag:s29] =	ssyncadd.s32 $0xFFFFFFFF  }
0xb5: {  	_ =	strace $0x9000004E  }
0xb6: {  	_ =	sfence  }
0xb7: {  	s30 =	sld [smem:$0x0];
	_ =	sdelay $0x2  }
0xb8: {  	s31 =	sshll.u32 s1, $0xD;
	s1 =	sshrl.u32 s1, $0x2  }
0xb9: {  	s3 =	sand.u32 $0x4000, s31;
	s1 =	sadd.s32 s1, s30  }
0xba: {  	s0 =	sor.u32 s3, s0;
	s1 =	sshll.u32 s1, $0x11  }
0xbb: {  	s0 =	sor.u32 s1, s0  }
0xbc: {  	s0 =	sadd.s32 $0x8F2B, s0  }
0xbd: {  	[sflag:s0] =	ssyncadd.remote.s32 $0x1  }
0xbe: {  	_ =	sfence.sel $0xFFFF  }
0xbf: {  	[dreg:$0x0] =	wrdreg $0xFFFFFFFF;
	(pc) =	sbr.abs _section_cstart, $3  }
0xc0: {  	[dreg:$0x1] =	wrdreg $0xFFFFFFFF  }
0xc1: {  	_ =	task.clear_ibuf [dreg:s6], $0x2FFFF;
	_ =	strace $0x9FFFFFFF  }
0xc2: {  	(tm) =	ssettm $0x7FFFFFFF  }
0xc3: {  	_ =	shalt  }
tec
execute0_lowered:
.L_overlay_start_1:
0x0: {  	(tag) =	ssettag $0x1  }
0x1: {  	s0 =	rddreg [dreg:$0x0]  }
0x2: {  	s2 =	rddreg [dreg:$0x1];
	s3 =	simm.s32 $0x0;
	s6 =	stileid.u32  }
0x3: {  	s1 =	srdreg.scid;
	s19 =	simm.s32 $0x5;
	s21 =	simm.s32 $0x80  }
0x4: {  	s22 =	simm.s32 $0xA000;
	s23 =	simm.s32 $0xC000;
	s28 =	simm.s32 $0x10000  }
0x5: {  	s29 =	simm.s32 $0x1;
	s30 =	simm.s32 $0x2;
	s4 =	smul.u32 $0xA00, s6  }
0x6: {  	[smem:$0x7FF] =	sst s3;
	s1 =	sand.u32 $0x1, s1;
	s11 =	smul.u32 $0xA000, s6  }
0x7: {  	s31 =	simm.s32 $0x3;
	_ =	strace $0x8000004D;
	s5 =	smul.u32 $0x13880, s1  }
0x8: {  	s24 =	ssub.s32 $0x2, s1;
	s1 =	smul.u32 $0xA0000, s1;
	s10 =	sadd.s32 s4, s0  }
0x9: {  	s25 =	sshrl.u32 s24, $0x1;
	s13 =	sadd.s32 $0x2000, s11;
	s14 =	sadd.s32 $0x4000, s11  }
0xa: {  	s4 =	sadd.s32 s11, s2;
	s15 =	sadd.s32 $0x6000, s11;
	s16 =	sadd.s32 $0x8000, s11  }
0xb: {  	s12 =	sadd.s32 s5, s0;
	s0 =	sadd.s32 $0x8DE00, s0;
	s17 =	ssub.s32 s24, s25  }
0xc: {  	s5 =	sadd.s32 s13, s2;
	s6 =	sadd.s32 s14, s2;
	s7 =	sadd.s32 s15, s2  }
0xd: {  	s8 =	sadd.s32 s16, s2;
	s9 =	sadd.s32 $0x2200, s10;
	s10 =	sadd.s32 $0xC200, s10  }
0xe: {  	s18 =	sadd.s32 s11, s1;
	s13 =	sadd.s32 s1, s13;
	s14 =	sadd.s32 s1, s14  }
0xf: {  	s15 =	sadd.s32 s1, s15;
	s1 =	sadd.s32 s1, s16;
	s25 =	simm.s32 $0xE000  }
0x10: {  	s11 =	sadd.s32 $0x66C00, s12;
	s26 =	sshrl.u32 s18, $0x3;
	s13 =	sshrl.u32 s13, $0x3  }
0x11: {  	s14 =	sshrl.u32 s14, $0x3;
	s15 =	sshrl.u32 s15, $0x3;
	s1 =	sshrl.u32 s1, $0x3  }
0x12: {  	s17 =	smax.u32 s17, $0x1;
	s18 =	simm.s32 $0x12000;
	s12 =	sadd.s32 s0, s26  }
0x13: {  	s13 =	sadd.s32 s0, s13;
	s14 =	sadd.s32 s0, s14;
	s15 =	sadd.s32 s0, s15  }
0x14: {  	v0 =	vimm.f32 $0.0e+00;
	s16 =	sadd.s32 s0, s1;
	s0 =	simm.s32 $0x4;
	s26 =	simm.s32 $0x9F80  }
.LBB2_1:
0x15: {  	s20 =	simm.s32 $0x100;
	s1 =	simm.s32 $0x0  }
.LBB2_2:
0x16: {  	p0 =	sne.s32 s20, $0x7F00;
	[tilespmem:s1+$0x12030] =	vst v0;
	s24 =	smov.u32 s20;
	s20 =	sadd.s32 $0x100, s20  }
.Ltmp0:
0x17: {  	[tilespmem:s1+$0x12020] =	vst v0;
	(pc) =	sbr.rel @p0 .LBB2_2-.Ltmp0, $3  }
0x18: {  	[tilespmem:s1+$0x12000] =	vst v0  }
0x19: {  	[tilespmem:s1+$0x12010] =	vst v0;
	_ =	sdelay $0x1  }
0x1a: {  	s1 =	sshra.s32 s24, $0x2  }
0x1b: {  	[tilespmem:s1+$0x12030] =	vst v0  }
0x1c: {  	[tilespmem:s1+$0x12020] =	vst v0  }
0x1d: {  	[tilespmem:s1+$0x12000] =	vst v0  }
0x1e: {  	[tilespmem:s1+$0x12010] =	vst v0  }
0x1f: {  	[spmem:s4] =	stream.linear.scatter [tilespmem:s18], [sflag:$0x5], $0x2000, $0x38;
	[tilespmem:$0x1E000] =	vst v63  }
0x20: {  	_ =	swait.ge [sflag:s19], $0x2000  }
0x21: {  	[sflag:s19] =	ssyncset.done $0x0  }
0x22: {  	[sflag:s19] =	ssyncadd.s32 $0xFFFFE000  }
0x23: {  	[spmem:s5] =	stream.linear.scatter [tilespmem:s18], [sflag:$0x5], $0x2000, $0x38;
	[tilespmem:$0x1E000] =	vst v63  }
0x24: {  	_ =	swait.ge [sflag:s19], $0x2000  }
0x25: {  	[sflag:s19] =	ssyncset.done $0x0  }
0x26: {  	[sflag:s19] =	ssyncadd.s32 $0xFFFFE000  }
0x27: {  	[spmem:s6] =	stream.linear.scatter [tilespmem:s18], [sflag:$0x5], $0x2000, $0x38;
	[tilespmem:$0x1E000] =	vst v63  }
0x28: {  	_ =	swait.ge [sflag:s19], $0x2000  }
0x29: {  	[sflag:s19] =	ssyncset.done $0x0  }
0x2a: {  	[sflag:s19] =	ssyncadd.s32 $0xFFFFE000  }
0x2b: {  	[spmem:s7] =	stream.linear.scatter [tilespmem:s18], [sflag:$0x5], $0x2000, $0x38;
	[tilespmem:$0x1E000] =	vst v63  }
0x2c: {  	_ =	swait.ge [sflag:s19], $0x2000  }
0x2d: {  	[sflag:s19] =	ssyncset.done $0x0  }
0x2e: {  	[sflag:s19] =	ssyncadd.s32 $0xFFFFE000  }
0x2f: {  	[spmem:s8] =	stream.linear.scatter [tilespmem:s18], [sflag:$0x5], $0x2000, $0x38;
	[tilespmem:$0x1E000] =	vst v63  }
0x30: {  	_ =	swait.ge [sflag:s19], $0x2000  }
0x31: {  	[sflag:s19] =	ssyncset.done $0x0  }
0x32: {  	s24 =	simm.s32 $0x0;
	[sflag:s19] =	ssyncadd.s32 $0xFFFFE000  }
0x33: {  	[tilespmem:s24], [sflag:$0x5] =	stream.linear.gather [hbm4b:s9+s24], $0x5000, $0x38;
	[tilespmem:$0x1E000] =	vst v63  }
0x34: {  	_ =	swait.ge [sflag:s19], $0x5000  }
0x35: {  	[sflag:s19] =	ssyncset.done $0x0  }
0x36: {  	s20 =	simm.s32 $0x5000;
	[sflag:s19] =	ssyncadd.s32 $0xFFFFB000  }
0x37: {  	[tilespmem:s20], [sflag:$0x5] =	stream.linear.gather [hbm4b:s10+s24], $0x5000, $0x38;
	[tilespmem:$0x1E000] =	vst v63  }
0x38: {  	_ =	swait.ge [sflag:s19], $0x5000  }
0x39: {  	[sflag:s19] =	ssyncset.done $0x0  }
0x3a: {  	[sflag:s19] =	ssyncadd.s32 $0xFFFFB000  }
0x3b: {  	[bflag:$0x0] =	sbarrier.arrive $0xFFFF  }
0x3c: {  	[tilespmem:s22], [sflag:$0x1] =	stream.indirect.gather [hbm4b:s11+s21], $0x40, s24, s21, $0xb8;
	[tilespmem:$0x1E000] =	vst v63  }
0x3d: {  	_ = 	snop  }
0x3e: {  	[tilespmem:s23], [sflag:$0x2] =	stream.indirect.gather [hbm4b:s11+s21], $0x40, s21, s21, $0xb8;
	[tilespmem:$0x1E000] =	vst v63  }
0x3f: {  	s24 =	simm.s32 $0x100  }
0x40: {  	[tilespmem:s25], [sflag:$0x3] =	stream.indirect.gather [hbm4b:s11+s21], $0x40, s24, s21, $0xb8;
	[tilespmem:$0x1E000] =	vst v63  }
0x41: {  	s20 =	simm.s32 $0x180  }
0x42: {  	[tilespmem:s28], [sflag:$0x4] =	stream.indirect.gather [hbm4b:s11+s21], $0x40, s20, s21, $0xb8;
	[tilespmem:$0x1E000] =	vst v63  }
0x43: {  	_ =	swait.ge [sflag:s29], $0x2000  }
0x44: {  	[sflag:s29] =	ssyncset.done $0x0  }
0x45: {  	s24 =	simm.s32 $0x5000;
	[sflag:s29] =	ssyncadd.s32 $0xFFFFE000  }
0x46: {  	[spmem:s2] =	stream.indirect.scatter.add.f32 [tilespmem:s22], [sflag:$0x5], $0x40, s24, s21, $0xb8;
	[tilespmem:$0x1E000] =	vst v63  }
0x47: {  	_ =	swait.ge [sflag:s19], $0x2000  }
0x48: {  	[sflag:s19] =	ssyncset.done $0x0  }
0x49: {  	s20 =	simm.s32 $0x200;
	[sflag:s19] =	ssyncadd.s32 $0xFFFFE000  }
0x4a: {  	[tilespmem:s22], [sflag:$0x1] =	stream.indirect.gather [hbm4b:s11+s21], $0x40, s20, s21, $0xb8;
	[tilespmem:$0x1E000] =	vst v63  }
0x4b: {  	_ =	swait.ge [sflag:s30], $0x2000  }
0x4c: {  	[sflag:s30] =	ssyncset.done $0x0  }
0x4d: {  	s24 =	simm.s32 $0x5080;
	[sflag:s30] =	ssyncadd.s32 $0xFFFFE000  }
0x4e: {  	[spmem:s2] =	stream.indirect.scatter.add.f32 [tilespmem:s23], [sflag:$0x5], $0x40, s24, s21, $0xb8;
	[tilespmem:$0x1E000] =	vst v63  }
0x4f: {  	_ =	swait.ge [sflag:s19], $0x2000  }
0x50: {  	[sflag:s19] =	ssyncset.done $0x0  }
0x51: {  	s20 =	simm.s32 $0x280;
	[sflag:s19] =	ssyncadd.s32 $0xFFFFE000  }
0x52: {  	[tilespmem:s23], [sflag:$0x2] =	stream.indirect.gather [hbm4b:s11+s21], $0x40, s20, s21, $0xb8;
	[tilespmem:$0x1E000] =	vst v63  }
0x53: {  	_ =	swait.ge [sflag:s31], $0x2000  }
0x54: {  	[sflag:s31] =	ssyncset.done $0x0  }
0x55: {  	s24 =	simm.s32 $0x5100;
	[sflag:s31] =	ssyncadd.s32 $0xFFFFE000  }
0x56: {  	[spmem:s2] =	stream.indirect.scatter.add.f32 [tilespmem:s25], [sflag:$0x5], $0x40, s24, s21, $0xb8;
	[tilespmem:$0x1E000] =	vst v63  }
0x57: {  	_ =	swait.ge [sflag:s19], $0x2000  }
0x58: {  	[sflag:s19] =	ssyncset.done $0x0  }
0x59: {  	s20 =	simm.s32 $0x300;
	[sflag:s19] =	ssyncadd.s32 $0xFFFFE000  }
0x5a: {  	[tilespmem:s25], [sflag:$0x3] =	stream.indirect.gather [hbm4b:s11+s21], $0x40, s20, s21, $0xb8;
	[tilespmem:$0x1E000] =	vst v63  }
0x5b: {  	_ =	swait.ge [sflag:s0], $0x2000  }
0x5c: {  	[sflag:s0] =	ssyncset.done $0x0  }
0x5d: {  	s24 =	simm.s32 $0x5180;
	[sflag:s0] =	ssyncadd.s32 $0xFFFFE000  }
0x5e: {  	[spmem:s2] =	stream.indirect.scatter.add.f32 [tilespmem:s28], [sflag:$0x5], $0x40, s24, s21, $0xb8;
	[tilespmem:$0x1E000] =	vst v63  }
0x5f: {  	_ =	swait.ge [sflag:s19], $0x2000  }
0x60: {  	[sflag:s19] =	ssyncset.done $0x0  }
0x61: {  	s1 =	simm.s32 $0x800;
	s20 =	simm.s32 $0x380;
	[sflag:s19] =	ssyncadd.s32 $0xFFFFE000  }
.LBB2_4:
0x62: {  	[tilespmem:s28], [sflag:$0x4] =	stream.indirect.gather [hbm4b:s11+s21], $0x40, s20, s21, $0xb8;
	[tilespmem:$0x1E000] =	vst v63  }
0x63: {  	s20 =	smov.u32 s1  }
0x64: {  	p0 =	sne.s32 s1, $0x13000;
	s1 =	sadd.s32 $0x800, s1;
	_ =	swait.ge [sflag:s29], $0x2000  }
0x65: {  	s20 =	sshra.s32 s20, $0x2;
	[sflag:s29] =	ssyncset.done $0x0  }
0x66: {  	s24 =	sadd.s32 $0x5000, s20;
	[sflag:s29] =	ssyncadd.s32 $0xFFFFE000  }
0x67: {  	[spmem:s2] =	stream.indirect.scatter.add.f32 [tilespmem:s22], [sflag:$0x5], $0x40, s24, s21, $0xb8;
	[tilespmem:$0x1E000] =	vst v63  }
0x68: {  	_ =	swait.ge [sflag:s19], $0x2000  }
0x69: {  	[sflag:s19] =	ssyncset.done $0x0  }
0x6a: {  	s24 =	sadd.s32 $0x200, s20;
	[sflag:s19] =	ssyncadd.s32 $0xFFFFE000  }
0x6b: {  	[tilespmem:s22], [sflag:$0x1] =	stream.indirect.gather [hbm4b:s11+s21], $0x40, s24, s21, $0xb8;
	[tilespmem:$0x1E000] =	vst v63  }
0x6c: {  	_ =	swait.ge [sflag:s30], $0x2000  }
0x6d: {  	[sflag:s30] =	ssyncset.done $0x0  }
0x6e: {  	s24 =	sadd.s32 $0x5080, s20;
	[sflag:s30] =	ssyncadd.s32 $0xFFFFE000  }
0x6f: {  	[spmem:s2] =	stream.indirect.scatter.add.f32 [tilespmem:s23], [sflag:$0x5], $0x40, s24, s21, $0xb8;
	[tilespmem:$0x1E000] =	vst v63  }
0x70: {  	_ =	swait.ge [sflag:s19], $0x2000  }
0x71: {  	[sflag:s19] =	ssyncset.done $0x0  }
0x72: {  	s24 =	sadd.s32 $0x280, s20;
	[sflag:s19] =	ssyncadd.s32 $0xFFFFE000  }
0x73: {  	[tilespmem:s23], [sflag:$0x2] =	stream.indirect.gather [hbm4b:s11+s21], $0x40, s24, s21, $0xb8;
	[tilespmem:$0x1E000] =	vst v63  }
0x74: {  	_ =	swait.ge [sflag:s31], $0x2000  }
0x75: {  	[sflag:s31] =	ssyncset.done $0x0  }
0x76: {  	s24 =	sadd.s32 $0x5100, s20;
	[sflag:s31] =	ssyncadd.s32 $0xFFFFE000  }
0x77: {  	[spmem:s2] =	stream.indirect.scatter.add.f32 [tilespmem:s25], [sflag:$0x5], $0x40, s24, s21, $0xb8;
	[tilespmem:$0x1E000] =	vst v63  }
0x78: {  	_ =	swait.ge [sflag:s19], $0x2000  }
0x79: {  	[sflag:s19] =	ssyncset.done $0x0  }
0x7a: {  	s24 =	sadd.s32 $0x300, s20;
	[sflag:s19] =	ssyncadd.s32 $0xFFFFE000  }
0x7b: {  	[tilespmem:s25], [sflag:$0x3] =	stream.indirect.gather [hbm4b:s11+s21], $0x40, s24, s21, $0xb8;
	[tilespmem:$0x1E000] =	vst v63  }
0x7c: {  	_ =	swait.ge [sflag:s0], $0x2000  }
0x7d: {  	[sflag:s0] =	ssyncset.done $0x0  }
.Ltmp1:
0x7e: {  	s24 =	sadd.s32 $0x5180, s20;
	[sflag:s0] =	ssyncadd.s32 $0xFFFFE000;
	(pc) =	sbr.rel @p0 .LBB2_4-.Ltmp1, $4  }
0x7f: {  	[spmem:s2] =	stream.indirect.scatter.add.f32 [tilespmem:s28], [sflag:$0x5], $0x40, s24, s21, $0xb8;
	[tilespmem:$0x1E000] =	vst v63  }
0x80: {  	_ =	swait.ge [sflag:s19], $0x2000  }
0x81: {  	[sflag:s19] =	ssyncset.done $0x0  }
0x82: {  	s20 =	sadd.s32 $0x380, s20;
	[sflag:s19] =	ssyncadd.s32 $0xFFFFE000  }
0x83: {  	[tilespmem:s28], [sflag:$0x4] =	stream.indirect.gather [hbm4b:s11+s21], $0x40, s20, s21, $0xb8;
	[tilespmem:$0x1E000] =	vst v63  }
0x84: {  	_ =	swait.ge [sflag:s29], $0x2000  }
0x85: {  	[sflag:s29] =	ssyncset.done $0x0  }
0x86: {  	s1 =	simm.s32 $0x9E00;
	[sflag:s29] =	ssyncadd.s32 $0xFFFFE000  }
0x87: {  	[spmem:s2] =	stream.indirect.scatter.add.f32 [tilespmem:s22], [sflag:$0x5], $0x40, s1, s21, $0xb8;
	[tilespmem:$0x1E000] =	vst v63  }
0x88: {  	_ =	swait.ge [sflag:s19], $0x2000  }
0x89: {  	[sflag:s19] =	ssyncset.done $0x0  }
0x8a: {  	[sflag:s19] =	ssyncadd.s32 $0xFFFFE000  }
0x8b: {  	_ =	swait.ge [sflag:s30], $0x2000  }
0x8c: {  	[sflag:s30] =	ssyncset.done $0x0  }
0x8d: {  	s20 =	simm.s32 $0x9E80;
	[sflag:s30] =	ssyncadd.s32 $0xFFFFE000  }
0x8e: {  	[spmem:s2] =	stream.indirect.scatter.add.f32 [tilespmem:s23], [sflag:$0x5], $0x40, s20, s21, $0xb8;
	[tilespmem:$0x1E000] =	vst v63  }
0x8f: {  	_ =	swait.ge [sflag:s19], $0x2000  }
0x90: {  	[sflag:s19] =	ssyncset.done $0x0  }
0x91: {  	[sflag:s19] =	ssyncadd.s32 $0xFFFFE000  }
0x92: {  	_ =	swait.ge [sflag:s31], $0x2000  }
0x93: {  	[sflag:s31] =	ssyncset.done $0x0  }
0x94: {  	s24 =	simm.s32 $0x9F00;
	[sflag:s31] =	ssyncadd.s32 $0xFFFFE000  }
0x95: {  	[spmem:s2] =	stream.indirect.scatter.add.f32 [tilespmem:s25], [sflag:$0x5], $0x40, s24, s21, $0xb8;
	[tilespmem:$0x1E000] =	vst v63  }
0x96: {  	_ =	swait.ge [sflag:s19], $0x2000  }
0x97: {  	[sflag:s19] =	ssyncset.done $0x0  }
0x98: {  	[sflag:s19] =	ssyncadd.s32 $0xFFFFE000  }
0x99: {  	_ =	swait.ge [sflag:s0], $0x2000  }
0x9a: {  	[sflag:s0] =	ssyncset.done $0x0  }
0x9b: {  	[sflag:s0] =	ssyncadd.s32 $0xFFFFE000  }
0x9c: {  	[spmem:s2] =	stream.indirect.scatter.add.f32 [tilespmem:s28], [sflag:$0x5], $0x40, s26, s21, $0xb8;
	[tilespmem:$0x1E000] =	vst v63  }
0x9d: {  	_ =	swait.ge [sflag:s19], $0x2000  }
0x9e: {  	s20 =	stileid.u32;
	[sflag:s19] =	ssyncset.done $0x0  }
0x9f: {  	s1 =	sshll.u32 s20, $0x6;
	[sflag:s19] =	ssyncadd.s32 $0xFFFFE000  }
0xa0: {  	s1 =	sor.u32 $0x1C05, s1;
	s24 =	sshrl.u32 s4, $0x3;
	[bflag:$0x0] =	sbarrier.arrive $0xFFFF  }
0xa1: {  	[hbm:s12], [sflag:s1] =	dma.local [spmem:s24], $0x400  }
0xa2: {  	_ =	swait.ge [sflag:s19], $0x400  }
0xa3: {  	[sflag:s19] =	ssyncset.done $0x0  }
0xa4: {  	s24 =	sshrl.u32 s5, $0x3;
	[sflag:s19] =	ssyncadd.s32 $0xFFFFFC00  }
0xa5: {  	[hbm:s13], [sflag:s1] =	dma.local [spmem:s24], $0x400  }
0xa6: {  	_ =	swait.ge [sflag:s19], $0x400  }
0xa7: {  	[sflag:s19] =	ssyncset.done $0x0  }
0xa8: {  	s24 =	sshrl.u32 s6, $0x3;
	[sflag:s19] =	ssyncadd.s32 $0xFFFFFC00  }
0xa9: {  	[hbm:s14], [sflag:s1] =	dma.local [spmem:s24], $0x400  }
0xaa: {  	_ =	swait.ge [sflag:s19], $0x400  }
0xab: {  	[sflag:s19] =	ssyncset.done $0x0  }
0xac: {  	s24 =	sshrl.u32 s7, $0x3;
	[sflag:s19] =	ssyncadd.s32 $0xFFFFFC00  }
0xad: {  	[hbm:s15], [sflag:s1] =	dma.local [spmem:s24], $0x400  }
0xae: {  	s3 =	sadd.s32 $0x1, s3;
	_ =	swait.ge [sflag:s19], $0x400  }
0xaf: {  	p0 =	sne.s32 s3, s17;
	[sflag:s19] =	ssyncset.done $0x0  }
.Ltmp2:
0xb0: {  	s24 =	sshrl.u32 s8, $0x3;
	[sflag:s19] =	ssyncadd.s32 $0xFFFFFC00;
	(pc) =	sbr.rel @p0 .LBB2_1-.Ltmp2, $4  }
0xb1: {  	[hbm:s16], [sflag:s1] =	dma.local [spmem:s24], $0x400  }
0xb2: {  	_ =	swait.ge [sflag:s19], $0x400  }
0xb3: {  	[sflag:s19] =	ssyncset.done $0x0  }
0xb4: {  	[sflag:s19] =	ssyncadd.s32 $0xFFFFFC00  }
0xb5: {  	_ =	sfence.sel $0x180000  }
0xb6: {  	[bflag:$0x0] =	sbarrier.arrive $0xFFFF  }
0xb7: {  	_ =	strace $0x9000004D  }
0xb8: {  	s0 =	stileid.u32;
	[bflag:$0x2] =	sbarrier.arrive $0xFFFF  }
0xb9: {  	p0 =	sne.s32 s0, $0x0;
	s0 =	rddreg [dreg:$0x2]  }
0xba: {  	s0 =	sadd.s32 @!p0 $0x100000, s0  }
0xbb: {  	[sflag:s0] =	ssyncadd.tile.s32 @!p0 $0x1;
	_ =	shalt  }
.Lfunc_end2:
_tile_overlayer_lowered:
.L_overlay_start_2:
0xbc: {  	(tag) =	ssettag $0x2  }
0xbd: {  	s0 =	rddreg [dreg:$0x0];
	s2 =	stileid.u32  }
0xbe: {  	s1 =	rddreg [dreg:$0x1];
	p0 =	sne.s32 s2, $0x0  }
0xbf: {  	s3 =	rddreg [dreg:$0x2];
	[bflag:$0x3] =	sbarrier.arrive $0xFFFF;
	s2 =	simm.s32 @!p0 $0x1C05  }
0xc0: {  	[timem:s3], [sflag:s2] =	dma.local @!p0 [hbm:s0], s1  }
0xc1: {  	s0 =	simm.s32 @!p0 $0x5  }
0xc2: {  	_ =	swait.ge @!p0 [sflag:s0], s1  }
0xc3: {  	s1 =	ssub.s32 @!p0 $0x0, s1;
	[sflag:s0] =	ssyncset.done @!p0 $0x0  }
0xc4: {  	[sflag:s0] =	ssyncadd.s32 @!p0 s1  }
0xc5: {  	[bflag:$0x3] =	sbarrier.arrive $0xFFFF  }
0xc6: {  	_ =	shalt  }

// kernel: kernel.8.cloned.1.call-start
scs
__scs_entry_jumppad:
0x0: {  	(pc) =	sbr.rel $0x88, $3  }
0x1: {  	(tag) =	ssettag $0x0;
	lr =	simm.s32 $0x1  }
0x2: {  	[smem:$0x3F96] =	sst lr;
	_ =	strace $0xD0000000  }
0x3: {  	_ = 	snop  }
0x4: {  	_ = 	snop  }
0x5: {  	_ = 	snop  }
0x6: {  	_ = 	snop  }
0x7: {  	_ = 	snop  }
__scs_overlays_trampoline_lowered:
0x8: {  	[smem:$0x3FA5] =	sst s0  }
0x9: {  	[smem:$0x3FA6] =	sst s1  }
0xa: {  	[smem:$0x3FA7] =	sst s2  }
0xb: {  	[smem:$0x3FA8] =	sst s3  }
0xc: {  	[smem:$0x3FA9] =	sst s4  }
0xd: {  	[smem:$0x3FAA] =	sst s5  }
0xe: {  	[smem:$0x3FAB] =	sst s6  }
0xf: {  	[smem:$0x3FAC] =	sst s7  }
0x10: {  	[smem:$0x3FAD] =	sst s8  }
0x11: {  	[smem:$0x3FAE] =	sst s9;
	s0 =	simm.s32 @!p0 $0x0  }
0x12: {  	s1 =	sld [smem:$0x3F94];
	s0 =	simm.s32 @p0 $0x1  }
0x13: {  	[smem:$0x3FAF] =	sst s0;
	s0 =	simm.s32 @!p1 $0x0  }
0x14: {  	s2 =	sld [smem:$0x3F93];
	s0 =	simm.s32 @p1 $0x1  }
0x15: {  	[smem:$0x3FB0] =	sst s0;
	s0 =	simm.s32 @!p2 $0x0  }
0x16: {  	s3 =	sld [smem:$0x3FDB];
	s0 =	simm.s32 @p2 $0x1  }
0x17: {  	s4 =	simm.s32 $0x1BF5;
	[smem:$0x3FB2] =	sst s0  }
0x18: {  	s0 =	sld [smem:$0x3F95];
	_ =	swait.ge [sflag:s4], $0x0  }
0x19: {  	s7 =	sld [smem:$0x3F96]  }
0x1a: {  	s8 =	sadd.s32 $0xFFFFE003, lr  }
0x1b: {  	s9 =	sadd.s32 $0xFFFFFEF7, lr;
	s5 =	simm.s32 $0xFFFFFFFF;
	p2 =	slt.u32 s8, $0xFFFFF086  }
0x1c: {  	p1 =	slt.u32 s9, $0xF7A;
	s5 =	simm.s32 @!p2 $0x0  }
0x1d: {  	s5 =	simm.s32 @p1 $0x1;
	p0 =	seq.s32 s7, s2  }
0x1e: {  	s7 =	smul.u32 @!p0 $0xF7A, s2;
	p2 =	seq.s32 @!p0 s5, $0x0  }
0x1f: {  	s9 =	smul.u32 $0xF7A, s1;
	s8 =	simm.s32 @!p0 $0x1BF5;
	p2 =	por !p2, p0  }
0x20: {  	[sflag:s8] =	ssyncset.s32 @!p0 $0xFFFFF086;
	s6 =	sadd.s32 @!p0 s3, s7;
	s7 =	simm.s32 @!p0 $0x108  }
0x21: {  	s3 =	sadd.s32 s3, s9;
	s6 =	sadd.s32 @!p0 $0x88, s6;
	s7 =	simm.s32 @p2 $0x1082  }
0x22: {  	[simem:s7], [sflag:s8] =	dma.local @!p0 [hbm:s6], $0xF7A  }
0x23: {  	s9 =	sor.u32 $0xD0000000, s2;
	s6 =	simm.s32 $0x108;
	_ =	swait.ge @!p0 [sflag:s8], $0x0  }
0x24: {  	s3 =	sadd.s32 $0x88, s3;
	s6 =	simm.s32 @!p1 $0x1082;
	[sflag:s4] =	ssyncset.s32 $0xFFFFF086  }
0x25: {  	[simem:s6], [sflag:s4] =	dma.local [hbm:s3], $0xF7A  }
0x26: {  	[smem:$0x3F96] =	sst s1;
	(tag) =	ssettag s2;
	_ =	strace s9  }
0x27: {  	s1 =	sld [smem:$0x3FA6]  }
0x28: {  	s2 =	sld [smem:$0x3FA7]  }
0x29: {  	s4 =	sld [smem:$0x3FA9]  }
0x2a: {  	p0 =	seq.s32 s5, $0x0;
	s5 =	sld [smem:$0x3FAA]  }
0x2b: {  	s6 =	sld [smem:$0x3FAB]  }
0x2c: {  	s7 =	sld [smem:$0x3FAC]  }
0x2d: {  	s3 =	simm.s32 $0x108;
	s8 =	sld [smem:$0x3FAD]  }
0x2e: {  	s3 =	simm.s32 @!p0 $0x1082;
	s9 =	sld [smem:$0x3FAE]  }
0x2f: {  	lr =	sadd.s32 s0, s3;
	s0 =	sld [smem:$0x3FA5]  }
0x30: {  	s3 =	sld [smem:$0x3FA8]  }
0x31: {  	[smem:$0x3FB1] =	sst s10  }
0x32: {  	s10 =	sld [smem:$0x3FAF];
	_ =	sdelay $0x3  }
0x33: {  	p0 =	seq.s32 s10, $0x1;
	s10 =	sld [smem:$0x3FB1];
	_ =	sdelay $0x3  }
0x34: {  	[smem:$0x3FB1] =	sst s10  }
0x35: {  	s10 =	sld [smem:$0x3FB0];
	_ =	sdelay $0x3  }
0x36: {  	p1 =	seq.s32 s10, $0x1;
	s10 =	sld [smem:$0x3FB1];
	_ =	sdelay $0x3  }
0x37: {  	[smem:$0x3FB1] =	sst s10  }
0x38: {  	s10 =	sld [smem:$0x3FB2]  }
0x39: {  	_ = 	snop;
	(pc) =	sbr.ind lr, $3  }
0x3a: {  	_ = 	snop  }
0x3b: {  	_ = 	snop  }
0x3c: {  	p2 =	seq.s32 s10, $0x1;
	s10 =	sld [smem:$0x3FB1]  }
0x3d: {  	_ =	shalt  }
0x3e: {  	_ =	shalt  }
0x3f: {  	_ =	shalt  }
0x40: {  	_ =	shalt  }
0x41: {  	_ =	shalt  }
0x42: {  	_ =	shalt  }
0x43: {  	_ =	shalt  }
0x44: {  	_ =	shalt  }
0x45: {  	_ =	shalt  }
0x46: {  	_ =	shalt  }
0x47: {  	_ =	shalt  }
0x48: {  	_ =	shalt  }
0x49: {  	_ =	shalt  }
0x4a: {  	_ =	shalt  }
0x4b: {  	_ =	shalt  }
0x4c: {  	_ =	shalt  }
0x4d: {  	_ =	shalt  }
0x4e: {  	_ =	shalt  }
0x4f: {  	_ =	shalt  }
0x50: {  	_ =	shalt  }
0x51: {  	_ =	shalt  }
0x52: {  	_ =	shalt  }
0x53: {  	_ =	shalt  }
0x54: {  	_ =	shalt  }
0x55: {  	_ =	shalt  }
0x56: {  	_ =	shalt  }
0x57: {  	_ =	shalt  }
0x58: {  	_ =	shalt  }
0x59: {  	_ =	shalt  }
0x5a: {  	_ =	shalt  }
0x5b: {  	_ =	shalt  }
0x5c: {  	_ =	shalt  }
0x5d: {  	_ =	shalt  }
0x5e: {  	_ =	shalt  }
0x5f: {  	_ =	shalt  }
0x60: {  	_ =	shalt  }
0x61: {  	_ =	shalt  }
0x62: {  	_ =	shalt  }
0x63: {  	_ =	shalt  }
0x64: {  	_ =	shalt  }
0x65: {  	_ =	shalt  }
0x66: {  	_ =	shalt  }
0x67: {  	_ =	shalt  }
0x68: {  	_ =	shalt  }
0x69: {  	_ =	shalt  }
0x6a: {  	_ =	shalt  }
0x6b: {  	_ =	shalt  }
0x6c: {  	_ =	shalt  }
0x6d: {  	_ =	shalt  }
0x6e: {  	_ =	shalt  }
0x6f: {  	_ =	shalt  }
0x70: {  	_ =	shalt  }
0x71: {  	_ =	shalt  }
0x72: {  	_ =	shalt  }
0x73: {  	_ =	shalt  }
0x74: {  	_ =	shalt  }
0x75: {  	_ =	shalt  }
0x76: {  	_ =	shalt  }
0x77: {  	_ =	shalt  }
0x78: {  	_ =	shalt  }
0x79: {  	_ =	shalt  }
0x7a: {  	_ =	shalt  }
0x7b: {  	_ =	shalt  }
0x7c: {  	_ =	shalt  }
0x7d: {  	_ =	shalt  }
0x7e: {  	_ =	shalt  }
0x7f: {  	_ =	shalt  }
0x80: {  	_ =	shalt  }
0x81: {  	_ =	shalt  }
0x82: {  	_ =	shalt  }
0x83: {  	_ =	shalt  }
0x84: {  	_ =	shalt  }
0x85: {  	_ =	shalt  }
0x86: {  	_ =	shalt  }
0x87: {  	_ =	shalt  }
.Lfunc_end0:
.L_simem_size_0:
called_computation_lowered:
.L_overlay_start_0:
0x88: {  	s2 =	sld [smem:$0x3FD9]  }
0x89: {  	s3 =	sld [smem:$0x3FFE];
	_ =	sdelay $0x1  }
0x8a: {  	s1 =	srdreg.scid  }
0x8b: {  	s0 =	sand.u32 $0x1, s1  }
0x8c: {  	s16 =	sshll.u32 s0, $0xA;
	s2 =	sadd.s32 s3, s2  }
0x8d: {  	s2 =	sadd.s32 s2, s16  }
0x8e: {  	[smem:$0x3FBD] =	sst s2  }
0x8f: {  	_ = 	snop  }
0x90: {  	(tm) =	ssettm $0x1  }
0x91: {  	s17 =	sld [smem:$0x3FFB];
	_ =	sdelay $0x3  }
0x92: {  	_ =	strace s17  }
0x93: {  	s2 =	sld [smem:$0x3FFC];
	_ =	sdelay $0x3  }
0x94: {  	_ =	strace s2  }
0x95: {  	s2 =	sld [smem:$0x3FFD];
	_ =	sdelay $0x3  }
0x96: {  	_ =	strace s2  }
0x97: {  	_ =	strace $0x8FFFFFFF  }
0x98: {  	s18 =	sld [smem:$0x3FDB];
	_ =	sdelay $0x1  }
0x99: {  	s19 =	simm.s32 $_scs_section_size  }
0x9a: {  	s4 =	simm.s32 $_size__tile_overlayer_lowered;
	s5 =	simm.s32 $_tile_overlayer_lowered  }
0x9b: {  	s22 =	simm.s32 $0x1BFF;
	s21 =	sshll.u32 s5, $0x1;
	s2 =	sadd.s32 s19, s18  }
0x9c: {  	s6 =	simm.s32 $0x0;
	s20 =	sshll.u32 s4, $0x1;
	s4 =	sadd.s32 s21, s2  }
0x9d: {  	[timem:s6], [sflag:s22] =	dma.local [hbm:s4], s20  }
0x9e: {  	_ =	swait.ge [sflag:s22], s20  }
0x9f: {  	s3 =	ssub.s32 $0x0, s20;
	[sflag:s22] =	ssyncset.done $0x0  }
0xa0: {  	[sflag:s22] =	ssyncadd.s32 s3;
	_ =	sdelay $0x1  }
0xa1: {  	s23 =	simm.s32 $0x1B8B  }
0xa2: {  	_ =	swait.ge [sflag:s23], $0x1  }
0xa3: {  	[sflag:s23] =	ssyncset.done $0x0  }
0xa4: {  	s25 =	simm.s32 $0x1B8E;
	s24 =	sld [smem:$0x3FFE];
	[sflag:s23] =	ssyncadd.s32 $0xFFFFFFFF  }
0xa5: {  	s26 =	simm.s32 $execute0_lowered;
	[smem:$0x3FD2] =	sst s25  }
0xa6: {  	s4 =	sshll.u32 s26, $0x1;
	_ =	strace $0x80000046;
	[dreg:$0x1] =	wrdreg $0xFFFFFFFF  }
0xa7: {  	s28 =	simm.s32 $_size_execute0_lowered;
	s2 =	sadd.s32 s2, s4;
	[dreg:$0x0] =	wrdreg $0x0  }
0xa8: {  	s4 =	sshll.u32 s28, $0x1;
	[dreg:$0x2] =	wrdreg s2  }
0xa9: {  	[dreg:$0x3] =	wrdreg s4  }
0xaa: {  	[dreg:$0x4] =	wrdreg $0xC0  }
0xab: {  	_ =	task [dreg:s6], $0x5FFFF  }
0xac: {  	[dreg:$0x1] =	wrdreg $0xFFFFFFFF  }
0xad: {  	[dreg:$0x0] =	wrdreg $0x60  }
0xae: {  	[dreg:$0x2] =	wrdreg s24  }
0xaf: {  	[dreg:$0x3] =	wrdreg $0x2B000  }
0xb0: {  	[dreg:$0x4] =	wrdreg $0x9  }
0xb1: {  	_ =	task.clear_ibuf [dreg:s6], $0x5FFFF;
	_ =	strace $0x90000046  }
0xb2: {  	s29 =	simm.s32 $0x9;
	_ =	strace $0x80000048  }
0xb3: {  	_ =	swait.ge [sflag:s29], $0x1  }
0xb4: {  	[sflag:s29] =	ssyncadd.s32 $0xFFFFFFFF  }
0xb5: {  	_ =	strace $0x90000048  }
0xb6: {  	_ =	sfence  }
0xb7: {  	s30 =	sld [smem:$0x0];
	_ =	sdelay $0x2  }
0xb8: {  	s31 =	sshll.u32 s1, $0xD;
	s1 =	sshrl.u32 s1, $0x2  }
0xb9: {  	s3 =	sand.u32 $0x4000, s31;
	s1 =	sadd.s32 s1, s30  }
0xba: {  	s0 =	sor.u32 s3, s0;
	s1 =	sshll.u32 s1, $0x11  }
0xbb: {  	s0 =	sor.u32 s1, s0  }
0xbc: {  	s0 =	sadd.s32 $0x8F2B, s0  }
0xbd: {  	[sflag:s0] =	ssyncadd.remote.s32 $0x1  }
0xbe: {  	_ =	sfence.sel $0xFFFF  }
0xbf: {  	[dreg:$0x0] =	wrdreg $0xFFFFFFFF;
	(pc) =	sbr.abs _section_cstart, $3  }
0xc0: {  	[dreg:$0x1] =	wrdreg $0xFFFFFFFF  }
0xc1: {  	_ =	task.clear_ibuf [dreg:s6], $0x2FFFF;
	_ =	strace $0x9FFFFFFF  }
0xc2: {  	(tm) =	ssettm $0x7FFFFFFF  }
0xc3: {  	_ =	shalt  }
tec
execute0_lowered:
.L_overlay_start_1:
0x0: {  	(tag) =	ssettag $0x1  }
0x1: {  	s4 =	rddreg [dreg:$0x0];
	s0 =	srdreg.scid  }
0x2: {  	s2 =	rddreg [dreg:$0x1];
	s1 =	stileid.u32  }
0x3: {  	s3 =	simm.s32 $0x0;
	s10 =	simm.s32 $0x80;
	s11 =	simm.s32 $0x2800  }
0x4: {  	s14 =	simm.s32 $0x20;
	s15 =	simm.s32 $0x10;
	s16 =	simm.s32 $0x0  }
0x5: {  	s5 =	sand.u32 $0x1, s0;
	s0 =	rddreg [dreg:$0x2];
	s7 =	smul.u32 $0x500, s1  }
0x6: {  	[smem:$0x7FF] =	sst s3;
	s30 =	smul.u32 $0xA00, s1;
	s12 =	sshll.u32 s1, $0x6  }
0x7: {  	s6 =	sshll.u32 s5, $0x4;
	s8 =	sshll.u32 s5, $0x7;
	_ =	strace $0x80000047  }
0x8: {  	s5 =	ssub.s32 $0x2, s5;
	s12 =	sor.u32 $0x1C01, s12;
	s6 =	sor.u32 s1, s6  }
0x9: {  	s7 =	sor.u32 s8, s7;
	s31 =	sshrl.u32 s5, $0x1;
	s6 =	smul.u32 $0x500, s6  }
0xa: {  	s8 =	sshrl.u32 s30, $0x2;
	s7 =	sshrl.u32 s7, $0x3;
	s9 =	ssub.s32 s5, s31  }
0xb: {  	s7 =	sadd.s32 s7, s4;
	s6 =	sadd.s32 s6, s4;
	s4 =	sadd.s32 s8, s2  }
0xc: {  	s8 =	simm.s32 $0x2880;
	s5 =	sadd.s32 $0xC200, s6;
	s6 =	sadd.s32 $0x16200, s7  }
0xd: {  	v0 =	vimm.f32 $1.000000000e+00;
	v1 =	vimm.f32 $0.0e+00;
	s7 =	smax.u32 s9, $0x1;
	s9 =	simm.s32 $0x1;
	s13 =	sshrl.u32 s4, $0x3  }
.LBB2_1:
0xe: {  	[tilespmem:$0x2800] =	vst v0  }
0xf: {  	[tilespmem:$0x2810] =	vst v0  }
0x10: {  	[tilespmem:$0x2820] =	vst v0  }
0x11: {  	[tilespmem:$0x2830] =	vst v0  }
0x12: {  	[tilespmem:$0x2840] =	vst v0  }
0x13: {  	[tilespmem:$0x2850] =	vst v0  }
0x14: {  	[tilespmem:$0x2860] =	vst v0  }
0x15: {  	[tilespmem:$0x2870] =	vst v0  }
0x16: {  	[tilespmem:$0x2880] =	vst v1  }
0x17: {  	[tilespmem:$0x2890] =	vst v1  }
0x18: {  	[tilespmem:$0x28A0] =	vst v1  }
0x19: {  	[tilespmem:$0x28B0] =	vst v1  }
0x1a: {  	[tilespmem:$0x28C0] =	vst v1  }
0x1b: {  	[tilespmem:$0x28D0] =	vst v1  }
0x1c: {  	[tilespmem:$0x28E0] =	vst v1  }
0x1d: {  	[tilespmem:$0x28F0] =	vst v1  }
0x1e: {  	[tilespmem:$0x2900] =	vst v1  }
0x1f: {  	[tilespmem:$0x2910] =	vst v1  }
0x20: {  	[tilespmem:$0x2920] =	vst v1  }
0x21: {  	[tilespmem:$0x2930] =	vst v1  }
0x22: {  	[tilespmem:$0x2940] =	vst v1  }
0x23: {  	[tilespmem:$0x2950] =	vst v1  }
0x24: {  	[tilespmem:$0x2960] =	vst v1  }
0x25: {  	[tilespmem:$0x2970] =	vst v1  }
0x26: {  	[tilespmem:$0x2980] =	vst v1  }
0x27: {  	[tilespmem:$0x2990] =	vst v1  }
0x28: {  	[tilespmem:$0x29A0] =	vst v1  }
0x29: {  	[tilespmem:$0x29B0] =	vst v1  }
0x2a: {  	[tilespmem:$0x29C0] =	vst v1  }
0x2b: {  	[tilespmem:$0x29D0] =	vst v1  }
0x2c: {  	[tilespmem:$0x29E0] =	vst v1  }
0x2d: {  	[tilespmem:$0x29F0] =	vst v1  }
0x2e: {  	[tilespmem:$0x2A00] =	vst v1  }
0x2f: {  	[tilespmem:$0x2A10] =	vst v1  }
0x30: {  	[tilespmem:$0x2A20] =	vst v1  }
0x31: {  	[tilespmem:$0x2A30] =	vst v1  }
0x32: {  	[tilespmem:$0x2A40] =	vst v1  }
0x33: {  	[tilespmem:$0x2A50] =	vst v1  }
0x34: {  	[tilespmem:$0x2A60] =	vst v1  }
0x35: {  	[tilespmem:$0x2A70] =	vst v1  }
0x36: {  	[tilespmem:$0x2A80] =	vst v1  }
0x37: {  	[tilespmem:$0x2A90] =	vst v1  }
0x38: {  	[tilespmem:$0x2AA0] =	vst v1  }
0x39: {  	[tilespmem:$0x2AB0] =	vst v1  }
0x3a: {  	[tilespmem:$0x2AC0] =	vst v1  }
0x3b: {  	[tilespmem:$0x2AD0] =	vst v1  }
0x3c: {  	[tilespmem:$0x2AE0] =	vst v1  }
0x3d: {  	[tilespmem:$0x2AF0] =	vst v1  }
0x3e: {  	[spmem:s4] =	stream.linear.scatter [tilespmem:s8], [sflag:$0x1], $0x280, $0x38;
	[tilespmem:$0x2D80] =	vst v63  }
0x3f: {  	_ =	swait.ge [sflag:s9], $0x280  }
0x40: {  	[sflag:s9] =	ssyncset.done $0x0  }
0x41: {  	[sflag:s9] =	ssyncadd.s32 $0xFFFFFD80  }
0x42: {  	[tilespmem:s3], [sflag:$0x1] =	stream.linear.gather [hbm4b:s5+s3], $0x2800, $0x38;
	[tilespmem:$0x2D80] =	vst v63  }
0x43: {  	_ =	swait.ge [sflag:s9], $0x2800  }
0x44: {  	[sflag:s9] =	ssyncset.done $0x0  }
0x45: {  	[sflag:s9] =	ssyncadd.s32 $0xFFFFD800  }
0x46: {  	s17 =	simm.s32 $0x0;
	[bflag:$0x0] =	sbarrier.arrive $0xFFFF  }
0x47: {  	[spmem:s2] =	stream.indirect.scatter.add.f32 [tilespmem:s11], [sflag:$0x1], $0x1, s17, s10, $0xb8;
	[tilespmem:$0x2D80] =	vst v63  }
0x48: {  	_ =	swait.ge [sflag:s9], $0x80  }
0x49: {  	s17 =	simm.s32 $0x200;
	[sflag:s9] =	ssyncset.done $0x0  }
.LBB2_2:
0x4a: {  	s18 =	sshra.s32 s17, $0x2;
	[sflag:s9] =	ssyncadd.s32 $0xFFFFFF80;
	p0 =	sne.s32 s17, $0x9E00  }
0x4b: {  	[spmem:s2] =	stream.indirect.scatter.add.f32 [tilespmem:s11], [sflag:$0x1], $0x1, s18, s10, $0xb8;
	[tilespmem:$0x2D80] =	vst v63  }
.Ltmp0:
0x4c: {  	_ = 	snop;
	(pc) =	sbr.rel @p0 .LBB2_2-.Ltmp0, $4  }
0x4d: {  	_ = 	snop  }
0x4e: {  	s17 =	sadd.s32 $0x200, s17  }
0x4f: {  	_ =	swait.ge [sflag:s9], $0x80  }
0x50: {  	[sflag:s9] =	ssyncset.done $0x0  }
0x51: {  	s16 =	sadd.s32 $0x1, s16  }
0x52: {  	[sflag:s9] =	ssyncadd.s32 $0xFFFFFF80;
	p0 =	sne.s32 s16, s7  }
.Ltmp1:
0x53: {  	[bflag:$0x0] =	sbarrier.arrive $0xFFFF;
	(pc) =	sbr.rel @p0 .LBB2_1-.Ltmp1, $4  }
0x54: {  	[hbm:s6@s14], [sflag:s12] =	dma.strided [spmem:s13@s15], $0x50, s9, $0x10   }
0x55: {  	_ =	swait.ge [sflag:s9], $0x50  }
0x56: {  	[sflag:s9] =	ssyncset.done $0x0  }
0x57: {  	[sflag:s9] =	ssyncadd.s32 $0xFFFFFFB0  }
0x58: {  	_ =	sfence.sel $0x180000  }
0x59: {  	[bflag:$0x0] =	sbarrier.arrive $0xFFFF  }
0x5a: {  	p0 =	sne.s32 s1, $0x0;
	_ =	strace $0x90000047  }
0x5b: {  	s0 =	sadd.s32 @!p0 $0x100000, s0;
	[bflag:$0x2] =	sbarrier.arrive $0xFFFF  }
0x5c: {  	[sflag:s0] =	ssyncadd.tile.s32 @!p0 $0x1;
	_ =	shalt  }
.Lfunc_end2:
_tile_overlayer_lowered:
.L_overlay_start_2:
0x5d: {  	(tag) =	ssettag $0x2  }
0x5e: {  	s0 =	rddreg [dreg:$0x0];
	s2 =	stileid.u32  }
0x5f: {  	s1 =	rddreg [dreg:$0x1];
	p0 =	sne.s32 s2, $0x0  }
0x60: {  	s3 =	rddreg [dreg:$0x2];
	[bflag:$0x3] =	sbarrier.arrive $0xFFFF;
	s2 =	simm.s32 @!p0 $0x1C01  }
0x61: {  	[timem:s3], [sflag:s2] =	dma.local @!p0 [hbm:s0], s1  }
0x62: {  	s0 =	simm.s32 @!p0 $0x1  }
0x63: {  	_ =	swait.ge @!p0 [sflag:s0], s1  }
0x64: {  	s1 =	ssub.s32 @!p0 $0x0, s1;
	[sflag:s0] =	ssyncset.done @!p0 $0x0  }
0x65: {  	[sflag:s0] =	ssyncadd.s32 @!p0 s1  }
0x66: {  	[bflag:$0x3] =	sbarrier.arrive $0xFFFF  }
0x67: {  	_ =	shalt  }

</sc_bundles>
